<compile_context>
chip_gen: v7x
topology: tpu7x:2x2x1
jax: 0.10.2.dev20260603
libtpu: 0.0.44.dev20260713+nightly
codegen_flags: <defaults>
</compile_context>

<pallas_src>
import functools

import jax
import jax.numpy as jnp
from jax.experimental import pallas as pl
from jax.experimental.pallas import tpu as pltpu
from jax.experimental.pallas import tpu_sc as plsc

T = 1024
D = 768
E = 64
F = 128
BT = 64
P = 5120
G = P // BT
KS = 8
Z_COEF = 1e-3


def _plan_body(x_ref, gw_ref, bias_ref, sgu_ref, sd_ref,
               z_ref, g16_ref, slot_ref, be_ref, shared_ref):
    x = x_ref[...]
    gw = gw_ref[...]
    logits = jax.lax.dot_general(x, gw, (((1,), (1,)), ((), ())),
                                 preferred_element_type=jnp.float32)
    m = jnp.max(logits, axis=1, keepdims=True)
    lse = m + jnp.log(jnp.sum(jnp.exp(logits - m), axis=1, keepdims=True))
    z_ref[...] = (Z_COEF * jnp.mean(lse * lse)).reshape(1, 1)

    affinity = jax.nn.sigmoid(logits)
    scores = affinity + bias_ref[...]
    smax = jnp.max(scores, axis=1, keepdims=True)
    lane = jax.lax.broadcasted_iota(jnp.int32, (T, E), 1)
    sel = jnp.min(jnp.where(scores >= smax, lane, E), axis=1, keepdims=True)
    onehot_b = lane == sel
    onehot = onehot_b.astype(jnp.float32)
    aff_sel = jnp.sum(jnp.where(onehot_b, affinity, 0.0), axis=1, keepdims=True)
    gating = aff_sel / (aff_sel + 1e-9)
    g16_ref[...] = jnp.broadcast_to(gating, (T, 128))

    counts = jnp.sum(onehot, axis=0, keepdims=True)
    r_i = jax.lax.broadcasted_iota(jnp.int32, (T, T), 0)
    c_i = jax.lax.broadcasted_iota(jnp.int32, (T, T), 1)
    tril = (c_i <= r_i).astype(jnp.float32)
    incl = jax.lax.dot_general(tril, onehot, (((1,), (0,)), ((), ())),
                               preferred_element_type=jnp.float32)
    rank = jnp.sum(jnp.where(onehot_b, incl, 0.0), axis=1, keepdims=True) - 1.0
    nb = jnp.floor((counts + (BT - 1)) * (1.0 / BT))
    e_r = jax.lax.broadcasted_iota(jnp.int32, (E, E), 0)
    e_c = jax.lax.broadcasted_iota(jnp.int32, (E, E), 1)
    tril_excl = (e_r < e_c).astype(jnp.float32)
    bstart = jax.lax.dot_general(nb, tril_excl, (((1,), (0,)), ((), ())),
                                 preferred_element_type=jnp.float32)
    bsel = jnp.sum(jnp.where(onehot_b, jnp.broadcast_to(bstart, (T, E)), 0.0),
                   axis=1, keepdims=True)
    slot_ref[...] = (BT * bsel + rank).astype(jnp.int32)

    used = jnp.sum(nb).astype(jnp.int32)
    g_i = jax.lax.broadcasted_iota(jnp.int32, (G, E), 0)
    d = g_i - used
    j_i = jnp.where(d < 0, g_i, g_i - KS * ((d >> int(KS).bit_length() - 1) + 1))
    bstart_i = bstart.astype(jnp.int32)
    be_ref[...] = (jnp.sum((bstart_i <= j_i).astype(jnp.int32), axis=1,
                           keepdims=True) - 1)

    sc = jax.lax.dot_general(x, sgu_ref[...], (((1,), (1,)), ((), ())),
                             preferred_element_type=jnp.float32)
    sg = sc[:, :F]
    su = sc[:, F:]
    h = sg * jax.nn.sigmoid(sg) * su
    shared_ref[...] = jax.lax.dot_general(h, sd_ref[...], (((1,), (1,)), ((), ())),
                                          preferred_element_type=jnp.float32)


_plan_call = pl.pallas_call(
    _plan_body,
    out_shape=(
        jax.ShapeDtypeStruct((1, 1), jnp.float32),
        jax.ShapeDtypeStruct((T, 128), jnp.float32),
        jax.ShapeDtypeStruct((T, 1), jnp.int32),
        jax.ShapeDtypeStruct((G, 1), jnp.int32),
        jax.ShapeDtypeStruct((T, D), jnp.float32),
    ),
)


def _sub_ffn(xb, gua, gub, dna, dnb):
    gate = jax.lax.dot_general(xb, gua[0], (((1,), (1,)), ((), ())),
                               preferred_element_type=jnp.float32)
    up = jax.lax.dot_general(xb, gub[0], (((1,), (1,)), ((), ())),
                             preferred_element_type=jnp.float32)
    h = gate * jax.nn.sigmoid(gate) * up
    oa = jax.lax.dot_general(h, dna[0], (((1,), (1,)), ((), ())),
                             preferred_element_type=jnp.float32)
    ob = jax.lax.dot_general(h, dnb[0], (((1,), (1,)), ((), ())),
                             preferred_element_type=jnp.float32)
    return oa, ob


def _ffn_body(be_ref, xs_ref, *refs):
    wrefs = refs[:-1]
    out_ref = refs[-1]
    xb = xs_ref[...]
    for k in range(KS):
        gua, gub, dna, dnb = wrefs[4 * k : 4 * k + 4]
        oa, ob = _sub_ffn(xb[k * BT : (k + 1) * BT], gua, gub, dna, dnb)
        out_ref[k * BT : (k + 1) * BT, : D // 2] = oa
        out_ref[k * BT : (k + 1) * BT, D // 2 :] = ob


def _wspecs(k):
    return [
        pl.BlockSpec((1, F, D), lambda g, be, k=k: (be[KS * g + k], 0, 0)),
        pl.BlockSpec((1, F, D), lambda g, be, k=k: (be[KS * g + k], 1, 0)),
        pl.BlockSpec((1, D // 2, F), lambda g, be, k=k: (be[KS * g + k], 0, 0)),
        pl.BlockSpec((1, D // 2, F), lambda g, be, k=k: (be[KS * g + k], 1, 0)),
    ]


_ffn_call = pl.pallas_call(
    _ffn_body,
    grid_spec=pltpu.PrefetchScalarGridSpec(
        num_scalar_prefetch=1,
        grid=(G // KS,),
        in_specs=[pl.BlockSpec((KS * BT, D), lambda g, be: (g, 0))]
        + [spec for k in range(KS) for spec in _wspecs(k)],
        out_specs=pl.BlockSpec((KS * BT, D), lambda g, be: (g, 0)),
    ),
    out_shape=jax.ShapeDtypeStruct((P, D), jnp.float32),
)


_NW = 32
_CHUNK = T // _NW


@functools.lru_cache(maxsize=None)
def _sc_calls():
    mesh1 = plsc.VectorSubcoreMesh(core_axis_name="c", subcore_axis_name="s")
    mesh2 = plsc.VectorSubcoreMesh(core_axis_name="c", subcore_axis_name="s")

    @functools.partial(
        pl.kernel,
        mesh=mesh1,
        out_type=jax.ShapeDtypeStruct((P, D), jnp.float32),
        scratch_types=[
            pltpu.VMEM((_CHUNK,), jnp.int32),
            pltpu.VMEM((_CHUNK, D), jnp.float32),
            pltpu.SemaphoreType.DMA,
            pltpu.SemaphoreType.DMA,
        ],
    )
    def _scatter_call(x_hbm, slot_hbm, xs_hbm, slot_v, x_v, sem1, sem2):
        wid = jax.lax.axis_index("s") * 2 + jax.lax.axis_index("c")
        base = wid * _CHUNK
        c1 = pltpu.async_copy(slot_hbm.at[pl.ds(base, _CHUNK)], slot_v, sem1)
        c2 = pltpu.async_copy(x_hbm.at[pl.ds(base, _CHUNK)], x_v, sem2)
        c1.wait()
        c2.wait()
        pltpu.async_copy(x_v, xs_hbm.at[slot_v], sem1).wait()

    @functools.partial(
        pl.kernel,
        mesh=mesh2,
        out_type=jax.ShapeDtypeStruct((T, D), jnp.float32),
        scratch_types=[
            pltpu.VMEM((_CHUNK,), jnp.int32),
            pltpu.VMEM((_CHUNK, D), jnp.float32),
            pltpu.VMEM((_CHUNK, D), jnp.float32),
            pltpu.VMEM((_CHUNK, 128), jnp.float32),
            pltpu.SemaphoreType.DMA,
        ],
    )
    def _combine_call(op_hbm, slot_hbm, shared_hbm, g16_hbm, out_hbm,
                      slot_v, rows_v, sh_v, g_v, sem):
        wid = jax.lax.axis_index("s") * 2 + jax.lax.axis_index("c")
        base = wid * _CHUNK
        pltpu.sync_copy(slot_hbm.at[pl.ds(base, _CHUNK)], slot_v)
        pltpu.sync_copy(shared_hbm.at[pl.ds(base, _CHUNK)], sh_v)
        pltpu.sync_copy(g16_hbm.at[pl.ds(base, _CHUNK)], g_v)
        pltpu.async_copy(op_hbm.at[slot_v], rows_v, sem).wait()

        def body(i, carry):
            gi = g_v[i, pl.ds(0, 16)]
            for j in range(D // 16):
                sl = pl.ds(j * 16, 16)
                rows_v[i, sl] = rows_v[i, sl] * gi + sh_v[i, sl]
            return carry

        jax.lax.fori_loop(0, _CHUNK, body, 0)
        pltpu.sync_copy(rows_v, out_hbm.at[pl.ds(base, _CHUNK)])

    return _scatter_call, _combine_call


def kernel(x, gate_w, expert_bias, gate_up_weight, down_weight,
           shared_gate_up, shared_down):
    z, g16, slot_col, be_col, shared = _plan_call(
        x, gate_w, expert_bias.reshape(1, E), shared_gate_up, shared_down)
    slot = slot_col.reshape(T)
    be = be_col.reshape(G)

    scatter_call, combine_call = _sc_calls()
    xs = scatter_call(x, slot)
    w4 = (gate_up_weight, gate_up_weight, down_weight, down_weight)
    out_padded = _ffn_call(be, xs, *(w4 * KS))
    out = combine_call(out_padded, slot, shared, g16)
    return out, z.reshape(())

# --- scband reference (transcript-rebuilt; emitter-appended) ---
"""Pipeline reference for scband-mo-elayer-12773232738933 (READ-ONLY COPY).

The authoritative reference and input builder live on the scoring server;
editing this copy changes nothing except your own understanding.
"""

import jax, jax.numpy as jnp
import numpy as np

D_MODEL = 768
D_FF = 128
N_EXPERTS = 64
TOP_K = 1
NUM_TOKENS = 1024
Z_LOSS_COEF = 1e-3


def setup_inputs(seed: int = 0) -> dict:
    key = jax.random.key(seed)
    k = jax.random.split(key, 7)
    x = jax.random.normal(k[0], (NUM_TOKENS, D_MODEL), dtype=jnp.float32)
    gate_w = 0.01 * jax.random.normal(k[1], (N_EXPERTS, D_MODEL), dtype=jnp.float32)
    expert_bias = jnp.zeros((N_EXPERTS,), dtype=jnp.float32)
    gate_up_weight = 0.02 * jax.random.normal(k[2], (N_EXPERTS, 2 * D_FF, D_MODEL), dtype=jnp.float32)
    down_weight = 0.02 * jax.random.normal(k[3], (N_EXPERTS, D_MODEL, D_FF), dtype=jnp.float32)
    shared_gate_up = 0.02 * jax.random.normal(k[4], (2 * D_FF, D_MODEL), dtype=jnp.float32)
    shared_down = 0.02 * jax.random.normal(k[5], (D_MODEL, D_FF), dtype=jnp.float32)
    return {
        'x': x,
        'gate_w': gate_w,
        'expert_bias': expert_bias,
        'gate_up_weight': gate_up_weight,
        'down_weight': down_weight,
        'shared_gate_up': shared_gate_up,
        'shared_down': shared_down,
    }


def _moe_forward(x, gate_w, expert_bias, gate_up_weight, down_weight, shared_gate_up, shared_down):
    # --- AuxLossFreeRouter ---
    logits = x @ gate_w.T                                    # [T, E]
    z_loss = Z_LOSS_COEF * jnp.mean(jax.nn.logsumexp(logits, axis=-1) ** 2)
    affinity = jax.nn.sigmoid(logits)
    scores = affinity + expert_bias[None, :]
    _, selected = jax.lax.top_k(scores, TOP_K)               # [T, k] int indices
    sel_aff = jnp.take_along_axis(affinity, selected, axis=1)
    gating = sel_aff / (jnp.sum(sel_aff, axis=-1, keepdims=True) + 1e-9)
    # --- BatchedExperts: per-token expert weight gather + bmm ---
    T = x.shape[0]
    x_rep = jnp.repeat(x, TOP_K, axis=0)                     # [T*k, d_model]
    idx = selected.reshape(-1)                               # [T*k]
    gu_w = jnp.take(gate_up_weight, idx, axis=0)             # [T*k, 2*d_ff, d_model]
    dn_w = jnp.take(down_weight, idx, axis=0)                # [T*k, d_model, d_ff]
    combined = jnp.einsum('td,tfd->tf', x_rep, gu_w)         # bmm(x.unsqueeze(1), W^T)
    gate, up = jnp.split(combined, 2, axis=-1)
    hidden = jax.nn.silu(gate) * up
    expert_out = jnp.einsum('tf,tdf->td', hidden, dn_w)      # [T*k, d_model]
    routed = (expert_out * gating.reshape(-1, 1)).reshape(T, TOP_K, D_MODEL).sum(axis=1)
    # --- Shared SwiGLU expert (always active) ---
    sc = x @ shared_gate_up.T
    sg, su = jnp.split(sc, 2, axis=-1)
    shared = (jax.nn.silu(sg) * su) @ shared_down.T
    return routed + shared, z_loss


def reference(x, gate_w, expert_bias, gate_up_weight, down_weight, shared_gate_up, shared_down):
    out, z_loss = _moe_forward(x, gate_w, expert_bias, gate_up_weight, down_weight, shared_gate_up, shared_down)
    return out, z_loss

if __name__ == "__main__":
    import jax
    _d = setup_inputs()
    print(jax.jit(kernel)(*tuple(_d.values())))

</pallas_src>

<mosaic_0001>
#map = affine_map<(d0, d1) -> (0, 0)>
#map1 = affine_map<(d0, d1) -> (0)>
module attributes {stable_mosaic.version = 14 : i64} {
  func.func @_scatter_call(%arg0: i32, %arg1: i32, %arg2: memref<1024x768xf32, #tpu.memory_space<hbm>>, %arg3: memref<1024xi32, #tpu.memory_space<hbm>>, %arg4: memref<5120x768xf32, #tpu.memory_space<hbm>>, %arg5: memref<32xi32, #tpu.memory_space<vmem>>, %arg6: memref<32x768xf32, #tpu.memory_space<vmem>>, %arg7: memref<!tpu.dma_semaphore, #tpu.memory_space<semaphore_mem>>, %arg8: memref<!tpu.dma_semaphore, #tpu.memory_space<semaphore_mem>>) attributes {dimension_semantics = [#tpu.dimension_semantics<core_parallel>, #tpu.dimension_semantics<subcore_parallel>], iteration_bounds = array<i64: 2, 16>, scalar_prefetch = 0 : i64, scratch_operands = 4 : i64, tpu.core_type = #tpu.core_type<sc_vector_subcore>, window_params = [{transform_indices = #map}, {transform_indices = #map1}, {transform_indices = #map}]} {
    %mul3A = arith.constant 2 : i32
    %mul3A_0 = arith.muli %arg1, %mul3A : i32
    %add3A = arith.addi %mul3A_0, %arg0 : i32
    %mul3A_1 = arith.constant 32 : i32
    %mul3A_2 = arith.muli %add3A, %mul3A_1 : i32
    %dma_start3A = tpu.memref_slice %arg3[%mul3A_2] : memref<1024xi32, #tpu.memory_space<hbm>> -> memref<32xi32, #tpu.memory_space<hbm>>
    %dma_start3A_3 = tpu.memref_slice %arg3[%mul3A_2] : memref<1024xi32, #tpu.memory_space<hbm>> -> memref<32xi32, #tpu.memory_space<hbm>>
    tpu.enqueue_dma source(%dma_start3A_3 : memref<32xi32, #tpu.memory_space<hbm>>) target(%arg5 : memref<32xi32, #tpu.memory_space<vmem>>) target_semaphore(%arg7 : memref<!tpu.dma_semaphore, #tpu.memory_space<semaphore_mem>>)
    %dma_start3A_4 = arith.constant 0 : i32
    %dma_start3A_5 = tpu.memref_slice %arg2[%mul3A_2, %dma_start3A_4] : memref<1024x768xf32, #tpu.memory_space<hbm>> -> memref<32x768xf32, #tpu.memory_space<hbm>>
    %dma_start3A_6 = arith.constant 0 : i32
    %dma_start3A_7 = tpu.memref_slice %arg2[%mul3A_2, %dma_start3A_6] : memref<1024x768xf32, #tpu.memory_space<hbm>> -> memref<32x768xf32, #tpu.memory_space<hbm>>
    tpu.enqueue_dma source(%dma_start3A_7 : memref<32x768xf32, #tpu.memory_space<hbm>>) target(%arg6 : memref<32x768xf32, #tpu.memory_space<vmem>>) target_semaphore(%arg8 : memref<!tpu.dma_semaphore, #tpu.memory_space<semaphore_mem>>)
    %dma_wait3A = tpu.memref_slice %arg3[%mul3A_2] : memref<1024xi32, #tpu.memory_space<hbm>> -> memref<32xi32, #tpu.memory_space<hbm>>
    %dma_wait3A_8 = tpu.memref_slice %arg3[%mul3A_2] : memref<1024xi32, #tpu.memory_space<hbm>> -> memref<32xi32, #tpu.memory_space<hbm>>
    tpu.wait_dma2 semaphore(%arg7 : memref<!tpu.dma_semaphore, #tpu.memory_space<semaphore_mem>>) src(%dma_wait3A_8 : memref<32xi32, #tpu.memory_space<hbm>>) dst(%arg5 : memref<32xi32, #tpu.memory_space<vmem>>)
    %dma_wait3A_9 = arith.constant 0 : i32
    %dma_wait3A_10 = tpu.memref_slice %arg2[%mul3A_2, %dma_wait3A_9] : memref<1024x768xf32, #tpu.memory_space<hbm>> -> memref<32x768xf32, #tpu.memory_space<hbm>>
    %dma_wait3A_11 = arith.constant 0 : i32
    %dma_wait3A_12 = tpu.memref_slice %arg2[%mul3A_2, %dma_wait3A_11] : memref<1024x768xf32, #tpu.memory_space<hbm>> -> memref<32x768xf32, #tpu.memory_space<hbm>>
    tpu.wait_dma2 semaphore(%arg8 : memref<!tpu.dma_semaphore, #tpu.memory_space<semaphore_mem>>) src(%dma_wait3A_12 : memref<32x768xf32, #tpu.memory_space<hbm>>) dst(%arg6 : memref<32x768xf32, #tpu.memory_space<vmem>>)
    %dma_start3A_13 = arith.constant 0 : i32
    %dma_start3A_14 = arith.constant 0 : i32
    %dma_start3A_15 = tpu.memref_slice %arg4[%dma_start3A_13, %dma_start3A_14] : memref<5120x768xf32, #tpu.memory_space<hbm>> -> memref<5120x768xf32, #tpu.memory_space<hbm>>
    tpu.enqueue_indirect_dma source(%arg6 : memref<32x768xf32, #tpu.memory_space<vmem>>) target(%dma_start3A_15 : memref<5120x768xf32, #tpu.memory_space<hbm>>) offsets(%arg5 : memref<32xi32, #tpu.memory_space<vmem>>) semaphore(%arg7 : memref<!tpu.dma_semaphore, #tpu.memory_space<semaphore_mem>>)
    %dma_wait3A_16 = arith.constant 0 : i32
    %dma_wait3A_17 = arith.constant 0 : i32
    %dma_wait3A_18 = tpu.memref_slice %arg4[%dma_wait3A_16, %dma_wait3A_17] : memref<5120x768xf32, #tpu.memory_space<hbm>> -> memref<5120x768xf32, #tpu.memory_space<hbm>>
    tpu.wait_indirect_dma semaphore(%arg7 : memref<!tpu.dma_semaphore, #tpu.memory_space<semaphore_mem>>) src(%arg6 : memref<32x768xf32, #tpu.memory_space<vmem>>) dst(%dma_wait3A_18 : memref<5120x768xf32, #tpu.memory_space<hbm>>)
    return
  }
}

#map = affine_map<(d0, d1) -> (0, 0)>
#map1 = affine_map<(d0, d1) -> (0)>
module attributes {stable_mosaic.version = 14 : i64} {
  func.func @_combine_call(%arg0: i32, %arg1: i32, %arg2: memref<5120x768xf32, #tpu.memory_space<hbm>>, %arg3: memref<1024xi32, #tpu.memory_space<hbm>>, %arg4: memref<1024x768xf32, #tpu.memory_space<hbm>>, %arg5: memref<1024x128xf32, #tpu.memory_space<hbm>>, %arg6: memref<1024x768xf32, #tpu.memory_space<hbm>>, %arg7: memref<32xi32, #tpu.memory_space<vmem>>, %arg8: memref<32x768xf32, #tpu.memory_space<vmem>>, %arg9: memref<32x768xf32, #tpu.memory_space<vmem>>, %arg10: memref<32x128xf32, #tpu.memory_space<vmem>>, %arg11: memref<!tpu.dma_semaphore, #tpu.memory_space<semaphore_mem>>) attributes {dimension_semantics = [#tpu.dimension_semantics<core_parallel>, #tpu.dimension_semantics<subcore_parallel>], iteration_bounds = array<i64: 2, 16>, scalar_prefetch = 0 : i64, scratch_operands = 5 : i64, tpu.core_type = #tpu.core_type<sc_vector_subcore>, window_params = [{transform_indices = #map}, {transform_indices = #map1}, {transform_indices = #map}, {transform_indices = #map}, {transform_indices = #map}]} {
    %mul3A = arith.constant 2 : i32
    %mul3A_0 = arith.muli %arg1, %mul3A : i32
    %add3A = arith.addi %mul3A_0, %arg0 : i32
    %mul3A_1 = arith.constant 32 : i32
    %mul3A_2 = arith.muli %add3A, %mul3A_1 : i32
    "tpu.region"() ({
      %run_scoped3A = tpu.sem_alloc : memref<!tpu.dma_semaphore, #tpu.memory_space<semaphore_mem>>
      %dma_start3A_12 = tpu.memref_slice %arg3[%mul3A_2] : memref<1024xi32, #tpu.memory_space<hbm>> -> memref<32xi32, #tpu.memory_space<hbm>>
      %dma_start3A_13 = tpu.memref_slice %arg3[%mul3A_2] : memref<1024xi32, #tpu.memory_space<hbm>> -> memref<32xi32, #tpu.memory_space<hbm>>
      tpu.enqueue_dma source(%dma_start3A_13 : memref<32xi32, #tpu.memory_space<hbm>>) target(%arg7 : memref<32xi32, #tpu.memory_space<vmem>>) target_semaphore(%run_scoped3A : memref<!tpu.dma_semaphore, #tpu.memory_space<semaphore_mem>>)
      %dma_wait3A_14 = tpu.memref_slice %arg3[%mul3A_2] : memref<1024xi32, #tpu.memory_space<hbm>> -> memref<32xi32, #tpu.memory_space<hbm>>
      %dma_wait3A_15 = tpu.memref_slice %arg3[%mul3A_2] : memref<1024xi32, #tpu.memory_space<hbm>> -> memref<32xi32, #tpu.memory_space<hbm>>
      tpu.wait_dma2 semaphore(%run_scoped3A : memref<!tpu.dma_semaphore, #tpu.memory_space<semaphore_mem>>) src(%dma_wait3A_15 : memref<32xi32, #tpu.memory_space<hbm>>) dst(%arg7 : memref<32xi32, #tpu.memory_space<vmem>>)
      tpu.yield
    }) : () -> ()
    "tpu.region"() ({
      %run_scoped3A = tpu.sem_alloc : memref<!tpu.dma_semaphore, #tpu.memory_space<semaphore_mem>>
      %dma_start3A_12 = arith.constant 0 : i32
      %dma_start3A_13 = tpu.memref_slice %arg4[%mul3A_2, %dma_start3A_12] : memref<1024x768xf32, #tpu.memory_space<hbm>> -> memref<32x768xf32, #tpu.memory_space<hbm>>
      %dma_start3A_14 = arith.constant 0 : i32
      %dma_start3A_15 = tpu.memref_slice %arg4[%mul3A_2, %dma_start3A_14] : memref<1024x768xf32, #tpu.memory_space<hbm>> -> memref<32x768xf32, #tpu.memory_space<hbm>>
      tpu.enqueue_dma source(%dma_start3A_15 : memref<32x768xf32, #tpu.memory_space<hbm>>) target(%arg9 : memref<32x768xf32, #tpu.memory_space<vmem>>) target_semaphore(%run_scoped3A : memref<!tpu.dma_semaphore, #tpu.memory_space<semaphore_mem>>)
      %dma_wait3A_16 = arith.constant 0 : i32
      %dma_wait3A_17 = tpu.memref_slice %arg4[%mul3A_2, %dma_wait3A_16] : memref<1024x768xf32, #tpu.memory_space<hbm>> -> memref<32x768xf32, #tpu.memory_space<hbm>>
      %dma_wait3A_18 = arith.constant 0 : i32
      %dma_wait3A_19 = tpu.memref_slice %arg4[%mul3A_2, %dma_wait3A_18] : memref<1024x768xf32, #tpu.memory_space<hbm>> -> memref<32x768xf32, #tpu.memory_space<hbm>>
      tpu.wait_dma2 semaphore(%run_scoped3A : memref<!tpu.dma_semaphore, #tpu.memory_space<semaphore_mem>>) src(%dma_wait3A_19 : memref<32x768xf32, #tpu.memory_space<hbm>>) dst(%arg9 : memref<32x768xf32, #tpu.memory_space<vmem>>)
      tpu.yield
    }) : () -> ()
    "tpu.region"() ({
      %run_scoped3A = tpu.sem_alloc : memref<!tpu.dma_semaphore, #tpu.memory_space<semaphore_mem>>
      %dma_start3A_12 = arith.constant 0 : i32
      %dma_start3A_13 = tpu.memref_slice %arg5[%mul3A_2, %dma_start3A_12] : memref<1024x128xf32, #tpu.memory_space<hbm>> -> memref<32x128xf32, #tpu.memory_space<hbm>>
      %dma_start3A_14 = arith.constant 0 : i32
      %dma_start3A_15 = tpu.memref_slice %arg5[%mul3A_2, %dma_start3A_14] : memref<1024x128xf32, #tpu.memory_space<hbm>> -> memref<32x128xf32, #tpu.memory_space<hbm>>
      tpu.enqueue_dma source(%dma_start3A_15 : memref<32x128xf32, #tpu.memory_space<hbm>>) target(%arg10 : memref<32x128xf32, #tpu.memory_space<vmem>>) target_semaphore(%run_scoped3A : memref<!tpu.dma_semaphore, #tpu.memory_space<semaphore_mem>>)
      %dma_wait3A_16 = arith.constant 0 : i32
      %dma_wait3A_17 = tpu.memref_slice %arg5[%mul3A_2, %dma_wait3A_16] : memref<1024x128xf32, #tpu.memory_space<hbm>> -> memref<32x128xf32, #tpu.memory_space<hbm>>
      %dma_wait3A_18 = arith.constant 0 : i32
      %dma_wait3A_19 = tpu.memref_slice %arg5[%mul3A_2, %dma_wait3A_18] : memref<1024x128xf32, #tpu.memory_space<hbm>> -> memref<32x128xf32, #tpu.memory_space<hbm>>
      tpu.wait_dma2 semaphore(%run_scoped3A : memref<!tpu.dma_semaphore, #tpu.memory_space<semaphore_mem>>) src(%dma_wait3A_19 : memref<32x128xf32, #tpu.memory_space<hbm>>) dst(%arg10 : memref<32x128xf32, #tpu.memory_space<vmem>>)
      tpu.yield
    }) : () -> ()
    %dma_start3A = arith.constant 0 : i32
    %dma_start3A_3 = arith.constant 0 : i32
    %dma_start3A_4 = tpu.memref_slice %arg2[%dma_start3A, %dma_start3A_3] : memref<5120x768xf32, #tpu.memory_space<hbm>> -> memref<5120x768xf32, #tpu.memory_space<hbm>>
    tpu.enqueue_indirect_dma source(%dma_start3A_4 : memref<5120x768xf32, #tpu.memory_space<hbm>>) target(%arg8 : memref<32x768xf32, #tpu.memory_space<vmem>>) offsets(%arg7 : memref<32xi32, #tpu.memory_space<vmem>>) semaphore(%arg11 : memref<!tpu.dma_semaphore, #tpu.memory_space<semaphore_mem>>)
    %dma_wait3A = arith.constant 0 : i32
    %dma_wait3A_5 = arith.constant 0 : i32
    %dma_wait3A_6 = tpu.memref_slice %arg2[%dma_wait3A, %dma_wait3A_5] : memref<5120x768xf32, #tpu.memory_space<hbm>> -> memref<5120x768xf32, #tpu.memory_space<hbm>>
    tpu.wait_indirect_dma semaphore(%arg11 : memref<!tpu.dma_semaphore, #tpu.memory_space<semaphore_mem>>) src(%dma_wait3A_6 : memref<5120x768xf32, #tpu.memory_space<hbm>>) dst(%arg8 : memref<32x768xf32, #tpu.memory_space<vmem>>)
    %scan3A = arith.constant 0 : i32
    %scan3A_7 = arith.constant 0 : i32
    %scan3A_8 = arith.constant 32 : i32
    %scan3A_9 = arith.addi %scan3A_7, %scan3A_8 : i32
    %scan3A_10 = arith.constant 1 : i32
    scf.for %scan3A_12 = %scan3A_7 to %scan3A_9 step %scan3A_10  : i32 {
      %get3A = arith.index_cast %scan3A_12 : i32 to index
      %get3A_13 = arith.constant 0 : index
      %get3A_14 = tpu.vector_load %arg10[%get3A, %get3A_13] {strides = array<i32>} : memref<32x128xf32, #tpu.memory_space<vmem>>, vector<1x16xf32>,
      %get3A_15 = vector.shape_cast %get3A_14 : vector<1x16xf32> to vector<16xf32>
      %get3A_16 = arith.index_cast %scan3A_12 : i32 to index
      %get3A_17 = arith.constant 0 : index
      %get3A_18 = tpu.vector_load %arg8[%get3A_16, %get3A_17] {strides = array<i32>} : memref<32x768xf32, #tpu.memory_space<vmem>>, vector<1x16xf32>,
      %get3A_19 = vector.shape_cast %get3A_18 : vector<1x16xf32> to vector<16xf32>
      %mul3A_20 = arith.mulf %get3A_19, %get3A_15 : vector<16xf32>
      %get3A_21 = arith.index_cast %scan3A_12 : i32 to index
      %get3A_22 = arith.constant 0 : index
      %get3A_23 = tpu.vector_load %arg9[%get3A_21, %get3A_22] {strides = array<i32>} : memref<32x768xf32, #tpu.memory_space<vmem>>, vector<1x16xf32>,
      %get3A_24 = vector.shape_cast %get3A_23 : vector<1x16xf32> to vector<16xf32>
      %add3A_25 = arith.addf %mul3A_20, %get3A_24 : vector<16xf32>
      %swap3A = arith.index_cast %scan3A_12 : i32 to index
      %swap3A_26 = arith.constant 0 : index
      %swap3A_27 = tpu.vector_load %arg8[%swap3A, %swap3A_26] {strides = array<i32>} : memref<32x768xf32, #tpu.memory_space<vmem>>, vector<1x16xf32>,
      %swap3A_28 = vector.shape_cast %swap3A_27 : vector<1x16xf32> to vector<16xf32>
      %swap3A_29 = vector.shape_cast %add3A_25 : vector<16xf32> to vector<1x16xf32>
      tpu.vector_store %arg8[%swap3A, %swap3A_26], %swap3A_29 {strides = array<i32>} : memref<32x768xf32, #tpu.memory_space<vmem>>, vector<1x16xf32>,
      %get3A_30 = arith.index_cast %scan3A_12 : i32 to index
      %get3A_31 = arith.constant 16 : index
      %get3A_32 = tpu.vector_load %arg8[%get3A_30, %get3A_31] {strides = array<i32>} : memref<32x768xf32, #tpu.memory_space<vmem>>, vector<1x16xf32>,
      %get3A_33 = vector.shape_cast %get3A_32 : vector<1x16xf32> to vector<16xf32>
      %mul3A_34 = arith.mulf %get3A_33, %get3A_15 : vector<16xf32>
      %get3A_35 = arith.index_cast %scan3A_12 : i32 to index
      %get3A_36 = arith.constant 16 : index
      %get3A_37 = tpu.vector_load %arg9[%get3A_35, %get3A_36] {strides = array<i32>} : memref<32x768xf32, #tpu.memory_space<vmem>>, vector<1x16xf32>,
      %get3A_38 = vector.shape_cast %get3A_37 : vector<1x16xf32> to vector<16xf32>
      %add3A_39 = arith.addf %mul3A_34, %get3A_38 : vector<16xf32>
      %swap3A_40 = arith.index_cast %scan3A_12 : i32 to index
      %swap3A_41 = arith.constant 16 : index
      %swap3A_42 = tpu.vector_load %arg8[%swap3A_40, %swap3A_41] {strides = array<i32>} : memref<32x768xf32, #tpu.memory_space<vmem>>, vector<1x16xf32>,
      %swap3A_43 = vector.shape_cast %swap3A_42 : vector<1x16xf32> to vector<16xf32>
      %swap3A_44 = vector.shape_cast %add3A_39 : vector<16xf32> to vector<1x16xf32>
      tpu.vector_store %arg8[%swap3A_40, %swap3A_41], %swap3A_44 {strides = array<i32>} : memref<32x768xf32, #tpu.memory_space<vmem>>, vector<1x16xf32>,
      %get3A_45 = arith.index_cast %scan3A_12 : i32 to index
      %get3A_46 = arith.constant 32 : index
      %get3A_47 = tpu.vector_load %arg8[%get3A_45, %get3A_46] {strides = array<i32>} : memref<32x768xf32, #tpu.memory_space<vmem>>, vector<1x16xf32>,
      %get3A_48 = vector.shape_cast %get3A_47 : vector<1x16xf32> to vector<16xf32>
      %mul3A_49 = arith.mulf %get3A_48, %get3A_15 : vector<16xf32>
      %get3A_50 = arith.index_cast %scan3A_12 : i32 to index
      %get3A_51 = arith.constant 32 : index
      %get3A_52 = tpu.vector_load %arg9[%get3A_50, %get3A_51] {strides = array<i32>} : memref<32x768xf32, #tpu.memory_space<vmem>>, vector<1x16xf32>,
      %get3A_53 = vector.shape_cast %get3A_52 : vector<1x16xf32> to vector<16xf32>
      %add3A_54 = arith.addf %mul3A_49, %get3A_53 : vector<16xf32>
      %swap3A_55 = arith.index_cast %scan3A_12 : i32 to index
      %swap3A_56 = arith.constant 32 : index
      %swap3A_57 = tpu.vector_load %arg8[%swap3A_55, %swap3A_56] {strides = array<i32>} : memref<32x768xf32, #tpu.memory_space<vmem>>, vector<1x16xf32>,
      %swap3A_58 = vector.shape_cast %swap3A_57 : vector<1x16xf32> to vector<16xf32>
      %swap3A_59 = vector.shape_cast %add3A_54 : vector<16xf32> to vector<1x16xf32>
      tpu.vector_store %arg8[%swap3A_55, %swap3A_56], %swap3A_59 {strides = array<i32>} : memref<32x768xf32, #tpu.memory_space<vmem>>, vector<1x16xf32>,
      %get3A_60 = arith.index_cast %scan3A_12 : i32 to index
      %get3A_61 = arith.constant 48 : index
      %get3A_62 = tpu.vector_load %arg8[%get3A_60, %get3A_61] {strides = array<i32>} : memref<32x768xf32, #tpu.memory_space<vmem>>, vector<1x16xf32>,
      %get3A_63 = vector.shape_cast %get3A_62 : vector<1x16xf32> to vector<16xf32>
      %mul3A_64 = arith.mulf %get3A_63, %get3A_15 : vector<16xf32>
      %get3A_65 = arith.index_cast %scan3A_12 : i32 to index
      %get3A_66 = arith.constant 48 : index
      %get3A_67 = tpu.vector_load %arg9[%get3A_65, %get3A_66] {strides = array<i32>} : memref<32x768xf32, #tpu.memory_space<vmem>>, vector<1x16xf32>,
      %get3A_68 = vector.shape_cast %get3A_67 : vector<1x16xf32> to vector<16xf32>
      %add3A_69 = arith.addf %mul3A_64, %get3A_68 : vector<16xf32>
      %swap3A_70 = arith.index_cast %scan3A_12 : i32 to index
      %swap3A_71 = arith.constant 48 : index
      %swap3A_72 = tpu.vector_load %arg8[%swap3A_70, %swap3A_71] {strides = array<i32>} : memref<32x768xf32, #tpu.memory_space<vmem>>, vector<1x16xf32>,
      %swap3A_73 = vector.shape_cast %swap3A_72 : vector<1x16xf32> to vector<16xf32>
      %swap3A_74 = vector.shape_cast %add3A_69 : vector<16xf32> to vector<1x16xf32>
      tpu.vector_store %arg8[%swap3A_70, %swap3A_71], %swap3A_74 {strides = array<i32>} : memref<32x768xf32, #tpu.memory_space<vmem>>, vector<1x16xf32>,
      %get3A_75 = arith.index_cast %scan3A_12 : i32 to index
      %get3A_76 = arith.constant 64 : index
      %get3A_77 = tpu.vector_load %arg8[%get3A_75, %get3A_76] {strides = array<i32>} : memref<32x768xf32, #tpu.memory_space<vmem>>, vector<1x16xf32>,
      %get3A_78 = vector.shape_cast %get3A_77 : vector<1x16xf32> to vector<16xf32>
      %mul3A_79 = arith.mulf %get3A_78, %get3A_15 : vector<16xf32>
      %get3A_80 = arith.index_cast %scan3A_12 : i32 to index
      %get3A_81 = arith.constant 64 : index
      %get3A_82 = tpu.vector_load %arg9[%get3A_80, %get3A_81] {strides = array<i32>} : memref<32x768xf32, #tpu.memory_space<vmem>>, vector<1x16xf32>,
      %get3A_83 = vector.shape_cast %get3A_82 : vector<1x16xf32> to vector<16xf32>
      %add3A_84 = arith.addf %mul3A_79, %get3A_83 : vector<16xf32>
      %swap3A_85 = arith.index_cast %scan3A_12 : i32 to index
      %swap3A_86 = arith.constant 64 : index
      %swap3A_87 = tpu.vector_load %arg8[%swap3A_85, %swap3A_86] {strides = array<i32>} : memref<32x768xf32, #tpu.memory_space<vmem>>, vector<1x16xf32>,
      %swap3A_88 = vector.shape_cast %swap3A_87 : vector<1x16xf32> to vector<16xf32>
      %swap3A_89 = vector.shape_cast %add3A_84 : vector<16xf32> to vector<1x16xf32>
      tpu.vector_store %arg8[%swap3A_85, %swap3A_86], %swap3A_89 {strides = array<i32>} : memref<32x768xf32, #tpu.memory_space<vmem>>, vector<1x16xf32>,
      %get3A_90 = arith.index_cast %scan3A_12 : i32 to index
      %get3A_91 = arith.constant 80 : index
      %get3A_92 = tpu.vector_load %arg8[%get3A_90, %get3A_91] {strides = array<i32>} : memref<32x768xf32, #tpu.memory_space<vmem>>, vector<1x16xf32>,
      %get3A_93 = vector.shape_cast %get3A_92 : vector<1x16xf32> to vector<16xf32>
      %mul3A_94 = arith.mulf %get3A_93, %get3A_15 : vector<16xf32>
      %get3A_95 = arith.index_cast %scan3A_12 : i32 to index
      %get3A_96 = arith.constant 80 : index
      %get3A_97 = tpu.vector_load %arg9[%get3A_95, %get3A_96] {strides = array<i32>} : memref<32x768xf32, #tpu.memory_space<vmem>>, vector<1x16xf32>,
      %get3A_98 = vector.shape_cast %get3A_97 : vector<1x16xf32> to vector<16xf32>
      %add3A_99 = arith.addf %mul3A_94, %get3A_98 : vector<16xf32>
      %swap3A_100 = arith.index_cast %scan3A_12 : i32 to index
      %swap3A_101 = arith.constant 80 : index
      %swap3A_102 = tpu.vector_load %arg8[%swap3A_100, %swap3A_101] {strides = array<i32>} : memref<32x768xf32, #tpu.memory_space<vmem>>, vector<1x16xf32>,
      %swap3A_103 = vector.shape_cast %swap3A_102 : vector<1x16xf32> to vector<16xf32>
      %swap3A_104 = vector.shape_cast %add3A_99 : vector<16xf32> to vector<1x16xf32>
      tpu.vector_store %arg8[%swap3A_100, %swap3A_101], %swap3A_104 {strides = array<i32>} : memref<32x768xf32, #tpu.memory_space<vmem>>, vector<1x16xf32>,
      %get3A_105 = arith.index_cast %scan3A_12 : i32 to index
      %get3A_106 = arith.constant 96 : index
      %get3A_107 = tpu.vector_load %arg8[%get3A_105, %get3A_106] {strides = array<i32>} : memref<32x768xf32, #tpu.memory_space<vmem>>, vector<1x16xf32>,
      %get3A_108 = vector.shape_cast %get3A_107 : vector<1x16xf32> to vector<16xf32>
      %mul3A_109 = arith.mulf %get3A_108, %get3A_15 : vector<16xf32>
      %get3A_110 = arith.index_cast %scan3A_12 : i32 to index
      %get3A_111 = arith.constant 96 : index
      %get3A_112 = tpu.vector_load %arg9[%get3A_110, %get3A_111] {strides = array<i32>} : memref<32x768xf32, #tpu.memory_space<vmem>>, vector<1x16xf32>,
      %get3A_113 = vector.shape_cast %get3A_112 : vector<1x16xf32> to vector<16xf32>
      %add3A_114 = arith.addf %mul3A_109, %get3A_113 : vector<16xf32>
      %swap3A_115 = arith.index_cast %scan3A_12 : i32 to index
      %swap3A_116 = arith.constant 96 : index
      %swap3A_117 = tpu.vector_load %arg8[%swap3A_115, %swap3A_116] {strides = array<i32>} : memref<32x768xf32, #tpu.memory_space<vmem>>, vector<1x16xf32>,
      %swap3A_118 = vector.shape_cast %swap3A_117 : vector<1x16xf32> to vector<16xf32>
      %swap3A_119 = vector.shape_cast %add3A_114 : vector<16xf32> to vector<1x16xf32>
      tpu.vector_store %arg8[%swap3A_115, %swap3A_116], %swap3A_119 {strides = array<i32>} : memref<32x768xf32, #tpu.memory_space<vmem>>, vector<1x16xf32>,
      %get3A_120 = arith.index_cast %scan3A_12 : i32 to index
      %get3A_121 = arith.constant 112 : index
      %get3A_122 = tpu.vector_load %arg8[%get3A_120, %get3A_121] {strides = array<i32>} : memref<32x768xf32, #tpu.memory_space<vmem>>, vector<1x16xf32>,
      %get3A_123 = vector.shape_cast %get3A_122 : vector<1x16xf32> to vector<16xf32>
      %mul3A_124 = arith.mulf %get3A_123, %get3A_15 : vector<16xf32>
      %get3A_125 = arith.index_cast %scan3A_12 : i32 to index
      %get3A_126 = arith.constant 112 : index
      %get3A_127 = tpu.vector_load %arg9[%get3A_125, %get3A_126] {strides = array<i32>} : memref<32x768xf32, #tpu.memory_space<vmem>>, vector<1x16xf32>,
      %get3A_128 = vector.shape_cast %get3A_127 : vector<1x16xf32> to vector<16xf32>
      %add3A_129 = arith.addf %mul3A_124, %get3A_128 : vector<16xf32>
      %swap3A_130 = arith.index_cast %scan3A_12 : i32 to index
      %swap3A_131 = arith.constant 112 : index
      %swap3A_132 = tpu.vector_load %arg8[%swap3A_130, %swap3A_131] {strides = array<i32>} : memref<32x768xf32, #tpu.memory_space<vmem>>, vector<1x16xf32>,
      %swap3A_133 = vector.shape_cast %swap3A_132 : vector<1x16xf32> to vector<16xf32>
      %swap3A_134 = vector.shape_cast %add3A_129 : vector<16xf32> to vector<1x16xf32>
      tpu.vector_store %arg8[%swap3A_130, %swap3A_131], %swap3A_134 {strides = array<i32>} : memref<32x768xf32, #tpu.memory_space<vmem>>, vector<1x16xf32>,
      %get3A_135 = arith.index_cast %scan3A_12 : i32 to index
      %get3A_136 = arith.constant 128 : index
      %get3A_137 = tpu.vector_load %arg8[%get3A_135, %get3A_136] {strides = array<i32>} : memref<32x768xf32, #tpu.memory_space<vmem>>, vector<1x16xf32>,
      %get3A_138 = vector.shape_cast %get3A_137 : vector<1x16xf32> to vector<16xf32>
      %mul3A_139 = arith.mulf %get3A_138, %get3A_15 : vector<16xf32>
      %get3A_140 = arith.index_cast %scan3A_12 : i32 to index
      %get3A_141 = arith.constant 128 : index
      %get3A_142 = tpu.vector_load %arg9[%get3A_140, %get3A_141] {strides = array<i32>} : memref<32x768xf32, #tpu.memory_space<vmem>>, vector<1x16xf32>,
      %get3A_143 = vector.shape_cast %get3A_142 : vector<1x16xf32> to vector<16xf32>
      %add3A_144 = arith.addf %mul3A_139, %get3A_143 : vector<16xf32>
      %swap3A_145 = arith.index_cast %scan3A_12 : i32 to index
      %swap3A_146 = arith.constant 128 : index
      %swap3A_147 = tpu.vector_load %arg8[%swap3A_145, %swap3A_146] {strides = array<i32>} : memref<32x768xf32, #tpu.memory_space<vmem>>, vector<1x16xf32>,
      %swap3A_148 = vector.shape_cast %swap3A_147 : vector<1x16xf32> to vector<16xf32>
      %swap3A_149 = vector.shape_cast %add3A_144 : vector<16xf32> to vector<1x16xf32>
      tpu.vector_store %arg8[%swap3A_145, %swap3A_146], %swap3A_149 {strides = array<i32>} : memref<32x768xf32, #tpu.memory_space<vmem>>, vector<1x16xf32>,
      %get3A_150 = arith.index_cast %scan3A_12 : i32 to index
      %get3A_151 = arith.constant 144 : index
      %get3A_152 = tpu.vector_load %arg8[%get3A_150, %get3A_151] {strides = array<i32>} : memref<32x768xf32, #tpu.memory_space<vmem>>, vector<1x16xf32>,
      %get3A_153 = vector.shape_cast %get3A_152 : vector<1x16xf32> to vector<16xf32>
      %mul3A_154 = arith.mulf %get3A_153, %get3A_15 : vector<16xf32>
      %get3A_155 = arith.index_cast %scan3A_12 : i32 to index
      %get3A_156 = arith.constant 144 : index
      %get3A_157 = tpu.vector_load %arg9[%get3A_155, %get3A_156] {strides = array<i32>} : memref<32x768xf32, #tpu.memory_space<vmem>>, vector<1x16xf32>,
      %get3A_158 = vector.shape_cast %get3A_157 : vector<1x16xf32> to vector<16xf32>
      %add3A_159 = arith.addf %mul3A_154, %get3A_158 : vector<16xf32>
      %swap3A_160 = arith.index_cast %scan3A_12 : i32 to index
      %swap3A_161 = arith.constant 144 : index
      %swap3A_162 = tpu.vector_load %arg8[%swap3A_160, %swap3A_161] {strides = array<i32>} : memref<32x768xf32, #tpu.memory_space<vmem>>, vector<1x16xf32>,
      %swap3A_163 = vector.shape_cast %swap3A_162 : vector<1x16xf32> to vector<16xf32>
      %swap3A_164 = vector.shape_cast %add3A_159 : vector<16xf32> to vector<1x16xf32>
      tpu.vector_store %arg8[%swap3A_160, %swap3A_161], %swap3A_164 {strides = array<i32>} : memref<32x768xf32, #tpu.memory_space<vmem>>, vector<1x16xf32>,
      %get3A_165 = arith.index_cast %scan3A_12 : i32 to index
      %get3A_166 = arith.constant 160 : index
      %get3A_167 = tpu.vector_load %arg8[%get3A_165, %get3A_166] {strides = array<i32>} : memref<32x768xf32, #tpu.memory_space<vmem>>, vector<1x16xf32>,
      %get3A_168 = vector.shape_cast %get3A_167 : vector<1x16xf32> to vector<16xf32>
      %mul3A_169 = arith.mulf %get3A_168, %get3A_15 : vector<16xf32>
      %get3A_170 = arith.index_cast %scan3A_12 : i32 to index
      %get3A_171 = arith.constant 160 : index
      %get3A_172 = tpu.vector_load %arg9[%get3A_170, %get3A_171] {strides = array<i32>} : memref<32x768xf32, #tpu.memory_space<vmem>>, vector<1x16xf32>,
      %get3A_173 = vector.shape_cast %get3A_172 : vector<1x16xf32> to vector<16xf32>
      %add3A_174 = arith.addf %mul3A_169, %get3A_173 : vector<16xf32>
      %swap3A_175 = arith.index_cast %scan3A_12 : i32 to index
      %swap3A_176 = arith.constant 160 : index
      %swap3A_177 = tpu.vector_load %arg8[%swap3A_175, %swap3A_176] {strides = array<i32>} : memref<32x768xf32, #tpu.memory_space<vmem>>, vector<1x16xf32>,
      %swap3A_178 = vector.shape_cast %swap3A_177 : vector<1x16xf32> to vector<16xf32>
      %swap3A_179 = vector.shape_cast %add3A_174 : vector<16xf32> to vector<1x16xf32>
      tpu.vector_store %arg8[%swap3A_175, %swap3A_176], %swap3A_179 {strides = array<i32>} : memref<32x768xf32, #tpu.memory_space<vmem>>, vector<1x16xf32>,
      %get3A_180 = arith.index_cast %scan3A_12 : i32 to index
      %get3A_181 = arith.constant 176 : index
      %get3A_182 = tpu.vector_load %arg8[%get3A_180, %get3A_181] {strides = array<i32>} : memref<32x768xf32, #tpu.memory_space<vmem>>, vector<1x16xf32>,
      %get3A_183 = vector.shape_cast %get3A_182 : vector<1x16xf32> to vector<16xf32>
      %mul3A_184 = arith.mulf %get3A_183, %get3A_15 : vector<16xf32>
      %get3A_185 = arith.index_cast %scan3A_12 : i32 to index
      %get3A_186 = arith.constant 176 : index
      %get3A_187 = tpu.vector_load %arg9[%get3A_185, %get3A_186] {strides = array<i32>} : memref<32x768xf32, #tpu.memory_space<vmem>>, vector<1x16xf32>,
      %get3A_188 = vector.shape_cast %get3A_187 : vector<1x16xf32> to vector<16xf32>
      %add3A_189 = arith.addf %mul3A_184, %get3A_188 : vector<16xf32>
      %swap3A_190 = arith.index_cast %scan3A_12 : i32 to index
      %swap3A_191 = arith.constant 176 : index
      %swap3A_192 = tpu.vector_load %arg8[%swap3A_190, %swap3A_191] {strides = array<i32>} : memref<32x768xf32, #tpu.memory_space<vmem>>, vector<1x16xf32>,
      %swap3A_193 = vector.shape_cast %swap3A_192 : vector<1x16xf32> to vector<16xf32>
      %swap3A_194 = vector.shape_cast %add3A_189 : vector<16xf32> to vector<1x16xf32>
      tpu.vector_store %arg8[%swap3A_190, %swap3A_191], %swap3A_194 {strides = array<i32>} : memref<32x768xf32, #tpu.memory_space<vmem>>, vector<1x16xf32>,
      %get3A_195 = arith.index_cast %scan3A_12 : i32 to index
      %get3A_196 = arith.constant 192 : index
      %get3A_197 = tpu.vector_load %arg8[%get3A_195, %get3A_196] {strides = array<i32>} : memref<32x768xf32, #tpu.memory_space<vmem>>, vector<1x16xf32>,
      %get3A_198 = vector.shape_cast %get3A_197 : vector<1x16xf32> to vector<16xf32>
      %mul3A_199 = arith.mulf %get3A_198, %get3A_15 : vector<16xf32>
      %get3A_200 = arith.index_cast %scan3A_12 : i32 to index
      %get3A_201 = arith.constant 192 : index
      %get3A_202 = tpu.vector_load %arg9[%get3A_200, %get3A_201] {strides = array<i32>} : memref<32x768xf32, #tpu.memory_space<vmem>>, vector<1x16xf32>,
      %get3A_203 = vector.shape_cast %get3A_202 : vector<1x16xf32> to vector<16xf32>
      %add3A_204 = arith.addf %mul3A_199, %get3A_203 : vector<16xf32>
      %swap3A_205 = arith.index_cast %scan3A_12 : i32 to index
      %swap3A_206 = arith.constant 192 : index
      %swap3A_207 = tpu.vector_load %arg8[%swap3A_205, %swap3A_206] {strides = array<i32>} : memref<32x768xf32, #tpu.memory_space<vmem>>, vector<1x16xf32>,
      %swap3A_208 = vector.shape_cast %swap3A_207 : vector<1x16xf32> to vector<16xf32>
      %swap3A_209 = vector.shape_cast %add3A_204 : vector<16xf32> to vector<1x16xf32>
      tpu.vector_store %arg8[%swap3A_205, %swap3A_206], %swap3A_209 {strides = array<i32>} : memref<32x768xf32, #tpu.memory_space<vmem>>, vector<1x16xf32>,
      %get3A_210 = arith.index_cast %scan3A_12 : i32 to index
      %get3A_211 = arith.constant 208 : index
      %get3A_212 = tpu.vector_load %arg8[%get3A_210, %get3A_211] {strides = array<i32>} : memref<32x768xf32, #tpu.memory_space<vmem>>, vector<1x16xf32>,
      %get3A_213 = vector.shape_cast %get3A_212 : vector<1x16xf32> to vector<16xf32>
      %mul3A_214 = arith.mulf %get3A_213, %get3A_15 : vector<16xf32>
      %get3A_215 = arith.index_cast %scan3A_12 : i32 to index
      %get3A_216 = arith.constant 208 : index
      %get3A_217 = tpu.vector_load %arg9[%get3A_215, %get3A_216] {strides = array<i32>} : memref<32x768xf32, #tpu.memory_space<vmem>>, vector<1x16xf32>,
      %get3A_218 = vector.shape_cast %get3A_217 : vector<1x16xf32> to vector<16xf32>
      %add3A_219 = arith.addf %mul3A_214, %get3A_218 : vector<16xf32>
      %swap3A_220 = arith.index_cast %scan3A_12 : i32 to index
      %swap3A_221 = arith.constant 208 : index
      %swap3A_222 = tpu.vector_load %arg8[%swap3A_220, %swap3A_221] {strides = array<i32>} : memref<32x768xf32, #tpu.memory_space<vmem>>, vector<1x16xf32>,
      %swap3A_223 = vector.shape_cast %swap3A_222 : vector<1x16xf32> to vector<16xf32>
      %swap3A_224 = vector.shape_cast %add3A_219 : vector<16xf32> to vector<1x16xf32>
      tpu.vector_store %arg8[%swap3A_220, %swap3A_221], %swap3A_224 {strides = array<i32>} : memref<32x768xf32, #tpu.memory_space<vmem>>, vector<1x16xf32>,
      %get3A_225 = arith.index_cast %scan3A_12 : i32 to index
      %get3A_226 = arith.constant 224 : index
      %get3A_227 = tpu.vector_load %arg8[%get3A_225, %get3A_226] {strides = array<i32>} : memref<32x768xf32, #tpu.memory_space<vmem>>, vector<1x16xf32>,
      %get3A_228 = vector.shape_cast %get3A_227 : vector<1x16xf32> to vector<16xf32>
      %mul3A_229 = arith.mulf %get3A_228, %get3A_15 : vector<16xf32>
      %get3A_230 = arith.index_cast %scan3A_12 : i32 to index
      %get3A_231 = arith.constant 224 : index
      %get3A_232 = tpu.vector_load %arg9[%get3A_230, %get3A_231] {strides = array<i32>} : memref<32x768xf32, #tpu.memory_space<vmem>>, vector<1x16xf32>,
      %get3A_233 = vector.shape_cast %get3A_232 : vector<1x16xf32> to vector<16xf32>
      %add3A_234 = arith.addf %mul3A_229, %get3A_233 : vector<16xf32>
      %swap3A_235 = arith.index_cast %scan3A_12 : i32 to index
      %swap3A_236 = arith.constant 224 : index
      %swap3A_237 = tpu.vector_load %arg8[%swap3A_235, %swap3A_236] {strides = array<i32>} : memref<32x768xf32, #tpu.memory_space<vmem>>, vector<1x16xf32>,
      %swap3A_238 = vector.shape_cast %swap3A_237 : vector<1x16xf32> to vector<16xf32>
      %swap3A_239 = vector.shape_cast %add3A_234 : vector<16xf32> to vector<1x16xf32>
      tpu.vector_store %arg8[%swap3A_235, %swap3A_236], %swap3A_239 {strides = array<i32>} : memref<32x768xf32, #tpu.memory_space<vmem>>, vector<1x16xf32>,
      %get3A_240 = arith.index_cast %scan3A_12 : i32 to index
      %get3A_241 = arith.constant 240 : index
      %get3A_242 = tpu.vector_load %arg8[%get3A_240, %get3A_241] {strides = array<i32>} : memref<32x768xf32, #tpu.memory_space<vmem>>, vector<1x16xf32>,
      %get3A_243 = vector.shape_cast %get3A_242 : vector<1x16xf32> to vector<16xf32>
      %mul3A_244 = arith.mulf %get3A_243, %get3A_15 : vector<16xf32>
      %get3A_245 = arith.index_cast %scan3A_12 : i32 to index
      %get3A_246 = arith.constant 240 : index
      %get3A_247 = tpu.vector_load %arg9[%get3A_245, %get3A_246] {strides = array<i32>} : memref<32x768xf32, #tpu.memory_space<vmem>>, vector<1x16xf32>,
      %get3A_248 = vector.shape_cast %get3A_247 : vector<1x16xf32> to vector<16xf32>
      %add3A_249 = arith.addf %mul3A_244, %get3A_248 : vector<16xf32>
      %swap3A_250 = arith.index_cast %scan3A_12 : i32 to index
      %swap3A_251 = arith.constant 240 : index
      %swap3A_252 = tpu.vector_load %arg8[%swap3A_250, %swap3A_251] {strides = array<i32>} : memref<32x768xf32, #tpu.memory_space<vmem>>, vector<1x16xf32>,
      %swap3A_253 = vector.shape_cast %swap3A_252 : vector<1x16xf32> to vector<16xf32>
      %swap3A_254 = vector.shape_cast %add3A_249 : vector<16xf32> to vector<1x16xf32>
      tpu.vector_store %arg8[%swap3A_250, %swap3A_251], %swap3A_254 {strides = array<i32>} : memref<32x768xf32, #tpu.memory_space<vmem>>, vector<1x16xf32>,
      %get3A_255 = arith.index_cast %scan3A_12 : i32 to index
      %get3A_256 = arith.constant 256 : index
      %get3A_257 = tpu.vector_load %arg8[%get3A_255, %get3A_256] {strides = array<i32>} : memref<32x768xf32, #tpu.memory_space<vmem>>, vector<1x16xf32>,
      %get3A_258 = vector.shape_cast %get3A_257 : vector<1x16xf32> to vector<16xf32>
      %mul3A_259 = arith.mulf %get3A_258, %get3A_15 : vector<16xf32>
      %get3A_260 = arith.index_cast %scan3A_12 : i32 to index
      %get3A_261 = arith.constant 256 : index
      %get3A_262 = tpu.vector_load %arg9[%get3A_260, %get3A_261] {strides = array<i32>} : memref<32x768xf32, #tpu.memory_space<vmem>>, vector<1x16xf32>,
      %get3A_263 = vector.shape_cast %get3A_262 : vector<1x16xf32> to vector<16xf32>
      %add3A_264 = arith.addf %mul3A_259, %get3A_263 : vector<16xf32>
      %swap3A_265 = arith.index_cast %scan3A_12 : i32 to index
      %swap3A_266 = arith.constant 256 : index
      %swap3A_267 = tpu.vector_load %arg8[%swap3A_265, %swap3A_266] {strides = array<i32>} : memref<32x768xf32, #tpu.memory_space<vmem>>, vector<1x16xf32>,
      %swap3A_268 = vector.shape_cast %swap3A_267 : vector<1x16xf32> to vector<16xf32>
      %swap3A_269 = vector.shape_cast %add3A_264 : vector<16xf32> to vector<1x16xf32>
      tpu.vector_store %arg8[%swap3A_265, %swap3A_266], %swap3A_269 {strides = array<i32>} : memref<32x768xf32, #tpu.memory_space<vmem>>, vector<1x16xf32>,
      %get3A_270 = arith.index_cast %scan3A_12 : i32 to index
      %get3A_271 = arith.constant 272 : index
      %get3A_272 = tpu.vector_load %arg8[%get3A_270, %get3A_271] {strides = array<i32>} : memref<32x768xf32, #tpu.memory_space<vmem>>, vector<1x16xf32>,
      %get3A_273 = vector.shape_cast %get3A_272 : vector<1x16xf32> to vector<16xf32>
      %mul3A_274 = arith.mulf %get3A_273, %get3A_15 : vector<16xf32>
      %get3A_275 = arith.index_cast %scan3A_12 : i32 to index
      %get3A_276 = arith.constant 272 : index
      %get3A_277 = tpu.vector_load %arg9[%get3A_275, %get3A_276] {strides = array<i32>} : memref<32x768xf32, #tpu.memory_space<vmem>>, vector<1x16xf32>,
      %get3A_278 = vector.shape_cast %get3A_277 : vector<1x16xf32> to vector<16xf32>
      %add3A_279 = arith.addf %mul3A_274, %get3A_278 : vector<16xf32>
      %swap3A_280 = arith.index_cast %scan3A_12 : i32 to index
      %swap3A_281 = arith.constant 272 : index
      %swap3A_282 = tpu.vector_load %arg8[%swap3A_280, %swap3A_281] {strides = array<i32>} : memref<32x768xf32, #tpu.memory_space<vmem>>, vector<1x16xf32>,
      %swap3A_283 = vector.shape_cast %swap3A_282 : vector<1x16xf32> to vector<16xf32>
      %swap3A_284 = vector.shape_cast %add3A_279 : vector<16xf32> to vector<1x16xf32>
      tpu.vector_store %arg8[%swap3A_280, %swap3A_281], %swap3A_284 {strides = array<i32>} : memref<32x768xf32, #tpu.memory_space<vmem>>, vector<1x16xf32>,
      %get3A_285 = arith.index_cast %scan3A_12 : i32 to index
      %get3A_286 = arith.constant 288 : index
      %get3A_287 = tpu.vector_load %arg8[%get3A_285, %get3A_286] {strides = array<i32>} : memref<32x768xf32, #tpu.memory_space<vmem>>, vector<1x16xf32>,
      %get3A_288 = vector.shape_cast %get3A_287 : vector<1x16xf32> to vector<16xf32>
      %mul3A_289 = arith.mulf %get3A_288, %get3A_15 : vector<16xf32>
      %get3A_290 = arith.index_cast %scan3A_12 : i32 to index
      %get3A_291 = arith.constant 288 : index
      %get3A_292 = tpu.vector_load %arg9[%get3A_290, %get3A_291] {strides = array<i32>} : memref<32x768xf32, #tpu.memory_space<vmem>>, vector<1x16xf32>,
      %get3A_293 = vector.shape_cast %get3A_292 : vector<1x16xf32> to vector<16xf32>
      %add3A_294 = arith.addf %mul3A_289, %get3A_293 : vector<16xf32>
      %swap3A_295 = arith.index_cast %scan3A_12 : i32 to index
      %swap3A_296 = arith.constant 288 : index
      %swap3A_297 = tpu.vector_load %arg8[%swap3A_295, %swap3A_296] {strides = array<i32>} : memref<32x768xf32, #tpu.memory_space<vmem>>, vector<1x16xf32>,
      %swap3A_298 = vector.shape_cast %swap3A_297 : vector<1x16xf32> to vector<16xf32>
      %swap3A_299 = vector.shape_cast %add3A_294 : vector<16xf32> to vector<1x16xf32>
      tpu.vector_store %arg8[%swap3A_295, %swap3A_296], %swap3A_299 {strides = array<i32>} : memref<32x768xf32, #tpu.memory_space<vmem>>, vector<1x16xf32>,
      %get3A_300 = arith.index_cast %scan3A_12 : i32 to index
      %get3A_301 = arith.constant 304 : index
      %get3A_302 = tpu.vector_load %arg8[%get3A_300, %get3A_301] {strides = array<i32>} : memref<32x768xf32, #tpu.memory_space<vmem>>, vector<1x16xf32>,
      %get3A_303 = vector.shape_cast %get3A_302 : vector<1x16xf32> to vector<16xf32>
      %mul3A_304 = arith.mulf %get3A_303, %get3A_15 : vector<16xf32>
      %get3A_305 = arith.index_cast %scan3A_12 : i32 to index
      %get3A_306 = arith.constant 304 : index
      %get3A_307 = tpu.vector_load %arg9[%get3A_305, %get3A_306] {strides = array<i32>} : memref<32x768xf32, #tpu.memory_space<vmem>>, vector<1x16xf32>,
      %get3A_308 = vector.shape_cast %get3A_307 : vector<1x16xf32> to vector<16xf32>
      %add3A_309 = arith.addf %mul3A_304, %get3A_308 : vector<16xf32>
      %swap3A_310 = arith.index_cast %scan3A_12 : i32 to index
      %swap3A_311 = arith.constant 304 : index
      %swap3A_312 = tpu.vector_load %arg8[%swap3A_310, %swap3A_311] {strides = array<i32>} : memref<32x768xf32, #tpu.memory_space<vmem>>, vector<1x16xf32>,
      %swap3A_313 = vector.shape_cast %swap3A_312 : vector<1x16xf32> to vector<16xf32>
      %swap3A_314 = vector.shape_cast %add3A_309 : vector<16xf32> to vector<1x16xf32>
      tpu.vector_store %arg8[%swap3A_310, %swap3A_311], %swap3A_314 {strides = array<i32>} : memref<32x768xf32, #tpu.memory_space<vmem>>, vector<1x16xf32>,
      %get3A_315 = arith.index_cast %scan3A_12 : i32 to index
      %get3A_316 = arith.constant 320 : index
      %get3A_317 = tpu.vector_load %arg8[%get3A_315, %get3A_316] {strides = array<i32>} : memref<32x768xf32, #tpu.memory_space<vmem>>, vector<1x16xf32>,
      %get3A_318 = vector.shape_cast %get3A_317 : vector<1x16xf32> to vector<16xf32>
      %mul3A_319 = arith.mulf %get3A_318, %get3A_15 : vector<16xf32>
      %get3A_320 = arith.index_cast %scan3A_12 : i32 to index
      %get3A_321 = arith.constant 320 : index
      %get3A_322 = tpu.vector_load %arg9[%get3A_320, %get3A_321] {strides = array<i32>} : memref<32x768xf32, #tpu.memory_space<vmem>>, vector<1x16xf32>,
      %get3A_323 = vector.shape_cast %get3A_322 : vector<1x16xf32> to vector<16xf32>
      %add3A_324 = arith.addf %mul3A_319, %get3A_323 : vector<16xf32>
      %swap3A_325 = arith.index_cast %scan3A_12 : i32 to index
      %swap3A_326 = arith.constant 320 : index
      %swap3A_327 = tpu.vector_load %arg8[%swap3A_325, %swap3A_326] {strides = array<i32>} : memref<32x768xf32, #tpu.memory_space<vmem>>, vector<1x16xf32>,
      %swap3A_328 = vector.shape_cast %swap3A_327 : vector<1x16xf32> to vector<16xf32>
      %swap3A_329 = vector.shape_cast %add3A_324 : vector<16xf32> to vector<1x16xf32>
      tpu.vector_store %arg8[%swap3A_325, %swap3A_326], %swap3A_329 {strides = array<i32>} : memref<32x768xf32, #tpu.memory_space<vmem>>, vector<1x16xf32>,
      %get3A_330 = arith.index_cast %scan3A_12 : i32 to index
      %get3A_331 = arith.constant 336 : index
      %get3A_332 = tpu.vector_load %arg8[%get3A_330, %get3A_331] {strides = array<i32>} : memref<32x768xf32, #tpu.memory_space<vmem>>, vector<1x16xf32>,
      %get3A_333 = vector.shape_cast %get3A_332 : vector<1x16xf32> to vector<16xf32>
      %mul3A_334 = arith.mulf %get3A_333, %get3A_15 : vector<16xf32>
      %get3A_335 = arith.index_cast %scan3A_12 : i32 to index
      %get3A_336 = arith.constant 336 : index
      %get3A_337 = tpu.vector_load %arg9[%get3A_335, %get3A_336] {strides = array<i32>} : memref<32x768xf32, #tpu.memory_space<vmem>>, vector<1x16xf32>,
      %get3A_338 = vector.shape_cast %get3A_337 : vector<1x16xf32> to vector<16xf32>
      %add3A_339 = arith.addf %mul3A_334, %get3A_338 : vector<16xf32>
      %swap3A_340 = arith.index_cast %scan3A_12 : i32 to index
      %swap3A_341 = arith.constant 336 : index
      %swap3A_342 = tpu.vector_load %arg8[%swap3A_340, %swap3A_341] {strides = array<i32>} : memref<32x768xf32, #tpu.memory_space<vmem>>, vector<1x16xf32>,
      %swap3A_343 = vector.shape_cast %swap3A_342 : vector<1x16xf32> to vector<16xf32>
      %swap3A_344 = vector.shape_cast %add3A_339 : vector<16xf32> to vector<1x16xf32>
      tpu.vector_store %arg8[%swap3A_340, %swap3A_341], %swap3A_344 {strides = array<i32>} : memref<32x768xf32, #tpu.memory_space<vmem>>, vector<1x16xf32>,
      %get3A_345 = arith.index_cast %scan3A_12 : i32 to index
      %get3A_346 = arith.constant 352 : index
      %get3A_347 = tpu.vector_load %arg8[%get3A_345, %get3A_346] {strides = array<i32>} : memref<32x768xf32, #tpu.memory_space<vmem>>, vector<1x16xf32>,
      %get3A_348 = vector.shape_cast %get3A_347 : vector<1x16xf32> to vector<16xf32>
      %mul3A_349 = arith.mulf %get3A_348, %get3A_15 : vector<16xf32>
      %get3A_350 = arith.index_cast %scan3A_12 : i32 to index
      %get3A_351 = arith.constant 352 : index
      %get3A_352 = tpu.vector_load %arg9[%get3A_350, %get3A_351] {strides = array<i32>} : memref<32x768xf32, #tpu.memory_space<vmem>>, vector<1x16xf32>,
      %get3A_353 = vector.shape_cast %get3A_352 : vector<1x16xf32> to vector<16xf32>
      %add3A_354 = arith.addf %mul3A_349, %get3A_353 : vector<16xf32>
      %swap3A_355 = arith.index_cast %scan3A_12 : i32 to index
      %swap3A_356 = arith.constant 352 : index
      %swap3A_357 = tpu.vector_load %arg8[%swap3A_355, %swap3A_356] {strides = array<i32>} : memref<32x768xf32, #tpu.memory_space<vmem>>, vector<1x16xf32>,
      %swap3A_358 = vector.shape_cast %swap3A_357 : vector<1x16xf32> to vector<16xf32>
      %swap3A_359 = vector.shape_cast %add3A_354 : vector<16xf32> to vector<1x16xf32>
      tpu.vector_store %arg8[%swap3A_355, %swap3A_356], %swap3A_359 {strides = array<i32>} : memref<32x768xf32, #tpu.memory_space<vmem>>, vector<1x16xf32>,
      %get3A_360 = arith.index_cast %scan3A_12 : i32 to index
      %get3A_361 = arith.constant 368 : index
      %get3A_362 = tpu.vector_load %arg8[%get3A_360, %get3A_361] {strides = array<i32>} : memref<32x768xf32, #tpu.memory_space<vmem>>, vector<1x16xf32>,
      %get3A_363 = vector.shape_cast %get3A_362 : vector<1x16xf32> to vector<16xf32>
      %mul3A_364 = arith.mulf %get3A_363, %get3A_15 : vector<16xf32>
      %get3A_365 = arith.index_cast %scan3A_12 : i32 to index
      %get3A_366 = arith.constant 368 : index
      %get3A_367 = tpu.vector_load %arg9[%get3A_365, %get3A_366] {strides = array<i32>} : memref<32x768xf32, #tpu.memory_space<vmem>>, vector<1x16xf32>,
      %get3A_368 = vector.shape_cast %get3A_367 : vector<1x16xf32> to vector<16xf32>
      %add3A_369 = arith.addf %mul3A_364, %get3A_368 : vector<16xf32>
      %swap3A_370 = arith.index_cast %scan3A_12 : i32 to index
      %swap3A_371 = arith.constant 368 : index
      %swap3A_372 = tpu.vector_load %arg8[%swap3A_370, %swap3A_371] {strides = array<i32>} : memref<32x768xf32, #tpu.memory_space<vmem>>, vector<1x16xf32>,
      %swap3A_373 = vector.shape_cast %swap3A_372 : vector<1x16xf32> to vector<16xf32>
      %swap3A_374 = vector.shape_cast %add3A_369 : vector<16xf32> to vector<1x16xf32>
      tpu.vector_store %arg8[%swap3A_370, %swap3A_371], %swap3A_374 {strides = array<i32>} : memref<32x768xf32, #tpu.memory_space<vmem>>, vector<1x16xf32>,
      %get3A_375 = arith.index_cast %scan3A_12 : i32 to index
      %get3A_376 = arith.constant 384 : index
      %get3A_377 = tpu.vector_load %arg8[%get3A_375, %get3A_376] {strides = array<i32>} : memref<32x768xf32, #tpu.memory_space<vmem>>, vector<1x16xf32>,
      %get3A_378 = vector.shape_cast %get3A_377 : vector<1x16xf32> to vector<16xf32>
      %mul3A_379 = arith.mulf %get3A_378, %get3A_15 : vector<16xf32>
      %get3A_380 = arith.index_cast %scan3A_12 : i32 to index
      %get3A_381 = arith.constant 384 : index
      %get3A_382 = tpu.vector_load %arg9[%get3A_380, %get3A_381] {strides = array<i32>} : memref<32x768xf32, #tpu.memory_space<vmem>>, vector<1x16xf32>,
      %get3A_383 = vector.shape_cast %get3A_382 : vector<1x16xf32> to vector<16xf32>
      %add3A_384 = arith.addf %mul3A_379, %get3A_383 : vector<16xf32>
      %swap3A_385 = arith.index_cast %scan3A_12 : i32 to index
      %swap3A_386 = arith.constant 384 : index
      %swap3A_387 = tpu.vector_load %arg8[%swap3A_385, %swap3A_386] {strides = array<i32>} : memref<32x768xf32, #tpu.memory_space<vmem>>, vector<1x16xf32>,
      %swap3A_388 = vector.shape_cast %swap3A_387 : vector<1x16xf32> to vector<16xf32>
      %swap3A_389 = vector.shape_cast %add3A_384 : vector<16xf32> to vector<1x16xf32>
      tpu.vector_store %arg8[%swap3A_385, %swap3A_386], %swap3A_389 {strides = array<i32>} : memref<32x768xf32, #tpu.memory_space<vmem>>, vector<1x16xf32>,
      %get3A_390 = arith.index_cast %scan3A_12 : i32 to index
      %get3A_391 = arith.constant 400 : index
      %get3A_392 = tpu.vector_load %arg8[%get3A_390, %get3A_391] {strides = array<i32>} : memref<32x768xf32, #tpu.memory_space<vmem>>, vector<1x16xf32>,
      %get3A_393 = vector.shape_cast %get3A_392 : vector<1x16xf32> to vector<16xf32>
      %mul3A_394 = arith.mulf %get3A_393, %get3A_15 : vector<16xf32>
      %get3A_395 = arith.index_cast %scan3A_12 : i32 to index
      %get3A_396 = arith.constant 400 : index
      %get3A_397 = tpu.vector_load %arg9[%get3A_395, %get3A_396] {strides = array<i32>} : memref<32x768xf32, #tpu.memory_space<vmem>>, vector<1x16xf32>,
      %get3A_398 = vector.shape_cast %get3A_397 : vector<1x16xf32> to vector<16xf32>
      %add3A_399 = arith.addf %mul3A_394, %get3A_398 : vector<16xf32>
      %swap3A_400 = arith.index_cast %scan3A_12 : i32 to index
      %swap3A_401 = arith.constant 400 : index
      %swap3A_402 = tpu.vector_load %arg8[%swap3A_400, %swap3A_401] {strides = array<i32>} : memref<32x768xf32, #tpu.memory_space<vmem>>, vector<1x16xf32>,
      %swap3A_403 = vector.shape_cast %swap3A_402 : vector<1x16xf32> to vector<16xf32>
      %swap3A_404 = vector.shape_cast %add3A_399 : vector<16xf32> to vector<1x16xf32>
      tpu.vector_store %arg8[%swap3A_400, %swap3A_401], %swap3A_404 {strides = array<i32>} : memref<32x768xf32, #tpu.memory_space<vmem>>, vector<1x16xf32>,
      %get3A_405 = arith.index_cast %scan3A_12 : i32 to index
      %get3A_406 = arith.constant 416 : index
      %get3A_407 = tpu.vector_load %arg8[%get3A_405, %get3A_406] {strides = array<i32>} : memref<32x768xf32, #tpu.memory_space<vmem>>, vector<1x16xf32>,
      %get3A_408 = vector.shape_cast %get3A_407 : vector<1x16xf32> to vector<16xf32>
      %mul3A_409 = arith.mulf %get3A_408, %get3A_15 : vector<16xf32>
      %get3A_410 = arith.index_cast %scan3A_12 : i32 to index
      %get3A_411 = arith.constant 416 : index
      %get3A_412 = tpu.vector_load %arg9[%get3A_410, %get3A_411] {strides = array<i32>} : memref<32x768xf32, #tpu.memory_space<vmem>>, vector<1x16xf32>,
      %get3A_413 = vector.shape_cast %get3A_412 : vector<1x16xf32> to vector<16xf32>
      %add3A_414 = arith.addf %mul3A_409, %get3A_413 : vector<16xf32>
      %swap3A_415 = arith.index_cast %scan3A_12 : i32 to index
      %swap3A_416 = arith.constant 416 : index
      %swap3A_417 = tpu.vector_load %arg8[%swap3A_415, %swap3A_416] {strides = array<i32>} : memref<32x768xf32, #tpu.memory_space<vmem>>, vector<1x16xf32>,
      %swap3A_418 = vector.shape_cast %swap3A_417 : vector<1x16xf32> to vector<16xf32>
      %swap3A_419 = vector.shape_cast %add3A_414 : vector<16xf32> to vector<1x16xf32>
      tpu.vector_store %arg8[%swap3A_415, %swap3A_416], %swap3A_419 {strides = array<i32>} : memref<32x768xf32, #tpu.memory_space<vmem>>, vector<1x16xf32>,
      %get3A_420 = arith.index_cast %scan3A_12 : i32 to index
      %get3A_421 = arith.constant 432 : index
      %get3A_422 = tpu.vector_load %arg8[%get3A_420, %get3A_421] {strides = array<i32>} : memref<32x768xf32, #tpu.memory_space<vmem>>, vector<1x16xf32>,
      %get3A_423 = vector.shape_cast %get3A_422 : vector<1x16xf32> to vector<16xf32>
      %mul3A_424 = arith.mulf %get3A_423, %get3A_15 : vector<16xf32>
      %get3A_425 = arith.index_cast %scan3A_12 : i32 to index
      %get3A_426 = arith.constant 432 : index
      %get3A_427 = tpu.vector_load %arg9[%get3A_425, %get3A_426] {strides = array<i32>} : memref<32x768xf32, #tpu.memory_space<vmem>>, vector<1x16xf32>,
      %get3A_428 = vector.shape_cast %get3A_427 : vector<1x16xf32> to vector<16xf32>
      %add3A_429 = arith.addf %mul3A_424, %get3A_428 : vector<16xf32>
      %swap3A_430 = arith.index_cast %scan3A_12 : i32 to index
      %swap3A_431 = arith.constant 432 : index
      %swap3A_432 = tpu.vector_load %arg8[%swap3A_430, %swap3A_431] {strides = array<i32>} : memref<32x768xf32, #tpu.memory_space<vmem>>, vector<1x16xf32>,
      %swap3A_433 = vector.shape_cast %swap3A_432 : vector<1x16xf32> to vector<16xf32>
      %swap3A_434 = vector.shape_cast %add3A_429 : vector<16xf32> to vector<1x16xf32>
      tpu.vector_store %arg8[%swap3A_430, %swap3A_431], %swap3A_434 {strides = array<i32>} : memref<32x768xf32, #tpu.memory_space<vmem>>, vector<1x16xf32>,
      %get3A_435 = arith.index_cast %scan3A_12 : i32 to index
      %get3A_436 = arith.constant 448 : index
      %get3A_437 = tpu.vector_load %arg8[%get3A_435, %get3A_436] {strides = array<i32>} : memref<32x768xf32, #tpu.memory_space<vmem>>, vector<1x16xf32>,
      %get3A_438 = vector.shape_cast %get3A_437 : vector<1x16xf32> to vector<16xf32>
      %mul3A_439 = arith.mulf %get3A_438, %get3A_15 : vector<16xf32>
      %get3A_440 = arith.index_cast %scan3A_12 : i32 to index
      %get3A_441 = arith.constant 448 : index
      %get3A_442 = tpu.vector_load %arg9[%get3A_440, %get3A_441] {strides = array<i32>} : memref<32x768xf32, #tpu.memory_space<vmem>>, vector<1x16xf32>,
      %get3A_443 = vector.shape_cast %get3A_442 : vector<1x16xf32> to vector<16xf32>
      %add3A_444 = arith.addf %mul3A_439, %get3A_443 : vector<16xf32>
      %swap3A_445 = arith.index_cast %scan3A_12 : i32 to index
      %swap3A_446 = arith.constant 448 : index
      %swap3A_447 = tpu.vector_load %arg8[%swap3A_445, %swap3A_446] {strides = array<i32>} : memref<32x768xf32, #tpu.memory_space<vmem>>, vector<1x16xf32>,
      %swap3A_448 = vector.shape_cast %swap3A_447 : vector<1x16xf32> to vector<16xf32>
      %swap3A_449 = vector.shape_cast %add3A_444 : vector<16xf32> to vector<1x16xf32>
      tpu.vector_store %arg8[%swap3A_445, %swap3A_446], %swap3A_449 {strides = array<i32>} : memref<32x768xf32, #tpu.memory_space<vmem>>, vector<1x16xf32>,
      %get3A_450 = arith.index_cast %scan3A_12 : i32 to index
      %get3A_451 = arith.constant 464 : index
      %get3A_452 = tpu.vector_load %arg8[%get3A_450, %get3A_451] {strides = array<i32>} : memref<32x768xf32, #tpu.memory_space<vmem>>, vector<1x16xf32>,
      %get3A_453 = vector.shape_cast %get3A_452 : vector<1x16xf32> to vector<16xf32>
      %mul3A_454 = arith.mulf %get3A_453, %get3A_15 : vector<16xf32>
      %get3A_455 = arith.index_cast %scan3A_12 : i32 to index
      %get3A_456 = arith.constant 464 : index
      %get3A_457 = tpu.vector_load %arg9[%get3A_455, %get3A_456] {strides = array<i32>} : memref<32x768xf32, #tpu.memory_space<vmem>>, vector<1x16xf32>,
      %get3A_458 = vector.shape_cast %get3A_457 : vector<1x16xf32> to vector<16xf32>
      %add3A_459 = arith.addf %mul3A_454, %get3A_458 : vector<16xf32>
      %swap3A_460 = arith.index_cast %scan3A_12 : i32 to index
      %swap3A_461 = arith.constant 464 : index
      %swap3A_462 = tpu.vector_load %arg8[%swap3A_460, %swap3A_461] {strides = array<i32>} : memref<32x768xf32, #tpu.memory_space<vmem>>, vector<1x16xf32>,
      %swap3A_463 = vector.shape_cast %swap3A_462 : vector<1x16xf32> to vector<16xf32>
      %swap3A_464 = vector.shape_cast %add3A_459 : vector<16xf32> to vector<1x16xf32>
      tpu.vector_store %arg8[%swap3A_460, %swap3A_461], %swap3A_464 {strides = array<i32>} : memref<32x768xf32, #tpu.memory_space<vmem>>, vector<1x16xf32>,
      %get3A_465 = arith.index_cast %scan3A_12 : i32 to index
      %get3A_466 = arith.constant 480 : index
      %get3A_467 = tpu.vector_load %arg8[%get3A_465, %get3A_466] {strides = array<i32>} : memref<32x768xf32, #tpu.memory_space<vmem>>, vector<1x16xf32>,
      %get3A_468 = vector.shape_cast %get3A_467 : vector<1x16xf32> to vector<16xf32>
      %mul3A_469 = arith.mulf %get3A_468, %get3A_15 : vector<16xf32>
      %get3A_470 = arith.index_cast %scan3A_12 : i32 to index
      %get3A_471 = arith.constant 480 : index
      %get3A_472 = tpu.vector_load %arg9[%get3A_470, %get3A_471] {strides = array<i32>} : memref<32x768xf32, #tpu.memory_space<vmem>>, vector<1x16xf32>,
      %get3A_473 = vector.shape_cast %get3A_472 : vector<1x16xf32> to vector<16xf32>
      %add3A_474 = arith.addf %mul3A_469, %get3A_473 : vector<16xf32>
      %swap3A_475 = arith.index_cast %scan3A_12 : i32 to index
      %swap3A_476 = arith.constant 480 : index
      %swap3A_477 = tpu.vector_load %arg8[%swap3A_475, %swap3A_476] {strides = array<i32>} : memref<32x768xf32, #tpu.memory_space<vmem>>, vector<1x16xf32>,
      %swap3A_478 = vector.shape_cast %swap3A_477 : vector<1x16xf32> to vector<16xf32>
      %swap3A_479 = vector.shape_cast %add3A_474 : vector<16xf32> to vector<1x16xf32>
      tpu.vector_store %arg8[%swap3A_475, %swap3A_476], %swap3A_479 {strides = array<i32>} : memref<32x768xf32, #tpu.memory_space<vmem>>, vector<1x16xf32>,
      %get3A_480 = arith.index_cast %scan3A_12 : i32 to index
      %get3A_481 = arith.constant 496 : index
      %get3A_482 = tpu.vector_load %arg8[%get3A_480, %get3A_481] {strides = array<i32>} : memref<32x768xf32, #tpu.memory_space<vmem>>, vector<1x16xf32>,
      %get3A_483 = vector.shape_cast %get3A_482 : vector<1x16xf32> to vector<16xf32>
      %mul3A_484 = arith.mulf %get3A_483, %get3A_15 : vector<16xf32>
      %get3A_485 = arith.index_cast %scan3A_12 : i32 to index
      %get3A_486 = arith.constant 496 : index
      %get3A_487 = tpu.vector_load %arg9[%get3A_485, %get3A_486] {strides = array<i32>} : memref<32x768xf32, #tpu.memory_space<vmem>>, vector<1x16xf32>,
      %get3A_488 = vector.shape_cast %get3A_487 : vector<1x16xf32> to vector<16xf32>
      %add3A_489 = arith.addf %mul3A_484, %get3A_488 : vector<16xf32>
      %swap3A_490 = arith.index_cast %scan3A_12 : i32 to index
      %swap3A_491 = arith.constant 496 : index
      %swap3A_492 = tpu.vector_load %arg8[%swap3A_490, %swap3A_491] {strides = array<i32>} : memref<32x768xf32, #tpu.memory_space<vmem>>, vector<1x16xf32>,
      %swap3A_493 = vector.shape_cast %swap3A_492 : vector<1x16xf32> to vector<16xf32>
      %swap3A_494 = vector.shape_cast %add3A_489 : vector<16xf32> to vector<1x16xf32>
      tpu.vector_store %arg8[%swap3A_490, %swap3A_491], %swap3A_494 {strides = array<i32>} : memref<32x768xf32, #tpu.memory_space<vmem>>, vector<1x16xf32>,
      %get3A_495 = arith.index_cast %scan3A_12 : i32 to index
      %get3A_496 = arith.constant 512 : index
      %get3A_497 = tpu.vector_load %arg8[%get3A_495, %get3A_496] {strides = array<i32>} : memref<32x768xf32, #tpu.memory_space<vmem>>, vector<1x16xf32>,
      %get3A_498 = vector.shape_cast %get3A_497 : vector<1x16xf32> to vector<16xf32>
      %mul3A_499 = arith.mulf %get3A_498, %get3A_15 : vector<16xf32>
      %get3A_500 = arith.index_cast %scan3A_12 : i32 to index
      %get3A_501 = arith.constant 512 : index
      %get3A_502 = tpu.vector_load %arg9[%get3A_500, %get3A_501] {strides = array<i32>} : memref<32x768xf32, #tpu.memory_space<vmem>>, vector<1x16xf32>,
      %get3A_503 = vector.shape_cast %get3A_502 : vector<1x16xf32> to vector<16xf32>
      %add3A_504 = arith.addf %mul3A_499, %get3A_503 : vector<16xf32>
      %swap3A_505 = arith.index_cast %scan3A_12 : i32 to index
      %swap3A_506 = arith.constant 512 : index
      %swap3A_507 = tpu.vector_load %arg8[%swap3A_505, %swap3A_506] {strides = array<i32>} : memref<32x768xf32, #tpu.memory_space<vmem>>, vector<1x16xf32>,
      %swap3A_508 = vector.shape_cast %swap3A_507 : vector<1x16xf32> to vector<16xf32>
      %swap3A_509 = vector.shape_cast %add3A_504 : vector<16xf32> to vector<1x16xf32>
      tpu.vector_store %arg8[%swap3A_505, %swap3A_506], %swap3A_509 {strides = array<i32>} : memref<32x768xf32, #tpu.memory_space<vmem>>, vector<1x16xf32>,
      %get3A_510 = arith.index_cast %scan3A_12 : i32 to index
      %get3A_511 = arith.constant 528 : index
      %get3A_512 = tpu.vector_load %arg8[%get3A_510, %get3A_511] {strides = array<i32>} : memref<32x768xf32, #tpu.memory_space<vmem>>, vector<1x16xf32>,
      %get3A_513 = vector.shape_cast %get3A_512 : vector<1x16xf32> to vector<16xf32>
      %mul3A_514 = arith.mulf %get3A_513, %get3A_15 : vector<16xf32>
      %get3A_515 = arith.index_cast %scan3A_12 : i32 to index
      %get3A_516 = arith.constant 528 : index
      %get3A_517 = tpu.vector_load %arg9[%get3A_515, %get3A_516] {strides = array<i32>} : memref<32x768xf32, #tpu.memory_space<vmem>>, vector<1x16xf32>,
      %get3A_518 = vector.shape_cast %get3A_517 : vector<1x16xf32> to vector<16xf32>
      %add3A_519 = arith.addf %mul3A_514, %get3A_518 : vector<16xf32>
      %swap3A_520 = arith.index_cast %scan3A_12 : i32 to index
      %swap3A_521 = arith.constant 528 : index
      %swap3A_522 = tpu.vector_load %arg8[%swap3A_520, %swap3A_521] {strides = array<i32>} : memref<32x768xf32, #tpu.memory_space<vmem>>, vector<1x16xf32>,
      %swap3A_523 = vector.shape_cast %swap3A_522 : vector<1x16xf32> to vector<16xf32>
      %swap3A_524 = vector.shape_cast %add3A_519 : vector<16xf32> to vector<1x16xf32>
      tpu.vector_store %arg8[%swap3A_520, %swap3A_521], %swap3A_524 {strides = array<i32>} : memref<32x768xf32, #tpu.memory_space<vmem>>, vector<1x16xf32>,
      %get3A_525 = arith.index_cast %scan3A_12 : i32 to index
      %get3A_526 = arith.constant 544 : index
      %get3A_527 = tpu.vector_load %arg8[%get3A_525, %get3A_526] {strides = array<i32>} : memref<32x768xf32, #tpu.memory_space<vmem>>, vector<1x16xf32>,
      %get3A_528 = vector.shape_cast %get3A_527 : vector<1x16xf32> to vector<16xf32>
      %mul3A_529 = arith.mulf %get3A_528, %get3A_15 : vector<16xf32>
      %get3A_530 = arith.index_cast %scan3A_12 : i32 to index
      %get3A_531 = arith.constant 544 : index
      %get3A_532 = tpu.vector_load %arg9[%get3A_530, %get3A_531] {strides = array<i32>} : memref<32x768xf32, #tpu.memory_space<vmem>>, vector<1x16xf32>,
      %get3A_533 = vector.shape_cast %get3A_532 : vector<1x16xf32> to vector<16xf32>
      %add3A_534 = arith.addf %mul3A_529, %get3A_533 : vector<16xf32>
      %swap3A_535 = arith.index_cast %scan3A_12 : i32 to index
      %swap3A_536 = arith.constant 544 : index
      %swap3A_537 = tpu.vector_load %arg8[%swap3A_535, %swap3A_536] {strides = array<i32>} : memref<32x768xf32, #tpu.memory_space<vmem>>, vector<1x16xf32>,
      %swap3A_538 = vector.shape_cast %swap3A_537 : vector<1x16xf32> to vector<16xf32>
      %swap3A_539 = vector.shape_cast %add3A_534 : vector<16xf32> to vector<1x16xf32>
      tpu.vector_store %arg8[%swap3A_535, %swap3A_536], %swap3A_539 {strides = array<i32>} : memref<32x768xf32, #tpu.memory_space<vmem>>, vector<1x16xf32>,
      %get3A_540 = arith.index_cast %scan3A_12 : i32 to index
      %get3A_541 = arith.constant 560 : index
      %get3A_542 = tpu.vector_load %arg8[%get3A_540, %get3A_541] {strides = array<i32>} : memref<32x768xf32, #tpu.memory_space<vmem>>, vector<1x16xf32>,
      %get3A_543 = vector.shape_cast %get3A_542 : vector<1x16xf32> to vector<16xf32>
      %mul3A_544 = arith.mulf %get3A_543, %get3A_15 : vector<16xf32>
      %get3A_545 = arith.index_cast %scan3A_12 : i32 to index
      %get3A_546 = arith.constant 560 : index
      %get3A_547 = tpu.vector_load %arg9[%get3A_545, %get3A_546] {strides = array<i32>} : memref<32x768xf32, #tpu.memory_space<vmem>>, vector<1x16xf32>,
      %get3A_548 = vector.shape_cast %get3A_547 : vector<1x16xf32> to vector<16xf32>
      %add3A_549 = arith.addf %mul3A_544, %get3A_548 : vector<16xf32>
      %swap3A_550 = arith.index_cast %scan3A_12 : i32 to index
      %swap3A_551 = arith.constant 560 : index
      %swap3A_552 = tpu.vector_load %arg8[%swap3A_550, %swap3A_551] {strides = array<i32>} : memref<32x768xf32, #tpu.memory_space<vmem>>, vector<1x16xf32>,
      %swap3A_553 = vector.shape_cast %swap3A_552 : vector<1x16xf32> to vector<16xf32>
      %swap3A_554 = vector.shape_cast %add3A_549 : vector<16xf32> to vector<1x16xf32>
      tpu.vector_store %arg8[%swap3A_550, %swap3A_551], %swap3A_554 {strides = array<i32>} : memref<32x768xf32, #tpu.memory_space<vmem>>, vector<1x16xf32>,
      %get3A_555 = arith.index_cast %scan3A_12 : i32 to index
      %get3A_556 = arith.constant 576 : index
      %get3A_557 = tpu.vector_load %arg8[%get3A_555, %get3A_556] {strides = array<i32>} : memref<32x768xf32, #tpu.memory_space<vmem>>, vector<1x16xf32>,
      %get3A_558 = vector.shape_cast %get3A_557 : vector<1x16xf32> to vector<16xf32>
      %mul3A_559 = arith.mulf %get3A_558, %get3A_15 : vector<16xf32>
      %get3A_560 = arith.index_cast %scan3A_12 : i32 to index
      %get3A_561 = arith.constant 576 : index
      %get3A_562 = tpu.vector_load %arg9[%get3A_560, %get3A_561] {strides = array<i32>} : memref<32x768xf32, #tpu.memory_space<vmem>>, vector<1x16xf32>,
      %get3A_563 = vector.shape_cast %get3A_562 : vector<1x16xf32> to vector<16xf32>
      %add3A_564 = arith.addf %mul3A_559, %get3A_563 : vector<16xf32>
      %swap3A_565 = arith.index_cast %scan3A_12 : i32 to index
      %swap3A_566 = arith.constant 576 : index
      %swap3A_567 = tpu.vector_load %arg8[%swap3A_565, %swap3A_566] {strides = array<i32>} : memref<32x768xf32, #tpu.memory_space<vmem>>, vector<1x16xf32>,
      %swap3A_568 = vector.shape_cast %swap3A_567 : vector<1x16xf32> to vector<16xf32>
      %swap3A_569 = vector.shape_cast %add3A_564 : vector<16xf32> to vector<1x16xf32>
      tpu.vector_store %arg8[%swap3A_565, %swap3A_566], %swap3A_569 {strides = array<i32>} : memref<32x768xf32, #tpu.memory_space<vmem>>, vector<1x16xf32>,
      %get3A_570 = arith.index_cast %scan3A_12 : i32 to index
      %get3A_571 = arith.constant 592 : index
      %get3A_572 = tpu.vector_load %arg8[%get3A_570, %get3A_571] {strides = array<i32>} : memref<32x768xf32, #tpu.memory_space<vmem>>, vector<1x16xf32>,
      %get3A_573 = vector.shape_cast %get3A_572 : vector<1x16xf32> to vector<16xf32>
      %mul3A_574 = arith.mulf %get3A_573, %get3A_15 : vector<16xf32>
      %get3A_575 = arith.index_cast %scan3A_12 : i32 to index
      %get3A_576 = arith.constant 592 : index
      %get3A_577 = tpu.vector_load %arg9[%get3A_575, %get3A_576] {strides = array<i32>} : memref<32x768xf32, #tpu.memory_space<vmem>>, vector<1x16xf32>,
      %get3A_578 = vector.shape_cast %get3A_577 : vector<1x16xf32> to vector<16xf32>
      %add3A_579 = arith.addf %mul3A_574, %get3A_578 : vector<16xf32>
      %swap3A_580 = arith.index_cast %scan3A_12 : i32 to index
      %swap3A_581 = arith.constant 592 : index
      %swap3A_582 = tpu.vector_load %arg8[%swap3A_580, %swap3A_581] {strides = array<i32>} : memref<32x768xf32, #tpu.memory_space<vmem>>, vector<1x16xf32>,
      %swap3A_583 = vector.shape_cast %swap3A_582 : vector<1x16xf32> to vector<16xf32>
      %swap3A_584 = vector.shape_cast %add3A_579 : vector<16xf32> to vector<1x16xf32>
      tpu.vector_store %arg8[%swap3A_580, %swap3A_581], %swap3A_584 {strides = array<i32>} : memref<32x768xf32, #tpu.memory_space<vmem>>, vector<1x16xf32>,
      %get3A_585 = arith.index_cast %scan3A_12 : i32 to index
      %get3A_586 = arith.constant 608 : index
      %get3A_587 = tpu.vector_load %arg8[%get3A_585, %get3A_586] {strides = array<i32>} : memref<32x768xf32, #tpu.memory_space<vmem>>, vector<1x16xf32>,
      %get3A_588 = vector.shape_cast %get3A_587 : vector<1x16xf32> to vector<16xf32>
      %mul3A_589 = arith.mulf %get3A_588, %get3A_15 : vector<16xf32>
      %get3A_590 = arith.index_cast %scan3A_12 : i32 to index
      %get3A_591 = arith.constant 608 : index
      %get3A_592 = tpu.vector_load %arg9[%get3A_590, %get3A_591] {strides = array<i32>} : memref<32x768xf32, #tpu.memory_space<vmem>>, vector<1x16xf32>,
      %get3A_593 = vector.shape_cast %get3A_592 : vector<1x16xf32> to vector<16xf32>
      %add3A_594 = arith.addf %mul3A_589, %get3A_593 : vector<16xf32>
      %swap3A_595 = arith.index_cast %scan3A_12 : i32 to index
      %swap3A_596 = arith.constant 608 : index
      %swap3A_597 = tpu.vector_load %arg8[%swap3A_595, %swap3A_596] {strides = array<i32>} : memref<32x768xf32, #tpu.memory_space<vmem>>, vector<1x16xf32>,
      %swap3A_598 = vector.shape_cast %swap3A_597 : vector<1x16xf32> to vector<16xf32>
      %swap3A_599 = vector.shape_cast %add3A_594 : vector<16xf32> to vector<1x16xf32>
      tpu.vector_store %arg8[%swap3A_595, %swap3A_596], %swap3A_599 {strides = array<i32>} : memref<32x768xf32, #tpu.memory_space<vmem>>, vector<1x16xf32>,
      %get3A_600 = arith.index_cast %scan3A_12 : i32 to index
      %get3A_601 = arith.constant 624 : index
      %get3A_602 = tpu.vector_load %arg8[%get3A_600, %get3A_601] {strides = array<i32>} : memref<32x768xf32, #tpu.memory_space<vmem>>, vector<1x16xf32>,
      %get3A_603 = vector.shape_cast %get3A_602 : vector<1x16xf32> to vector<16xf32>
      %mul3A_604 = arith.mulf %get3A_603, %get3A_15 : vector<16xf32>
      %get3A_605 = arith.index_cast %scan3A_12 : i32 to index
      %get3A_606 = arith.constant 624 : index
      %get3A_607 = tpu.vector_load %arg9[%get3A_605, %get3A_606] {strides = array<i32>} : memref<32x768xf32, #tpu.memory_space<vmem>>, vector<1x16xf32>,
      %get3A_608 = vector.shape_cast %get3A_607 : vector<1x16xf32> to vector<16xf32>
      %add3A_609 = arith.addf %mul3A_604, %get3A_608 : vector<16xf32>
      %swap3A_610 = arith.index_cast %scan3A_12 : i32 to index
      %swap3A_611 = arith.constant 624 : index
      %swap3A_612 = tpu.vector_load %arg8[%swap3A_610, %swap3A_611] {strides = array<i32>} : memref<32x768xf32, #tpu.memory_space<vmem>>, vector<1x16xf32>,
      %swap3A_613 = vector.shape_cast %swap3A_612 : vector<1x16xf32> to vector<16xf32>
      %swap3A_614 = vector.shape_cast %add3A_609 : vector<16xf32> to vector<1x16xf32>
      tpu.vector_store %arg8[%swap3A_610, %swap3A_611], %swap3A_614 {strides = array<i32>} : memref<32x768xf32, #tpu.memory_space<vmem>>, vector<1x16xf32>,
      %get3A_615 = arith.index_cast %scan3A_12 : i32 to index
      %get3A_616 = arith.constant 640 : index
      %get3A_617 = tpu.vector_load %arg8[%get3A_615, %get3A_616] {strides = array<i32>} : memref<32x768xf32, #tpu.memory_space<vmem>>, vector<1x16xf32>,
      %get3A_618 = vector.shape_cast %get3A_617 : vector<1x16xf32> to vector<16xf32>
      %mul3A_619 = arith.mulf %get3A_618, %get3A_15 : vector<16xf32>
      %get3A_620 = arith.index_cast %scan3A_12 : i32 to index
      %get3A_621 = arith.constant 640 : index
      %get3A_622 = tpu.vector_load %arg9[%get3A_620, %get3A_621] {strides = array<i32>} : memref<32x768xf32, #tpu.memory_space<vmem>>, vector<1x16xf32>,
      %get3A_623 = vector.shape_cast %get3A_622 : vector<1x16xf32> to vector<16xf32>
      %add3A_624 = arith.addf %mul3A_619, %get3A_623 : vector<16xf32>
      %swap3A_625 = arith.index_cast %scan3A_12 : i32 to index
      %swap3A_626 = arith.constant 640 : index
      %swap3A_627 = tpu.vector_load %arg8[%swap3A_625, %swap3A_626] {strides = array<i32>} : memref<32x768xf32, #tpu.memory_space<vmem>>, vector<1x16xf32>,
      %swap3A_628 = vector.shape_cast %swap3A_627 : vector<1x16xf32> to vector<16xf32>
      %swap3A_629 = vector.shape_cast %add3A_624 : vector<16xf32> to vector<1x16xf32>
      tpu.vector_store %arg8[%swap3A_625, %swap3A_626], %swap3A_629 {strides = array<i32>} : memref<32x768xf32, #tpu.memory_space<vmem>>, vector<1x16xf32>,
      %get3A_630 = arith.index_cast %scan3A_12 : i32 to index
      %get3A_631 = arith.constant 656 : index
      %get3A_632 = tpu.vector_load %arg8[%get3A_630, %get3A_631] {strides = array<i32>} : memref<32x768xf32, #tpu.memory_space<vmem>>, vector<1x16xf32>,
      %get3A_633 = vector.shape_cast %get3A_632 : vector<1x16xf32> to vector<16xf32>
      %mul3A_634 = arith.mulf %get3A_633, %get3A_15 : vector<16xf32>
      %get3A_635 = arith.index_cast %scan3A_12 : i32 to index
      %get3A_636 = arith.constant 656 : index
      %get3A_637 = tpu.vector_load %arg9[%get3A_635, %get3A_636] {strides = array<i32>} : memref<32x768xf32, #tpu.memory_space<vmem>>, vector<1x16xf32>,
      %get3A_638 = vector.shape_cast %get3A_637 : vector<1x16xf32> to vector<16xf32>
      %add3A_639 = arith.addf %mul3A_634, %get3A_638 : vector<16xf32>
      %swap3A_640 = arith.index_cast %scan3A_12 : i32 to index
      %swap3A_641 = arith.constant 656 : index
      %swap3A_642 = tpu.vector_load %arg8[%swap3A_640, %swap3A_641] {strides = array<i32>} : memref<32x768xf32, #tpu.memory_space<vmem>>, vector<1x16xf32>,
      %swap3A_643 = vector.shape_cast %swap3A_642 : vector<1x16xf32> to vector<16xf32>
      %swap3A_644 = vector.shape_cast %add3A_639 : vector<16xf32> to vector<1x16xf32>
      tpu.vector_store %arg8[%swap3A_640, %swap3A_641], %swap3A_644 {strides = array<i32>} : memref<32x768xf32, #tpu.memory_space<vmem>>, vector<1x16xf32>,
      %get3A_645 = arith.index_cast %scan3A_12 : i32 to index
      %get3A_646 = arith.constant 672 : index
      %get3A_647 = tpu.vector_load %arg8[%get3A_645, %get3A_646] {strides = array<i32>} : memref<32x768xf32, #tpu.memory_space<vmem>>, vector<1x16xf32>,
      %get3A_648 = vector.shape_cast %get3A_647 : vector<1x16xf32> to vector<16xf32>
      %mul3A_649 = arith.mulf %get3A_648, %get3A_15 : vector<16xf32>
      %get3A_650 = arith.index_cast %scan3A_12 : i32 to index
      %get3A_651 = arith.constant 672 : index
      %get3A_652 = tpu.vector_load %arg9[%get3A_650, %get3A_651] {strides = array<i32>} : memref<32x768xf32, #tpu.memory_space<vmem>>, vector<1x16xf32>,
      %get3A_653 = vector.shape_cast %get3A_652 : vector<1x16xf32> to vector<16xf32>
      %add3A_654 = arith.addf %mul3A_649, %get3A_653 : vector<16xf32>
      %swap3A_655 = arith.index_cast %scan3A_12 : i32 to index
      %swap3A_656 = arith.constant 672 : index
      %swap3A_657 = tpu.vector_load %arg8[%swap3A_655, %swap3A_656] {strides = array<i32>} : memref<32x768xf32, #tpu.memory_space<vmem>>, vector<1x16xf32>,
      %swap3A_658 = vector.shape_cast %swap3A_657 : vector<1x16xf32> to vector<16xf32>
      %swap3A_659 = vector.shape_cast %add3A_654 : vector<16xf32> to vector<1x16xf32>
      tpu.vector_store %arg8[%swap3A_655, %swap3A_656], %swap3A_659 {strides = array<i32>} : memref<32x768xf32, #tpu.memory_space<vmem>>, vector<1x16xf32>,
      %get3A_660 = arith.index_cast %scan3A_12 : i32 to index
      %get3A_661 = arith.constant 688 : index
      %get3A_662 = tpu.vector_load %arg8[%get3A_660, %get3A_661] {strides = array<i32>} : memref<32x768xf32, #tpu.memory_space<vmem>>, vector<1x16xf32>,
      %get3A_663 = vector.shape_cast %get3A_662 : vector<1x16xf32> to vector<16xf32>
      %mul3A_664 = arith.mulf %get3A_663, %get3A_15 : vector<16xf32>
      %get3A_665 = arith.index_cast %scan3A_12 : i32 to index
      %get3A_666 = arith.constant 688 : index
      %get3A_667 = tpu.vector_load %arg9[%get3A_665, %get3A_666] {strides = array<i32>} : memref<32x768xf32, #tpu.memory_space<vmem>>, vector<1x16xf32>,
      %get3A_668 = vector.shape_cast %get3A_667 : vector<1x16xf32> to vector<16xf32>
      %add3A_669 = arith.addf %mul3A_664, %get3A_668 : vector<16xf32>
      %swap3A_670 = arith.index_cast %scan3A_12 : i32 to index
      %swap3A_671 = arith.constant 688 : index
      %swap3A_672 = tpu.vector_load %arg8[%swap3A_670, %swap3A_671] {strides = array<i32>} : memref<32x768xf32, #tpu.memory_space<vmem>>, vector<1x16xf32>,
      %swap3A_673 = vector.shape_cast %swap3A_672 : vector<1x16xf32> to vector<16xf32>
      %swap3A_674 = vector.shape_cast %add3A_669 : vector<16xf32> to vector<1x16xf32>
      tpu.vector_store %arg8[%swap3A_670, %swap3A_671], %swap3A_674 {strides = array<i32>} : memref<32x768xf32, #tpu.memory_space<vmem>>, vector<1x16xf32>,
      %get3A_675 = arith.index_cast %scan3A_12 : i32 to index
      %get3A_676 = arith.constant 704 : index
      %get3A_677 = tpu.vector_load %arg8[%get3A_675, %get3A_676] {strides = array<i32>} : memref<32x768xf32, #tpu.memory_space<vmem>>, vector<1x16xf32>,
      %get3A_678 = vector.shape_cast %get3A_677 : vector<1x16xf32> to vector<16xf32>
      %mul3A_679 = arith.mulf %get3A_678, %get3A_15 : vector<16xf32>
      %get3A_680 = arith.index_cast %scan3A_12 : i32 to index
      %get3A_681 = arith.constant 704 : index
      %get3A_682 = tpu.vector_load %arg9[%get3A_680, %get3A_681] {strides = array<i32>} : memref<32x768xf32, #tpu.memory_space<vmem>>, vector<1x16xf32>,
      %get3A_683 = vector.shape_cast %get3A_682 : vector<1x16xf32> to vector<16xf32>
      %add3A_684 = arith.addf %mul3A_679, %get3A_683 : vector<16xf32>
      %swap3A_685 = arith.index_cast %scan3A_12 : i32 to index
      %swap3A_686 = arith.constant 704 : index
      %swap3A_687 = tpu.vector_load %arg8[%swap3A_685, %swap3A_686] {strides = array<i32>} : memref<32x768xf32, #tpu.memory_space<vmem>>, vector<1x16xf32>,
      %swap3A_688 = vector.shape_cast %swap3A_687 : vector<1x16xf32> to vector<16xf32>
      %swap3A_689 = vector.shape_cast %add3A_684 : vector<16xf32> to vector<1x16xf32>
      tpu.vector_store %arg8[%swap3A_685, %swap3A_686], %swap3A_689 {strides = array<i32>} : memref<32x768xf32, #tpu.memory_space<vmem>>, vector<1x16xf32>,
      %get3A_690 = arith.index_cast %scan3A_12 : i32 to index
      %get3A_691 = arith.constant 720 : index
      %get3A_692 = tpu.vector_load %arg8[%get3A_690, %get3A_691] {strides = array<i32>} : memref<32x768xf32, #tpu.memory_space<vmem>>, vector<1x16xf32>,
      %get3A_693 = vector.shape_cast %get3A_692 : vector<1x16xf32> to vector<16xf32>
      %mul3A_694 = arith.mulf %get3A_693, %get3A_15 : vector<16xf32>
      %get3A_695 = arith.index_cast %scan3A_12 : i32 to index
      %get3A_696 = arith.constant 720 : index
      %get3A_697 = tpu.vector_load %arg9[%get3A_695, %get3A_696] {strides = array<i32>} : memref<32x768xf32, #tpu.memory_space<vmem>>, vector<1x16xf32>,
      %get3A_698 = vector.shape_cast %get3A_697 : vector<1x16xf32> to vector<16xf32>
      %add3A_699 = arith.addf %mul3A_694, %get3A_698 : vector<16xf32>
      %swap3A_700 = arith.index_cast %scan3A_12 : i32 to index
      %swap3A_701 = arith.constant 720 : index
      %swap3A_702 = tpu.vector_load %arg8[%swap3A_700, %swap3A_701] {strides = array<i32>} : memref<32x768xf32, #tpu.memory_space<vmem>>, vector<1x16xf32>,
      %swap3A_703 = vector.shape_cast %swap3A_702 : vector<1x16xf32> to vector<16xf32>
      %swap3A_704 = vector.shape_cast %add3A_699 : vector<16xf32> to vector<1x16xf32>
      tpu.vector_store %arg8[%swap3A_700, %swap3A_701], %swap3A_704 {strides = array<i32>} : memref<32x768xf32, #tpu.memory_space<vmem>>, vector<1x16xf32>,
      %get3A_705 = arith.index_cast %scan3A_12 : i32 to index
      %get3A_706 = arith.constant 736 : index
      %get3A_707 = tpu.vector_load %arg8[%get3A_705, %get3A_706] {strides = array<i32>} : memref<32x768xf32, #tpu.memory_space<vmem>>, vector<1x16xf32>,
      %get3A_708 = vector.shape_cast %get3A_707 : vector<1x16xf32> to vector<16xf32>
      %mul3A_709 = arith.mulf %get3A_708, %get3A_15 : vector<16xf32>
      %get3A_710 = arith.index_cast %scan3A_12 : i32 to index
      %get3A_711 = arith.constant 736 : index
      %get3A_712 = tpu.vector_load %arg9[%get3A_710, %get3A_711] {strides = array<i32>} : memref<32x768xf32, #tpu.memory_space<vmem>>, vector<1x16xf32>,
      %get3A_713 = vector.shape_cast %get3A_712 : vector<1x16xf32> to vector<16xf32>
      %add3A_714 = arith.addf %mul3A_709, %get3A_713 : vector<16xf32>
      %swap3A_715 = arith.index_cast %scan3A_12 : i32 to index
      %swap3A_716 = arith.constant 736 : index
      %swap3A_717 = tpu.vector_load %arg8[%swap3A_715, %swap3A_716] {strides = array<i32>} : memref<32x768xf32, #tpu.memory_space<vmem>>, vector<1x16xf32>,
      %swap3A_718 = vector.shape_cast %swap3A_717 : vector<1x16xf32> to vector<16xf32>
      %swap3A_719 = vector.shape_cast %add3A_714 : vector<16xf32> to vector<1x16xf32>
      tpu.vector_store %arg8[%swap3A_715, %swap3A_716], %swap3A_719 {strides = array<i32>} : memref<32x768xf32, #tpu.memory_space<vmem>>, vector<1x16xf32>,
      %get3A_720 = arith.index_cast %scan3A_12 : i32 to index
      %get3A_721 = arith.constant 752 : index
      %get3A_722 = tpu.vector_load %arg8[%get3A_720, %get3A_721] {strides = array<i32>} : memref<32x768xf32, #tpu.memory_space<vmem>>, vector<1x16xf32>,
      %get3A_723 = vector.shape_cast %get3A_722 : vector<1x16xf32> to vector<16xf32>
      %mul3A_724 = arith.mulf %get3A_723, %get3A_15 : vector<16xf32>
      %get3A_725 = arith.index_cast %scan3A_12 : i32 to index
      %get3A_726 = arith.constant 752 : index
      %get3A_727 = tpu.vector_load %arg9[%get3A_725, %get3A_726] {strides = array<i32>} : memref<32x768xf32, #tpu.memory_space<vmem>>, vector<1x16xf32>,
      %get3A_728 = vector.shape_cast %get3A_727 : vector<1x16xf32> to vector<16xf32>
      %add3A_729 = arith.addf %mul3A_724, %get3A_728 : vector<16xf32>
      %swap3A_730 = arith.index_cast %scan3A_12 : i32 to index
      %swap3A_731 = arith.constant 752 : index
      %swap3A_732 = tpu.vector_load %arg8[%swap3A_730, %swap3A_731] {strides = array<i32>} : memref<32x768xf32, #tpu.memory_space<vmem>>, vector<1x16xf32>,
      %swap3A_733 = vector.shape_cast %swap3A_732 : vector<1x16xf32> to vector<16xf32>
      %swap3A_734 = vector.shape_cast %add3A_729 : vector<16xf32> to vector<1x16xf32>
      tpu.vector_store %arg8[%swap3A_730, %swap3A_731], %swap3A_734 {strides = array<i32>} : memref<32x768xf32, #tpu.memory_space<vmem>>, vector<1x16xf32>,
    }
    %scan3A_11 = arith.constant 32 : i32
    "tpu.region"() ({
      %run_scoped3A = tpu.sem_alloc : memref<!tpu.dma_semaphore, #tpu.memory_space<semaphore_mem>>
      %dma_start3A_12 = arith.constant 0 : i32
      %dma_start3A_13 = tpu.memref_slice %arg6[%mul3A_2, %dma_start3A_12] : memref<1024x768xf32, #tpu.memory_space<hbm>> -> memref<32x768xf32, #tpu.memory_space<hbm>>
      %dma_start3A_14 = arith.constant 0 : i32
      %dma_start3A_15 = tpu.memref_slice %arg6[%mul3A_2, %dma_start3A_14] : memref<1024x768xf32, #tpu.memory_space<hbm>> -> memref<32x768xf32, #tpu.memory_space<hbm>>
      tpu.enqueue_dma source(%arg8 : memref<32x768xf32, #tpu.memory_space<vmem>>) target(%dma_start3A_15 : memref<32x768xf32, #tpu.memory_space<hbm>>) target_semaphore(%run_scoped3A : memref<!tpu.dma_semaphore, #tpu.memory_space<semaphore_mem>>)
      %dma_wait3A_16 = arith.constant 0 : i32
      %dma_wait3A_17 = tpu.memref_slice %arg6[%mul3A_2, %dma_wait3A_16] : memref<1024x768xf32, #tpu.memory_space<hbm>> -> memref<32x768xf32, #tpu.memory_space<hbm>>
      %dma_wait3A_18 = arith.constant 0 : i32
      %dma_wait3A_19 = tpu.memref_slice %arg6[%mul3A_2, %dma_wait3A_18] : memref<1024x768xf32, #tpu.memory_space<hbm>> -> memref<32x768xf32, #tpu.memory_space<hbm>>
      tpu.wait_dma2 semaphore(%run_scoped3A : memref<!tpu.dma_semaphore, #tpu.memory_space<semaphore_mem>>) src(%arg8 : memref<32x768xf32, #tpu.memory_space<vmem>>) dst(%dma_wait3A_19 : memref<32x768xf32, #tpu.memory_space<hbm>>)
      tpu.yield
    }) : () -> ()
    return
  }
}

module attributes {stable_mosaic.version = 14 : i64} {
  func.func @_ffn_body(%arg0: i32, %arg1: memref<80xi32, #tpu.memory_space<smem>>, %arg2: memref<512x768xf32, #tpu.memory_space<vmem>>, %arg3: memref<1x128x768xf32, #tpu.memory_space<vmem>>, %arg4: memref<1x128x768xf32, #tpu.memory_space<vmem>>, %arg5: memref<1x384x128xf32, #tpu.memory_space<vmem>>, %arg6: memref<1x384x128xf32, #tpu.memory_space<vmem>>, %arg7: memref<1x128x768xf32, #tpu.memory_space<vmem>>, %arg8: memref<1x128x768xf32, #tpu.memory_space<vmem>>, %arg9: memref<1x384x128xf32, #tpu.memory_space<vmem>>, %arg10: memref<1x384x128xf32, #tpu.memory_space<vmem>>, %arg11: memref<1x128x768xf32, #tpu.memory_space<vmem>>, %arg12: memref<1x128x768xf32, #tpu.memory_space<vmem>>, %arg13: memref<1x384x128xf32, #tpu.memory_space<vmem>>, %arg14: memref<1x384x128xf32, #tpu.memory_space<vmem>>, %arg15: memref<1x128x768xf32, #tpu.memory_space<vmem>>, %arg16: memref<1x128x768xf32, #tpu.memory_space<vmem>>, %arg17: memref<1x384x128xf32, #tpu.memory_space<vmem>>, %arg18: memref<1x384x128xf32, #tpu.memory_space<vmem>>, %arg19: memref<1x128x768xf32, #tpu.memory_space<vmem>>, %arg20: memref<1x128x768xf32, #tpu.memory_space<vmem>>, %arg21: memref<1x384x128xf32, #tpu.memory_space<vmem>>, %arg22: memref<1x384x128xf32, #tpu.memory_space<vmem>>, %arg23: memref<1x128x768xf32, #tpu.memory_space<vmem>>, %arg24: memref<1x128x768xf32, #tpu.memory_space<vmem>>, %arg25: memref<1x384x128xf32, #tpu.memory_space<vmem>>, %arg26: memref<1x384x128xf32, #tpu.memory_space<vmem>>, %arg27: memref<1x128x768xf32, #tpu.memory_space<vmem>>, %arg28: memref<1x128x768xf32, #tpu.memory_space<vmem>>, %arg29: memref<1x384x128xf32, #tpu.memory_space<vmem>>, %arg30: memref<1x384x128xf32, #tpu.memory_space<vmem>>, %arg31: memref<1x128x768xf32, #tpu.memory_space<vmem>>, %arg32: memref<1x128x768xf32, #tpu.memory_space<vmem>>, %arg33: memref<1x384x128xf32, #tpu.memory_space<vmem>>, %arg34: memref<1x384x128xf32, #tpu.memory_space<vmem>>, %arg35: memref<512x768xf32, #tpu.memory_space<vmem>>) attributes {dimension_semantics = [#tpu.dimension_semantics<arbitrary>], iteration_bounds = array<i64: 10>, scalar_prefetch = 1 : i64, scratch_operands = 0 : i64, tpu.core_type = #tpu.core_type<tc>, window_params = [{transform_indices = @transform_0, window_bounds = array<i64: 512, 768>}, {transform_indices = @transform_1, window_bounds = array<i64: 1, 128, 768>}, {transform_indices = @transform_2, window_bounds = array<i64: 1, 128, 768>}, {transform_indices = @transform_3, window_bounds = array<i64: 1, 384, 128>}, {transform_indices = @transform_4, window_bounds = array<i64: 1, 384, 128>}, {transform_indices = @transform_5, window_bounds = array<i64: 1, 128, 768>}, {transform_indices = @transform_6, window_bounds = array<i64: 1, 128, 768>}, {transform_indices = @transform_7, window_bounds = array<i64: 1, 384, 128>}, {transform_indices = @transform_8, window_bounds = array<i64: 1, 384, 128>}, {transform_indices = @transform_9, window_bounds = array<i64: 1, 128, 768>}, {transform_indices = @transform_10, window_bounds = array<i64: 1, 128, 768>}, {transform_indices = @transform_11, window_bounds = array<i64: 1, 384, 128>}, {transform_indices = @transform_12, window_bounds = array<i64: 1, 384, 128>}, {transform_indices = @transform_13, window_bounds = array<i64: 1, 128, 768>}, {transform_indices = @transform_14, window_bounds = array<i64: 1, 128, 768>}, {transform_indices = @transform_15, window_bounds = array<i64: 1, 384, 128>}, {transform_indices = @transform_16, window_bounds = array<i64: 1, 384, 128>}, {transform_indices = @transform_17, window_bounds = array<i64: 1, 128, 768>}, {transform_indices = @transform_18, window_bounds = array<i64: 1, 128, 768>}, {transform_indices = @transform_19, window_bounds = array<i64: 1, 384, 128>}, {transform_indices = @transform_20, window_bounds = array<i64: 1, 384, 128>}, {transform_indices = @transform_21, window_bounds = array<i64: 1, 128, 768>}, {transform_indices = @transform_22, window_bounds = array<i64: 1, 128, 768>}, {transform_indices = @transform_23, window_bounds = array<i64: 1, 384, 128>}, {transform_indices = @transform_24, window_bounds = array<i64: 1, 384, 128>}, {transform_indices = @transform_25, window_bounds = array<i64: 1, 128, 768>}, {transform_indices = @transform_26, window_bounds = array<i64: 1, 128, 768>}, {transform_indices = @transform_27, window_bounds = array<i64: 1, 384, 128>}, {transform_indices = @transform_28, window_bounds = array<i64: 1, 384, 128>}, {transform_indices = @transform_29, window_bounds = array<i64: 1, 128, 768>}, {transform_indices = @transform_30, window_bounds = array<i64: 1, 128, 768>}, {transform_indices = @transform_31, window_bounds = array<i64: 1, 384, 128>}, {transform_indices = @transform_32, window_bounds = array<i64: 1, 384, 128>}, {transform_indices = @transform_33, window_bounds = array<i64: 512, 768>}]} {
    %get3A = arith.constant 0 : index
    %get3A_0 = arith.constant 0 : index
    %get3A_1 = vector.load %arg2[%get3A, %get3A_0] : memref<512x768xf32, #tpu.memory_space<vmem>>, vector<512x768xf32>
    %slice3A = vector.extract_strided_slice %get3A_1 {offsets = [0, 0], sizes = [64, 768], strides = [1, 1]} : vector<512x768xf32> to vector<64x768xf32>
    %get3A_2 = arith.constant 0 : index
    %get3A_3 = arith.constant 0 : index
    %get3A_4 = arith.constant 0 : index
    %get3A_5 = vector.load %arg3[%get3A_2, %get3A_3, %get3A_4] : memref<1x128x768xf32, #tpu.memory_space<vmem>>, vector<1x128x768xf32>
    %get3A_6 = vector.shape_cast %get3A_5 : vector<1x128x768xf32> to vector<128x768xf32>
    %dot_general3A = arith.constant dense<0.000000e+00> : vector<64x128xf32>
    %dot_general3A_7 = tpu.matmul %slice3A, %get3A_6, %dot_general3A {dimension_numbers = #tpu.dot_dimension_numbers<[1], [1], [0], [0], [0, 0, 1, 0], [], []>, transpose_lhs_hint = false} : vector<64x768xf32>, vector<128x768xf32>, vector<64x128xf32> -> vector<64x128xf32>
    %get3A_8 = arith.constant 0 : index
    %get3A_9 = arith.constant 0 : index
    %get3A_10 = arith.constant 0 : index
    %get3A_11 = vector.load %arg4[%get3A_8, %get3A_9, %get3A_10] : memref<1x128x768xf32, #tpu.memory_space<vmem>>, vector<1x128x768xf32>
    %get3A_12 = vector.shape_cast %get3A_11 : vector<1x128x768xf32> to vector<128x768xf32>
    %dot_general3A_13 = arith.constant dense<0.000000e+00> : vector<64x128xf32>
    %dot_general3A_14 = tpu.matmul %slice3A, %get3A_12, %dot_general3A_13 {dimension_numbers = #tpu.dot_dimension_numbers<[1], [1], [0], [0], [0, 0, 1, 0], [], []>, transpose_lhs_hint = false} : vector<64x768xf32>, vector<128x768xf32>, vector<64x128xf32> -> vector<64x128xf32>
    %logistic3A = arith.negf %dot_general3A_7 : vector<64x128xf32>
    %logistic3A_15 = math.exp %logistic3A : vector<64x128xf32>
    %logistic3A_16 = arith.constant 1.000000e+00 : f32
    %logistic3A_17 = vector.broadcast %logistic3A_16 : f32 to vector<64x128xf32>
    %logistic3A_18 = arith.addf %logistic3A_17, %logistic3A_15 : vector<64x128xf32>
    %logistic3A_19 = arith.divf %logistic3A_17, %logistic3A_18 : vector<64x128xf32>
    %mul3A = arith.mulf %dot_general3A_7, %logistic3A_19 : vector<64x128xf32>
    %mul3A_20 = arith.mulf %mul3A, %dot_general3A_14 : vector<64x128xf32>
    %get3A_21 = arith.constant 0 : index
    %get3A_22 = arith.constant 0 : index
    %get3A_23 = arith.constant 0 : index
    %get3A_24 = vector.load %arg5[%get3A_21, %get3A_22, %get3A_23] : memref<1x384x128xf32, #tpu.memory_space<vmem>>, vector<1x384x128xf32>
    %get3A_25 = vector.shape_cast %get3A_24 : vector<1x384x128xf32> to vector<384x128xf32>
    %dot_general3A_26 = arith.constant dense<0.000000e+00> : vector<64x384xf32>
    %dot_general3A_27 = tpu.matmul %mul3A_20, %get3A_25, %dot_general3A_26 {dimension_numbers = #tpu.dot_dimension_numbers<[1], [1], [0], [0], [0, 0, 1, 0], [], []>, transpose_lhs_hint = false} : vector<64x128xf32>, vector<384x128xf32>, vector<64x384xf32> -> vector<64x384xf32>
    %get3A_28 = arith.constant 0 : index
    %get3A_29 = arith.constant 0 : index
    %get3A_30 = arith.constant 0 : index
    %get3A_31 = vector.load %arg6[%get3A_28, %get3A_29, %get3A_30] : memref<1x384x128xf32, #tpu.memory_space<vmem>>, vector<1x384x128xf32>
    %get3A_32 = vector.shape_cast %get3A_31 : vector<1x384x128xf32> to vector<384x128xf32>
    %dot_general3A_33 = arith.constant dense<0.000000e+00> : vector<64x384xf32>
    %dot_general3A_34 = tpu.matmul %mul3A_20, %get3A_32, %dot_general3A_33 {dimension_numbers = #tpu.dot_dimension_numbers<[1], [1], [0], [0], [0, 0, 1, 0], [], []>, transpose_lhs_hint = false} : vector<64x128xf32>, vector<384x128xf32>, vector<64x384xf32> -> vector<64x384xf32>
    %swap3A = arith.constant 0 : index
    %swap3A_35 = arith.constant 0 : index
    %swap3A_36 = vector.load %arg35[%swap3A, %swap3A_35] : memref<512x768xf32, #tpu.memory_space<vmem>>, vector<64x384xf32>
    tpu.vector_store %arg35[%swap3A, %swap3A_35], %dot_general3A_27 {strides = array<i32>} : memref<512x768xf32, #tpu.memory_space<vmem>>, vector<64x384xf32>,
    %swap3A_37 = arith.constant 0 : index
    %swap3A_38 = arith.constant 384 : index
    %swap3A_39 = vector.load %arg35[%swap3A_37, %swap3A_38] : memref<512x768xf32, #tpu.memory_space<vmem>>, vector<64x384xf32>
    tpu.vector_store %arg35[%swap3A_37, %swap3A_38], %dot_general3A_34 {strides = array<i32>} : memref<512x768xf32, #tpu.memory_space<vmem>>, vector<64x384xf32>,
    %slice3A_40 = vector.extract_strided_slice %get3A_1 {offsets = [64, 0], sizes = [64, 768], strides = [1, 1]} : vector<512x768xf32> to vector<64x768xf32>
    %get3A_41 = arith.constant 0 : index
    %get3A_42 = arith.constant 0 : index
    %get3A_43 = arith.constant 0 : index
    %get3A_44 = vector.load %arg7[%get3A_41, %get3A_42, %get3A_43] : memref<1x128x768xf32, #tpu.memory_space<vmem>>, vector<1x128x768xf32>
    %get3A_45 = vector.shape_cast %get3A_44 : vector<1x128x768xf32> to vector<128x768xf32>
    %dot_general3A_46 = arith.constant dense<0.000000e+00> : vector<64x128xf32>
    %dot_general3A_47 = tpu.matmul %slice3A_40, %get3A_45, %dot_general3A_46 {dimension_numbers = #tpu.dot_dimension_numbers<[1], [1], [0], [0], [0, 0, 1, 0], [], []>, transpose_lhs_hint = false} : vector<64x768xf32>, vector<128x768xf32>, vector<64x128xf32> -> vector<64x128xf32>
    %get3A_48 = arith.constant 0 : index
    %get3A_49 = arith.constant 0 : index
    %get3A_50 = arith.constant 0 : index
    %get3A_51 = vector.load %arg8[%get3A_48, %get3A_49, %get3A_50] : memref<1x128x768xf32, #tpu.memory_space<vmem>>, vector<1x128x768xf32>
    %get3A_52 = vector.shape_cast %get3A_51 : vector<1x128x768xf32> to vector<128x768xf32>
    %dot_general3A_53 = arith.constant dense<0.000000e+00> : vector<64x128xf32>
    %dot_general3A_54 = tpu.matmul %slice3A_40, %get3A_52, %dot_general3A_53 {dimension_numbers = #tpu.dot_dimension_numbers<[1], [1], [0], [0], [0, 0, 1, 0], [], []>, transpose_lhs_hint = false} : vector<64x768xf32>, vector<128x768xf32>, vector<64x128xf32> -> vector<64x128xf32>
    %logistic3A_55 = arith.negf %dot_general3A_47 : vector<64x128xf32>
    %logistic3A_56 = math.exp %logistic3A_55 : vector<64x128xf32>
    %logistic3A_57 = arith.constant 1.000000e+00 : f32
    %logistic3A_58 = vector.broadcast %logistic3A_57 : f32 to vector<64x128xf32>
    %logistic3A_59 = arith.addf %logistic3A_58, %logistic3A_56 : vector<64x128xf32>
    %logistic3A_60 = arith.divf %logistic3A_58, %logistic3A_59 : vector<64x128xf32>
    %mul3A_61 = arith.mulf %dot_general3A_47, %logistic3A_60 : vector<64x128xf32>
    %mul3A_62 = arith.mulf %mul3A_61, %dot_general3A_54 : vector<64x128xf32>
    %get3A_63 = arith.constant 0 : index
    %get3A_64 = arith.constant 0 : index
    %get3A_65 = arith.constant 0 : index
    %get3A_66 = vector.load %arg9[%get3A_63, %get3A_64, %get3A_65] : memref<1x384x128xf32, #tpu.memory_space<vmem>>, vector<1x384x128xf32>
    %get3A_67 = vector.shape_cast %get3A_66 : vector<1x384x128xf32> to vector<384x128xf32>
    %dot_general3A_68 = arith.constant dense<0.000000e+00> : vector<64x384xf32>
    %dot_general3A_69 = tpu.matmul %mul3A_62, %get3A_67, %dot_general3A_68 {dimension_numbers = #tpu.dot_dimension_numbers<[1], [1], [0], [0], [0, 0, 1, 0], [], []>, transpose_lhs_hint = false} : vector<64x128xf32>, vector<384x128xf32>, vector<64x384xf32> -> vector<64x384xf32>
    %get3A_70 = arith.constant 0 : index
    %get3A_71 = arith.constant 0 : index
    %get3A_72 = arith.constant 0 : index
    %get3A_73 = vector.load %arg10[%get3A_70, %get3A_71, %get3A_72] : memref<1x384x128xf32, #tpu.memory_space<vmem>>, vector<1x384x128xf32>
    %get3A_74 = vector.shape_cast %get3A_73 : vector<1x384x128xf32> to vector<384x128xf32>
    %dot_general3A_75 = arith.constant dense<0.000000e+00> : vector<64x384xf32>
    %dot_general3A_76 = tpu.matmul %mul3A_62, %get3A_74, %dot_general3A_75 {dimension_numbers = #tpu.dot_dimension_numbers<[1], [1], [0], [0], [0, 0, 1, 0], [], []>, transpose_lhs_hint = false} : vector<64x128xf32>, vector<384x128xf32>, vector<64x384xf32> -> vector<64x384xf32>
    %swap3A_77 = arith.constant 64 : index
    %swap3A_78 = arith.constant 0 : index
    %swap3A_79 = vector.load %arg35[%swap3A_77, %swap3A_78] : memref<512x768xf32, #tpu.memory_space<vmem>>, vector<64x384xf32>
    tpu.vector_store %arg35[%swap3A_77, %swap3A_78], %dot_general3A_69 {strides = array<i32>} : memref<512x768xf32, #tpu.memory_space<vmem>>, vector<64x384xf32>,
    %swap3A_80 = arith.constant 64 : index
    %swap3A_81 = arith.constant 384 : index
    %swap3A_82 = vector.load %arg35[%swap3A_80, %swap3A_81] : memref<512x768xf32, #tpu.memory_space<vmem>>, vector<64x384xf32>
    tpu.vector_store %arg35[%swap3A_80, %swap3A_81], %dot_general3A_76 {strides = array<i32>} : memref<512x768xf32, #tpu.memory_space<vmem>>, vector<64x384xf32>,
    %slice3A_83 = vector.extract_strided_slice %get3A_1 {offsets = [128, 0], sizes = [64, 768], strides = [1, 1]} : vector<512x768xf32> to vector<64x768xf32>
    %get3A_84 = arith.constant 0 : index
    %get3A_85 = arith.constant 0 : index
    %get3A_86 = arith.constant 0 : index
    %get3A_87 = vector.load %arg11[%get3A_84, %get3A_85, %get3A_86] : memref<1x128x768xf32, #tpu.memory_space<vmem>>, vector<1x128x768xf32>
    %get3A_88 = vector.shape_cast %get3A_87 : vector<1x128x768xf32> to vector<128x768xf32>
    %dot_general3A_89 = arith.constant dense<0.000000e+00> : vector<64x128xf32>
    %dot_general3A_90 = tpu.matmul %slice3A_83, %get3A_88, %dot_general3A_89 {dimension_numbers = #tpu.dot_dimension_numbers<[1], [1], [0], [0], [0, 0, 1, 0], [], []>, transpose_lhs_hint = false} : vector<64x768xf32>, vector<128x768xf32>, vector<64x128xf32> -> vector<64x128xf32>
    %get3A_91 = arith.constant 0 : index
    %get3A_92 = arith.constant 0 : index
    %get3A_93 = arith.constant 0 : index
    %get3A_94 = vector.load %arg12[%get3A_91, %get3A_92, %get3A_93] : memref<1x128x768xf32, #tpu.memory_space<vmem>>, vector<1x128x768xf32>
    %get3A_95 = vector.shape_cast %get3A_94 : vector<1x128x768xf32> to vector<128x768xf32>
    %dot_general3A_96 = arith.constant dense<0.000000e+00> : vector<64x128xf32>
    %dot_general3A_97 = tpu.matmul %slice3A_83, %get3A_95, %dot_general3A_96 {dimension_numbers = #tpu.dot_dimension_numbers<[1], [1], [0], [0], [0, 0, 1, 0], [], []>, transpose_lhs_hint = false} : vector<64x768xf32>, vector<128x768xf32>, vector<64x128xf32> -> vector<64x128xf32>
    %logistic3A_98 = arith.negf %dot_general3A_90 : vector<64x128xf32>
    %logistic3A_99 = math.exp %logistic3A_98 : vector<64x128xf32>
    %logistic3A_100 = arith.constant 1.000000e+00 : f32
    %logistic3A_101 = vector.broadcast %logistic3A_100 : f32 to vector<64x128xf32>
    %logistic3A_102 = arith.addf %logistic3A_101, %logistic3A_99 : vector<64x128xf32>
    %logistic3A_103 = arith.divf %logistic3A_101, %logistic3A_102 : vector<64x128xf32>
    %mul3A_104 = arith.mulf %dot_general3A_90, %logistic3A_103 : vector<64x128xf32>
    %mul3A_105 = arith.mulf %mul3A_104, %dot_general3A_97 : vector<64x128xf32>
    %get3A_106 = arith.constant 0 : index
    %get3A_107 = arith.constant 0 : index
    %get3A_108 = arith.constant 0 : index
    %get3A_109 = vector.load %arg13[%get3A_106, %get3A_107, %get3A_108] : memref<1x384x128xf32, #tpu.memory_space<vmem>>, vector<1x384x128xf32>
    %get3A_110 = vector.shape_cast %get3A_109 : vector<1x384x128xf32> to vector<384x128xf32>
    %dot_general3A_111 = arith.constant dense<0.000000e+00> : vector<64x384xf32>
    %dot_general3A_112 = tpu.matmul %mul3A_105, %get3A_110, %dot_general3A_111 {dimension_numbers = #tpu.dot_dimension_numbers<[1], [1], [0], [0], [0, 0, 1, 0], [], []>, transpose_lhs_hint = false} : vector<64x128xf32>, vector<384x128xf32>, vector<64x384xf32> -> vector<64x384xf32>
    %get3A_113 = arith.constant 0 : index
    %get3A_114 = arith.constant 0 : index
    %get3A_115 = arith.constant 0 : index
    %get3A_116 = vector.load %arg14[%get3A_113, %get3A_114, %get3A_115] : memref<1x384x128xf32, #tpu.memory_space<vmem>>, vector<1x384x128xf32>
    %get3A_117 = vector.shape_cast %get3A_116 : vector<1x384x128xf32> to vector<384x128xf32>
    %dot_general3A_118 = arith.constant dense<0.000000e+00> : vector<64x384xf32>
    %dot_general3A_119 = tpu.matmul %mul3A_105, %get3A_117, %dot_general3A_118 {dimension_numbers = #tpu.dot_dimension_numbers<[1], [1], [0], [0], [0, 0, 1, 0], [], []>, transpose_lhs_hint = false} : vector<64x128xf32>, vector<384x128xf32>, vector<64x384xf32> -> vector<64x384xf32>
    %swap3A_120 = arith.constant 128 : index
    %swap3A_121 = arith.constant 0 : index
    %swap3A_122 = vector.load %arg35[%swap3A_120, %swap3A_121] : memref<512x768xf32, #tpu.memory_space<vmem>>, vector<64x384xf32>
    tpu.vector_store %arg35[%swap3A_120, %swap3A_121], %dot_general3A_112 {strides = array<i32>} : memref<512x768xf32, #tpu.memory_space<vmem>>, vector<64x384xf32>,
    %swap3A_123 = arith.constant 128 : index
    %swap3A_124 = arith.constant 384 : index
    %swap3A_125 = vector.load %arg35[%swap3A_123, %swap3A_124] : memref<512x768xf32, #tpu.memory_space<vmem>>, vector<64x384xf32>
    tpu.vector_store %arg35[%swap3A_123, %swap3A_124], %dot_general3A_119 {strides = array<i32>} : memref<512x768xf32, #tpu.memory_space<vmem>>, vector<64x384xf32>,
    %slice3A_126 = vector.extract_strided_slice %get3A_1 {offsets = [192, 0], sizes = [64, 768], strides = [1, 1]} : vector<512x768xf32> to vector<64x768xf32>
    %get3A_127 = arith.constant 0 : index
    %get3A_128 = arith.constant 0 : index
    %get3A_129 = arith.constant 0 : index
    %get3A_130 = vector.load %arg15[%get3A_127, %get3A_128, %get3A_129] : memref<1x128x768xf32, #tpu.memory_space<vmem>>, vector<1x128x768xf32>
    %get3A_131 = vector.shape_cast %get3A_130 : vector<1x128x768xf32> to vector<128x768xf32>
    %dot_general3A_132 = arith.constant dense<0.000000e+00> : vector<64x128xf32>
    %dot_general3A_133 = tpu.matmul %slice3A_126, %get3A_131, %dot_general3A_132 {dimension_numbers = #tpu.dot_dimension_numbers<[1], [1], [0], [0], [0, 0, 1, 0], [], []>, transpose_lhs_hint = false} : vector<64x768xf32>, vector<128x768xf32>, vector<64x128xf32> -> vector<64x128xf32>
    %get3A_134 = arith.constant 0 : index
    %get3A_135 = arith.constant 0 : index
    %get3A_136 = arith.constant 0 : index
    %get3A_137 = vector.load %arg16[%get3A_134, %get3A_135, %get3A_136] : memref<1x128x768xf32, #tpu.memory_space<vmem>>, vector<1x128x768xf32>
    %get3A_138 = vector.shape_cast %get3A_137 : vector<1x128x768xf32> to vector<128x768xf32>
    %dot_general3A_139 = arith.constant dense<0.000000e+00> : vector<64x128xf32>
    %dot_general3A_140 = tpu.matmul %slice3A_126, %get3A_138, %dot_general3A_139 {dimension_numbers = #tpu.dot_dimension_numbers<[1], [1], [0], [0], [0, 0, 1, 0], [], []>, transpose_lhs_hint = false} : vector<64x768xf32>, vector<128x768xf32>, vector<64x128xf32> -> vector<64x128xf32>
    %logistic3A_141 = arith.negf %dot_general3A_133 : vector<64x128xf32>
    %logistic3A_142 = math.exp %logistic3A_141 : vector<64x128xf32>
    %logistic3A_143 = arith.constant 1.000000e+00 : f32
    %logistic3A_144 = vector.broadcast %logistic3A_143 : f32 to vector<64x128xf32>
    %logistic3A_145 = arith.addf %logistic3A_144, %logistic3A_142 : vector<64x128xf32>
    %logistic3A_146 = arith.divf %logistic3A_144, %logistic3A_145 : vector<64x128xf32>
    %mul3A_147 = arith.mulf %dot_general3A_133, %logistic3A_146 : vector<64x128xf32>
    %mul3A_148 = arith.mulf %mul3A_147, %dot_general3A_140 : vector<64x128xf32>
    %get3A_149 = arith.constant 0 : index
    %get3A_150 = arith.constant 0 : index
    %get3A_151 = arith.constant 0 : index
    %get3A_152 = vector.load %arg17[%get3A_149, %get3A_150, %get3A_151] : memref<1x384x128xf32, #tpu.memory_space<vmem>>, vector<1x384x128xf32>
    %get3A_153 = vector.shape_cast %get3A_152 : vector<1x384x128xf32> to vector<384x128xf32>
    %dot_general3A_154 = arith.constant dense<0.000000e+00> : vector<64x384xf32>
    %dot_general3A_155 = tpu.matmul %mul3A_148, %get3A_153, %dot_general3A_154 {dimension_numbers = #tpu.dot_dimension_numbers<[1], [1], [0], [0], [0, 0, 1, 0], [], []>, transpose_lhs_hint = false} : vector<64x128xf32>, vector<384x128xf32>, vector<64x384xf32> -> vector<64x384xf32>
    %get3A_156 = arith.constant 0 : index
    %get3A_157 = arith.constant 0 : index
    %get3A_158 = arith.constant 0 : index
    %get3A_159 = vector.load %arg18[%get3A_156, %get3A_157, %get3A_158] : memref<1x384x128xf32, #tpu.memory_space<vmem>>, vector<1x384x128xf32>
    %get3A_160 = vector.shape_cast %get3A_159 : vector<1x384x128xf32> to vector<384x128xf32>
    %dot_general3A_161 = arith.constant dense<0.000000e+00> : vector<64x384xf32>
    %dot_general3A_162 = tpu.matmul %mul3A_148, %get3A_160, %dot_general3A_161 {dimension_numbers = #tpu.dot_dimension_numbers<[1], [1], [0], [0], [0, 0, 1, 0], [], []>, transpose_lhs_hint = false} : vector<64x128xf32>, vector<384x128xf32>, vector<64x384xf32> -> vector<64x384xf32>
    %swap3A_163 = arith.constant 192 : index
    %swap3A_164 = arith.constant 0 : index
    %swap3A_165 = vector.load %arg35[%swap3A_163, %swap3A_164] : memref<512x768xf32, #tpu.memory_space<vmem>>, vector<64x384xf32>
    tpu.vector_store %arg35[%swap3A_163, %swap3A_164], %dot_general3A_155 {strides = array<i32>} : memref<512x768xf32, #tpu.memory_space<vmem>>, vector<64x384xf32>,
    %swap3A_166 = arith.constant 192 : index
    %swap3A_167 = arith.constant 384 : index
    %swap3A_168 = vector.load %arg35[%swap3A_166, %swap3A_167] : memref<512x768xf32, #tpu.memory_space<vmem>>, vector<64x384xf32>
    tpu.vector_store %arg35[%swap3A_166, %swap3A_167], %dot_general3A_162 {strides = array<i32>} : memref<512x768xf32, #tpu.memory_space<vmem>>, vector<64x384xf32>,
    %slice3A_169 = vector.extract_strided_slice %get3A_1 {offsets = [256, 0], sizes = [64, 768], strides = [1, 1]} : vector<512x768xf32> to vector<64x768xf32>
    %get3A_170 = arith.constant 0 : index
    %get3A_171 = arith.constant 0 : index
    %get3A_172 = arith.constant 0 : index
    %get3A_173 = vector.load %arg19[%get3A_170, %get3A_171, %get3A_172] : memref<1x128x768xf32, #tpu.memory_space<vmem>>, vector<1x128x768xf32>
    %get3A_174 = vector.shape_cast %get3A_173 : vector<1x128x768xf32> to vector<128x768xf32>
    %dot_general3A_175 = arith.constant dense<0.000000e+00> : vector<64x128xf32>
    %dot_general3A_176 = tpu.matmul %slice3A_169, %get3A_174, %dot_general3A_175 {dimension_numbers = #tpu.dot_dimension_numbers<[1], [1], [0], [0], [0, 0, 1, 0], [], []>, transpose_lhs_hint = false} : vector<64x768xf32>, vector<128x768xf32>, vector<64x128xf32> -> vector<64x128xf32>
    %get3A_177 = arith.constant 0 : index
    %get3A_178 = arith.constant 0 : index
    %get3A_179 = arith.constant 0 : index
    %get3A_180 = vector.load %arg20[%get3A_177, %get3A_178, %get3A_179] : memref<1x128x768xf32, #tpu.memory_space<vmem>>, vector<1x128x768xf32>
    %get3A_181 = vector.shape_cast %get3A_180 : vector<1x128x768xf32> to vector<128x768xf32>
    %dot_general3A_182 = arith.constant dense<0.000000e+00> : vector<64x128xf32>
    %dot_general3A_183 = tpu.matmul %slice3A_169, %get3A_181, %dot_general3A_182 {dimension_numbers = #tpu.dot_dimension_numbers<[1], [1], [0], [0], [0, 0, 1, 0], [], []>, transpose_lhs_hint = false} : vector<64x768xf32>, vector<128x768xf32>, vector<64x128xf32> -> vector<64x128xf32>
    %logistic3A_184 = arith.negf %dot_general3A_176 : vector<64x128xf32>
    %logistic3A_185 = math.exp %logistic3A_184 : vector<64x128xf32>
    %logistic3A_186 = arith.constant 1.000000e+00 : f32
    %logistic3A_187 = vector.broadcast %logistic3A_186 : f32 to vector<64x128xf32>
    %logistic3A_188 = arith.addf %logistic3A_187, %logistic3A_185 : vector<64x128xf32>
    %logistic3A_189 = arith.divf %logistic3A_187, %logistic3A_188 : vector<64x128xf32>
    %mul3A_190 = arith.mulf %dot_general3A_176, %logistic3A_189 : vector<64x128xf32>
    %mul3A_191 = arith.mulf %mul3A_190, %dot_general3A_183 : vector<64x128xf32>
    %get3A_192 = arith.constant 0 : index
    %get3A_193 = arith.constant 0 : index
    %get3A_194 = arith.constant 0 : index
    %get3A_195 = vector.load %arg21[%get3A_192, %get3A_193, %get3A_194] : memref<1x384x128xf32, #tpu.memory_space<vmem>>, vector<1x384x128xf32>
    %get3A_196 = vector.shape_cast %get3A_195 : vector<1x384x128xf32> to vector<384x128xf32>
    %dot_general3A_197 = arith.constant dense<0.000000e+00> : vector<64x384xf32>
    %dot_general3A_198 = tpu.matmul %mul3A_191, %get3A_196, %dot_general3A_197 {dimension_numbers = #tpu.dot_dimension_numbers<[1], [1], [0], [0], [0, 0, 1, 0], [], []>, transpose_lhs_hint = false} : vector<64x128xf32>, vector<384x128xf32>, vector<64x384xf32> -> vector<64x384xf32>
    %get3A_199 = arith.constant 0 : index
    %get3A_200 = arith.constant 0 : index
    %get3A_201 = arith.constant 0 : index
    %get3A_202 = vector.load %arg22[%get3A_199, %get3A_200, %get3A_201] : memref<1x384x128xf32, #tpu.memory_space<vmem>>, vector<1x384x128xf32>
    %get3A_203 = vector.shape_cast %get3A_202 : vector<1x384x128xf32> to vector<384x128xf32>
    %dot_general3A_204 = arith.constant dense<0.000000e+00> : vector<64x384xf32>
    %dot_general3A_205 = tpu.matmul %mul3A_191, %get3A_203, %dot_general3A_204 {dimension_numbers = #tpu.dot_dimension_numbers<[1], [1], [0], [0], [0, 0, 1, 0], [], []>, transpose_lhs_hint = false} : vector<64x128xf32>, vector<384x128xf32>, vector<64x384xf32> -> vector<64x384xf32>
    %swap3A_206 = arith.constant 256 : index
    %swap3A_207 = arith.constant 0 : index
    %swap3A_208 = vector.load %arg35[%swap3A_206, %swap3A_207] : memref<512x768xf32, #tpu.memory_space<vmem>>, vector<64x384xf32>
    tpu.vector_store %arg35[%swap3A_206, %swap3A_207], %dot_general3A_198 {strides = array<i32>} : memref<512x768xf32, #tpu.memory_space<vmem>>, vector<64x384xf32>,
    %swap3A_209 = arith.constant 256 : index
    %swap3A_210 = arith.constant 384 : index
    %swap3A_211 = vector.load %arg35[%swap3A_209, %swap3A_210] : memref<512x768xf32, #tpu.memory_space<vmem>>, vector<64x384xf32>
    tpu.vector_store %arg35[%swap3A_209, %swap3A_210], %dot_general3A_205 {strides = array<i32>} : memref<512x768xf32, #tpu.memory_space<vmem>>, vector<64x384xf32>,
    %slice3A_212 = vector.extract_strided_slice %get3A_1 {offsets = [320, 0], sizes = [64, 768], strides = [1, 1]} : vector<512x768xf32> to vector<64x768xf32>
    %get3A_213 = arith.constant 0 : index
    %get3A_214 = arith.constant 0 : index
    %get3A_215 = arith.constant 0 : index
    %get3A_216 = vector.load %arg23[%get3A_213, %get3A_214, %get3A_215] : memref<1x128x768xf32, #tpu.memory_space<vmem>>, vector<1x128x768xf32>
    %get3A_217 = vector.shape_cast %get3A_216 : vector<1x128x768xf32> to vector<128x768xf32>
    %dot_general3A_218 = arith.constant dense<0.000000e+00> : vector<64x128xf32>
    %dot_general3A_219 = tpu.matmul %slice3A_212, %get3A_217, %dot_general3A_218 {dimension_numbers = #tpu.dot_dimension_numbers<[1], [1], [0], [0], [0, 0, 1, 0], [], []>, transpose_lhs_hint = false} : vector<64x768xf32>, vector<128x768xf32>, vector<64x128xf32> -> vector<64x128xf32>
    %get3A_220 = arith.constant 0 : index
    %get3A_221 = arith.constant 0 : index
    %get3A_222 = arith.constant 0 : index
    %get3A_223 = vector.load %arg24[%get3A_220, %get3A_221, %get3A_222] : memref<1x128x768xf32, #tpu.memory_space<vmem>>, vector<1x128x768xf32>
    %get3A_224 = vector.shape_cast %get3A_223 : vector<1x128x768xf32> to vector<128x768xf32>
    %dot_general3A_225 = arith.constant dense<0.000000e+00> : vector<64x128xf32>
    %dot_general3A_226 = tpu.matmul %slice3A_212, %get3A_224, %dot_general3A_225 {dimension_numbers = #tpu.dot_dimension_numbers<[1], [1], [0], [0], [0, 0, 1, 0], [], []>, transpose_lhs_hint = false} : vector<64x768xf32>, vector<128x768xf32>, vector<64x128xf32> -> vector<64x128xf32>
    %logistic3A_227 = arith.negf %dot_general3A_219 : vector<64x128xf32>
    %logistic3A_228 = math.exp %logistic3A_227 : vector<64x128xf32>
    %logistic3A_229 = arith.constant 1.000000e+00 : f32
    %logistic3A_230 = vector.broadcast %logistic3A_229 : f32 to vector<64x128xf32>
    %logistic3A_231 = arith.addf %logistic3A_230, %logistic3A_228 : vector<64x128xf32>
    %logistic3A_232 = arith.divf %logistic3A_230, %logistic3A_231 : vector<64x128xf32>
    %mul3A_233 = arith.mulf %dot_general3A_219, %logistic3A_232 : vector<64x128xf32>
    %mul3A_234 = arith.mulf %mul3A_233, %dot_general3A_226 : vector<64x128xf32>
    %get3A_235 = arith.constant 0 : index
    %get3A_236 = arith.constant 0 : index
    %get3A_237 = arith.constant 0 : index
    %get3A_238 = vector.load %arg25[%get3A_235, %get3A_236, %get3A_237] : memref<1x384x128xf32, #tpu.memory_space<vmem>>, vector<1x384x128xf32>
    %get3A_239 = vector.shape_cast %get3A_238 : vector<1x384x128xf32> to vector<384x128xf32>
    %dot_general3A_240 = arith.constant dense<0.000000e+00> : vector<64x384xf32>
    %dot_general3A_241 = tpu.matmul %mul3A_234, %get3A_239, %dot_general3A_240 {dimension_numbers = #tpu.dot_dimension_numbers<[1], [1], [0], [0], [0, 0, 1, 0], [], []>, transpose_lhs_hint = false} : vector<64x128xf32>, vector<384x128xf32>, vector<64x384xf32> -> vector<64x384xf32>
    %get3A_242 = arith.constant 0 : index
    %get3A_243 = arith.constant 0 : index
    %get3A_244 = arith.constant 0 : index
    %get3A_245 = vector.load %arg26[%get3A_242, %get3A_243, %get3A_244] : memref<1x384x128xf32, #tpu.memory_space<vmem>>, vector<1x384x128xf32>
    %get3A_246 = vector.shape_cast %get3A_245 : vector<1x384x128xf32> to vector<384x128xf32>
    %dot_general3A_247 = arith.constant dense<0.000000e+00> : vector<64x384xf32>
    %dot_general3A_248 = tpu.matmul %mul3A_234, %get3A_246, %dot_general3A_247 {dimension_numbers = #tpu.dot_dimension_numbers<[1], [1], [0], [0], [0, 0, 1, 0], [], []>, transpose_lhs_hint = false} : vector<64x128xf32>, vector<384x128xf32>, vector<64x384xf32> -> vector<64x384xf32>
    %swap3A_249 = arith.constant 320 : index
    %swap3A_250 = arith.constant 0 : index
    %swap3A_251 = vector.load %arg35[%swap3A_249, %swap3A_250] : memref<512x768xf32, #tpu.memory_space<vmem>>, vector<64x384xf32>
    tpu.vector_store %arg35[%swap3A_249, %swap3A_250], %dot_general3A_241 {strides = array<i32>} : memref<512x768xf32, #tpu.memory_space<vmem>>, vector<64x384xf32>,
    %swap3A_252 = arith.constant 320 : index
    %swap3A_253 = arith.constant 384 : index
    %swap3A_254 = vector.load %arg35[%swap3A_252, %swap3A_253] : memref<512x768xf32, #tpu.memory_space<vmem>>, vector<64x384xf32>
    tpu.vector_store %arg35[%swap3A_252, %swap3A_253], %dot_general3A_248 {strides = array<i32>} : memref<512x768xf32, #tpu.memory_space<vmem>>, vector<64x384xf32>,
    %slice3A_255 = vector.extract_strided_slice %get3A_1 {offsets = [384, 0], sizes = [64, 768], strides = [1, 1]} : vector<512x768xf32> to vector<64x768xf32>
    %get3A_256 = arith.constant 0 : index
    %get3A_257 = arith.constant 0 : index
    %get3A_258 = arith.constant 0 : index
    %get3A_259 = vector.load %arg27[%get3A_256, %get3A_257, %get3A_258] : memref<1x128x768xf32, #tpu.memory_space<vmem>>, vector<1x128x768xf32>
    %get3A_260 = vector.shape_cast %get3A_259 : vector<1x128x768xf32> to vector<128x768xf32>
    %dot_general3A_261 = arith.constant dense<0.000000e+00> : vector<64x128xf32>
    %dot_general3A_262 = tpu.matmul %slice3A_255, %get3A_260, %dot_general3A_261 {dimension_numbers = #tpu.dot_dimension_numbers<[1], [1], [0], [0], [0, 0, 1, 0], [], []>, transpose_lhs_hint = false} : vector<64x768xf32>, vector<128x768xf32>, vector<64x128xf32> -> vector<64x128xf32>
    %get3A_263 = arith.constant 0 : index
    %get3A_264 = arith.constant 0 : index
    %get3A_265 = arith.constant 0 : index
    %get3A_266 = vector.load %arg28[%get3A_263, %get3A_264, %get3A_265] : memref<1x128x768xf32, #tpu.memory_space<vmem>>, vector<1x128x768xf32>
    %get3A_267 = vector.shape_cast %get3A_266 : vector<1x128x768xf32> to vector<128x768xf32>
    %dot_general3A_268 = arith.constant dense<0.000000e+00> : vector<64x128xf32>
    %dot_general3A_269 = tpu.matmul %slice3A_255, %get3A_267, %dot_general3A_268 {dimension_numbers = #tpu.dot_dimension_numbers<[1], [1], [0], [0], [0, 0, 1, 0], [], []>, transpose_lhs_hint = false} : vector<64x768xf32>, vector<128x768xf32>, vector<64x128xf32> -> vector<64x128xf32>
    %logistic3A_270 = arith.negf %dot_general3A_262 : vector<64x128xf32>
    %logistic3A_271 = math.exp %logistic3A_270 : vector<64x128xf32>
    %logistic3A_272 = arith.constant 1.000000e+00 : f32
    %logistic3A_273 = vector.broadcast %logistic3A_272 : f32 to vector<64x128xf32>
    %logistic3A_274 = arith.addf %logistic3A_273, %logistic3A_271 : vector<64x128xf32>
    %logistic3A_275 = arith.divf %logistic3A_273, %logistic3A_274 : vector<64x128xf32>
    %mul3A_276 = arith.mulf %dot_general3A_262, %logistic3A_275 : vector<64x128xf32>
    %mul3A_277 = arith.mulf %mul3A_276, %dot_general3A_269 : vector<64x128xf32>
    %get3A_278 = arith.constant 0 : index
    %get3A_279 = arith.constant 0 : index
    %get3A_280 = arith.constant 0 : index
    %get3A_281 = vector.load %arg29[%get3A_278, %get3A_279, %get3A_280] : memref<1x384x128xf32, #tpu.memory_space<vmem>>, vector<1x384x128xf32>
    %get3A_282 = vector.shape_cast %get3A_281 : vector<1x384x128xf32> to vector<384x128xf32>
    %dot_general3A_283 = arith.constant dense<0.000000e+00> : vector<64x384xf32>
    %dot_general3A_284 = tpu.matmul %mul3A_277, %get3A_282, %dot_general3A_283 {dimension_numbers = #tpu.dot_dimension_numbers<[1], [1], [0], [0], [0, 0, 1, 0], [], []>, transpose_lhs_hint = false} : vector<64x128xf32>, vector<384x128xf32>, vector<64x384xf32> -> vector<64x384xf32>
    %get3A_285 = arith.constant 0 : index
    %get3A_286 = arith.constant 0 : index
    %get3A_287 = arith.constant 0 : index
    %get3A_288 = vector.load %arg30[%get3A_285, %get3A_286, %get3A_287] : memref<1x384x128xf32, #tpu.memory_space<vmem>>, vector<1x384x128xf32>
    %get3A_289 = vector.shape_cast %get3A_288 : vector<1x384x128xf32> to vector<384x128xf32>
    %dot_general3A_290 = arith.constant dense<0.000000e+00> : vector<64x384xf32>
    %dot_general3A_291 = tpu.matmul %mul3A_277, %get3A_289, %dot_general3A_290 {dimension_numbers = #tpu.dot_dimension_numbers<[1], [1], [0], [0], [0, 0, 1, 0], [], []>, transpose_lhs_hint = false} : vector<64x128xf32>, vector<384x128xf32>, vector<64x384xf32> -> vector<64x384xf32>
    %swap3A_292 = arith.constant 384 : index
    %swap3A_293 = arith.constant 0 : index
    %swap3A_294 = vector.load %arg35[%swap3A_292, %swap3A_293] : memref<512x768xf32, #tpu.memory_space<vmem>>, vector<64x384xf32>
    tpu.vector_store %arg35[%swap3A_292, %swap3A_293], %dot_general3A_284 {strides = array<i32>} : memref<512x768xf32, #tpu.memory_space<vmem>>, vector<64x384xf32>,
    %swap3A_295 = arith.constant 384 : index
    %swap3A_296 = arith.constant 384 : index
    %swap3A_297 = vector.load %arg35[%swap3A_295, %swap3A_296] : memref<512x768xf32, #tpu.memory_space<vmem>>, vector<64x384xf32>
    tpu.vector_store %arg35[%swap3A_295, %swap3A_296], %dot_general3A_291 {strides = array<i32>} : memref<512x768xf32, #tpu.memory_space<vmem>>, vector<64x384xf32>,
    %slice3A_298 = vector.extract_strided_slice %get3A_1 {offsets = [448, 0], sizes = [64, 768], strides = [1, 1]} : vector<512x768xf32> to vector<64x768xf32>
    %get3A_299 = arith.constant 0 : index
    %get3A_300 = arith.constant 0 : index
    %get3A_301 = arith.constant 0 : index
    %get3A_302 = vector.load %arg31[%get3A_299, %get3A_300, %get3A_301] : memref<1x128x768xf32, #tpu.memory_space<vmem>>, vector<1x128x768xf32>
    %get3A_303 = vector.shape_cast %get3A_302 : vector<1x128x768xf32> to vector<128x768xf32>
    %dot_general3A_304 = arith.constant dense<0.000000e+00> : vector<64x128xf32>
    %dot_general3A_305 = tpu.matmul %slice3A_298, %get3A_303, %dot_general3A_304 {dimension_numbers = #tpu.dot_dimension_numbers<[1], [1], [0], [0], [0, 0, 1, 0], [], []>, transpose_lhs_hint = false} : vector<64x768xf32>, vector<128x768xf32>, vector<64x128xf32> -> vector<64x128xf32>
    %get3A_306 = arith.constant 0 : index
    %get3A_307 = arith.constant 0 : index
    %get3A_308 = arith.constant 0 : index
    %get3A_309 = vector.load %arg32[%get3A_306, %get3A_307, %get3A_308] : memref<1x128x768xf32, #tpu.memory_space<vmem>>, vector<1x128x768xf32>
    %get3A_310 = vector.shape_cast %get3A_309 : vector<1x128x768xf32> to vector<128x768xf32>
    %dot_general3A_311 = arith.constant dense<0.000000e+00> : vector<64x128xf32>
    %dot_general3A_312 = tpu.matmul %slice3A_298, %get3A_310, %dot_general3A_311 {dimension_numbers = #tpu.dot_dimension_numbers<[1], [1], [0], [0], [0, 0, 1, 0], [], []>, transpose_lhs_hint = false} : vector<64x768xf32>, vector<128x768xf32>, vector<64x128xf32> -> vector<64x128xf32>
    %logistic3A_313 = arith.negf %dot_general3A_305 : vector<64x128xf32>
    %logistic3A_314 = math.exp %logistic3A_313 : vector<64x128xf32>
    %logistic3A_315 = arith.constant 1.000000e+00 : f32
    %logistic3A_316 = vector.broadcast %logistic3A_315 : f32 to vector<64x128xf32>
    %logistic3A_317 = arith.addf %logistic3A_316, %logistic3A_314 : vector<64x128xf32>
    %logistic3A_318 = arith.divf %logistic3A_316, %logistic3A_317 : vector<64x128xf32>
    %mul3A_319 = arith.mulf %dot_general3A_305, %logistic3A_318 : vector<64x128xf32>
    %mul3A_320 = arith.mulf %mul3A_319, %dot_general3A_312 : vector<64x128xf32>
    %get3A_321 = arith.constant 0 : index
    %get3A_322 = arith.constant 0 : index
    %get3A_323 = arith.constant 0 : index
    %get3A_324 = vector.load %arg33[%get3A_321, %get3A_322, %get3A_323] : memref<1x384x128xf32, #tpu.memory_space<vmem>>, vector<1x384x128xf32>
    %get3A_325 = vector.shape_cast %get3A_324 : vector<1x384x128xf32> to vector<384x128xf32>
    %dot_general3A_326 = arith.constant dense<0.000000e+00> : vector<64x384xf32>
    %dot_general3A_327 = tpu.matmul %mul3A_320, %get3A_325, %dot_general3A_326 {dimension_numbers = #tpu.dot_dimension_numbers<[1], [1], [0], [0], [0, 0, 1, 0], [], []>, transpose_lhs_hint = false} : vector<64x128xf32>, vector<384x128xf32>, vector<64x384xf32> -> vector<64x384xf32>
    %get3A_328 = arith.constant 0 : index
    %get3A_329 = arith.constant 0 : index
    %get3A_330 = arith.constant 0 : index
    %get3A_331 = vector.load %arg34[%get3A_328, %get3A_329, %get3A_330] : memref<1x384x128xf32, #tpu.memory_space<vmem>>, vector<1x384x128xf32>
    %get3A_332 = vector.shape_cast %get3A_331 : vector<1x384x128xf32> to vector<384x128xf32>
    %dot_general3A_333 = arith.constant dense<0.000000e+00> : vector<64x384xf32>
    %dot_general3A_334 = tpu.matmul %mul3A_320, %get3A_332, %dot_general3A_333 {dimension_numbers = #tpu.dot_dimension_numbers<[1], [1], [0], [0], [0, 0, 1, 0], [], []>, transpose_lhs_hint = false} : vector<64x128xf32>, vector<384x128xf32>, vector<64x384xf32> -> vector<64x384xf32>
    %swap3A_335 = arith.constant 448 : index
    %swap3A_336 = arith.constant 0 : index
    %swap3A_337 = vector.load %arg35[%swap3A_335, %swap3A_336] : memref<512x768xf32, #tpu.memory_space<vmem>>, vector<64x384xf32>
    tpu.vector_store %arg35[%swap3A_335, %swap3A_336], %dot_general3A_327 {strides = array<i32>} : memref<512x768xf32, #tpu.memory_space<vmem>>, vector<64x384xf32>,
    %swap3A_338 = arith.constant 448 : index
    %swap3A_339 = arith.constant 384 : index
    %swap3A_340 = vector.load %arg35[%swap3A_338, %swap3A_339] : memref<512x768xf32, #tpu.memory_space<vmem>>, vector<64x384xf32>
    tpu.vector_store %arg35[%swap3A_338, %swap3A_339], %dot_general3A_334 {strides = array<i32>} : memref<512x768xf32, #tpu.memory_space<vmem>>, vector<64x384xf32>,
    return
  }
  func.func @transform_0(%arg0: i32, %arg1: memref<80xi32, #tpu.memory_space<smem>>) -> (i32, i32) {
    %c0_i32 = arith.constant 0 : i32
    %c0_i32_0 = arith.constant 0 : i32
    return %arg0, %c0_i32 : i32, i32
  }
  func.func @transform_1(%arg0: i32, %arg1: memref<80xi32, #tpu.memory_space<smem>>) -> (i32, i32, i32) {
    %mul3A = arith.constant 8 : i32
    %mul3A_0 = arith.muli %mul3A, %arg0 : i32
    %add3A = arith.constant 0 : i32
    %add3A_1 = arith.addi %mul3A_0, %add3A : i32
    %get3A = arith.index_cast %add3A_1 : i32 to index
    %get3A_2 = memref.load %arg1[%get3A] : memref<80xi32, #tpu.memory_space<smem>>
    %c0_i32 = arith.constant 0 : i32
    %c0_i32_3 = arith.constant 0 : i32
    %c0_i32_4 = arith.constant 0 : i32
    return %get3A_2, %c0_i32, %c0_i32_3 : i32, i32, i32
  }
  func.func @transform_2(%arg0: i32, %arg1: memref<80xi32, #tpu.memory_space<smem>>) -> (i32, i32, i32) {
    %mul3A = arith.constant 8 : i32
    %mul3A_0 = arith.muli %mul3A, %arg0 : i32
    %add3A = arith.constant 0 : i32
    %add3A_1 = arith.addi %mul3A_0, %add3A : i32
    %get3A = arith.index_cast %add3A_1 : i32 to index
    %get3A_2 = memref.load %arg1[%get3A] : memref<80xi32, #tpu.memory_space<smem>>
    %c1_i32 = arith.constant 1 : i32
    %c0_i32 = arith.constant 0 : i32
    %c0_i32_3 = arith.constant 0 : i32
    return %get3A_2, %c1_i32, %c0_i32 : i32, i32, i32
  }
  func.func @transform_3(%arg0: i32, %arg1: memref<80xi32, #tpu.memory_space<smem>>) -> (i32, i32, i32) {
    %mul3A = arith.constant 8 : i32
    %mul3A_0 = arith.muli %mul3A, %arg0 : i32
    %add3A = arith.constant 0 : i32
    %add3A_1 = arith.addi %mul3A_0, %add3A : i32
    %get3A = arith.index_cast %add3A_1 : i32 to index
    %get3A_2 = memref.load %arg1[%get3A] : memref<80xi32, #tpu.memory_space<smem>>
    %c0_i32 = arith.constant 0 : i32
    %c0_i32_3 = arith.constant 0 : i32
    %c0_i32_4 = arith.constant 0 : i32
    return %get3A_2, %c0_i32, %c0_i32_3 : i32, i32, i32
  }
  func.func @transform_4(%arg0: i32, %arg1: memref<80xi32, #tpu.memory_space<smem>>) -> (i32, i32, i32) {
    %mul3A = arith.constant 8 : i32
    %mul3A_0 = arith.muli %mul3A, %arg0 : i32
    %add3A = arith.constant 0 : i32
    %add3A_1 = arith.addi %mul3A_0, %add3A : i32
    %get3A = arith.index_cast %add3A_1 : i32 to index
    %get3A_2 = memref.load %arg1[%get3A] : memref<80xi32, #tpu.memory_space<smem>>
    %c1_i32 = arith.constant 1 : i32
    %c0_i32 = arith.constant 0 : i32
    %c0_i32_3 = arith.constant 0 : i32
    return %get3A_2, %c1_i32, %c0_i32 : i32, i32, i32
  }
  func.func @transform_5(%arg0: i32, %arg1: memref<80xi32, #tpu.memory_space<smem>>) -> (i32, i32, i32) {
    %mul3A = arith.constant 8 : i32
    %mul3A_0 = arith.muli %mul3A, %arg0 : i32
    %add3A = arith.constant 1 : i32
    %add3A_1 = arith.addi %mul3A_0, %add3A : i32
    %get3A = arith.index_cast %add3A_1 : i32 to index
    %get3A_2 = memref.load %arg1[%get3A] : memref<80xi32, #tpu.memory_space<smem>>
    %c0_i32 = arith.constant 0 : i32
    %c0_i32_3 = arith.constant 0 : i32
    %c0_i32_4 = arith.constant 0 : i32
    return %get3A_2, %c0_i32, %c0_i32_3 : i32, i32, i32
  }
  func.func @transform_6(%arg0: i32, %arg1: memref<80xi32, #tpu.memory_space<smem>>) -> (i32, i32, i32) {
    %mul3A = arith.constant 8 : i32
    %mul3A_0 = arith.muli %mul3A, %arg0 : i32
    %add3A = arith.constant 1 : i32
    %add3A_1 = arith.addi %mul3A_0, %add3A : i32
    %get3A = arith.index_cast %add3A_1 : i32 to index
    %get3A_2 = memref.load %arg1[%get3A] : memref<80xi32, #tpu.memory_space<smem>>
    %c1_i32 = arith.constant 1 : i32
    %c0_i32 = arith.constant 0 : i32
    %c0_i32_3 = arith.constant 0 : i32
    return %get3A_2, %c1_i32, %c0_i32 : i32, i32, i32
  }
  func.func @transform_7(%arg0: i32, %arg1: memref<80xi32, #tpu.memory_space<smem>>) -> (i32, i32, i32) {
    %mul3A = arith.constant 8 : i32
    %mul3A_0 = arith.muli %mul3A, %arg0 : i32
    %add3A = arith.constant 1 : i32
    %add3A_1 = arith.addi %mul3A_0, %add3A : i32
    %get3A = arith.index_cast %add3A_1 : i32 to index
    %get3A_2 = memref.load %arg1[%get3A] : memref<80xi32, #tpu.memory_space<smem>>
    %c0_i32 = arith.constant 0 : i32
    %c0_i32_3 = arith.constant 0 : i32
    %c0_i32_4 = arith.constant 0 : i32
    return %get3A_2, %c0_i32, %c0_i32_3 : i32, i32, i32
  }
  func.func @transform_8(%arg0: i32, %arg1: memref<80xi32, #tpu.memory_space<smem>>) -> (i32, i32, i32) {
    %mul3A = arith.constant 8 : i32
    %mul3A_0 = arith.muli %mul3A, %arg0 : i32
    %add3A = arith.constant 1 : i32
    %add3A_1 = arith.addi %mul3A_0, %add3A : i32
    %get3A = arith.index_cast %add3A_1 : i32 to index
    %get3A_2 = memref.load %arg1[%get3A] : memref<80xi32, #tpu.memory_space<smem>>
    %c1_i32 = arith.constant 1 : i32
    %c0_i32 = arith.constant 0 : i32
    %c0_i32_3 = arith.constant 0 : i32
    return %get3A_2, %c1_i32, %c0_i32 : i32, i32, i32
  }
  func.func @transform_9(%arg0: i32, %arg1: memref<80xi32, #tpu.memory_space<smem>>) -> (i32, i32, i32) {
    %mul3A = arith.constant 8 : i32
    %mul3A_0 = arith.muli %mul3A, %arg0 : i32
    %add3A = arith.constant 2 : i32
    %add3A_1 = arith.addi %mul3A_0, %add3A : i32
    %get3A = arith.index_cast %add3A_1 : i32 to index
    %get3A_2 = memref.load %arg1[%get3A] : memref<80xi32, #tpu.memory_space<smem>>
    %c0_i32 = arith.constant 0 : i32
    %c0_i32_3 = arith.constant 0 : i32
    %c0_i32_4 = arith.constant 0 : i32
    return %get3A_2, %c0_i32, %c0_i32_3 : i32, i32, i32
  }
  func.func @transform_10(%arg0: i32, %arg1: memref<80xi32, #tpu.memory_space<smem>>) -> (i32, i32, i32) {
    %mul3A = arith.constant 8 : i32
    %mul3A_0 = arith.muli %mul3A, %arg0 : i32
    %add3A = arith.constant 2 : i32
    %add3A_1 = arith.addi %mul3A_0, %add3A : i32
    %get3A = arith.index_cast %add3A_1 : i32 to index
    %get3A_2 = memref.load %arg1[%get3A] : memref<80xi32, #tpu.memory_space<smem>>
    %c1_i32 = arith.constant 1 : i32
    %c0_i32 = arith.constant 0 : i32
    %c0_i32_3 = arith.constant 0 : i32
    return %get3A_2, %c1_i32, %c0_i32 : i32, i32, i32
  }
  func.func @transform_11(%arg0: i32, %arg1: memref<80xi32, #tpu.memory_space<smem>>) -> (i32, i32, i32) {
    %mul3A = arith.constant 8 : i32
    %mul3A_0 = arith.muli %mul3A, %arg0 : i32
    %add3A = arith.constant 2 : i32
    %add3A_1 = arith.addi %mul3A_0, %add3A : i32
    %get3A = arith.index_cast %add3A_1 : i32 to index
    %get3A_2 = memref.load %arg1[%get3A] : memref<80xi32, #tpu.memory_space<smem>>
    %c0_i32 = arith.constant 0 : i32
    %c0_i32_3 = arith.constant 0 : i32
    %c0_i32_4 = arith.constant 0 : i32
    return %get3A_2, %c0_i32, %c0_i32_3 : i32, i32, i32
  }
  func.func @transform_12(%arg0: i32, %arg1: memref<80xi32, #tpu.memory_space<smem>>) -> (i32, i32, i32) {
    %mul3A = arith.constant 8 : i32
    %mul3A_0 = arith.muli %mul3A, %arg0 : i32
    %add3A = arith.constant 2 : i32
    %add3A_1 = arith.addi %mul3A_0, %add3A : i32
    %get3A = arith.index_cast %add3A_1 : i32 to index
    %get3A_2 = memref.load %arg1[%get3A] : memref<80xi32, #tpu.memory_space<smem>>
    %c1_i32 = arith.constant 1 : i32
    %c0_i32 = arith.constant 0 : i32
    %c0_i32_3 = arith.constant 0 : i32
    return %get3A_2, %c1_i32, %c0_i32 : i32, i32, i32
  }
  func.func @transform_13(%arg0: i32, %arg1: memref<80xi32, #tpu.memory_space<smem>>) -> (i32, i32, i32) {
    %mul3A = arith.constant 8 : i32
    %mul3A_0 = arith.muli %mul3A, %arg0 : i32
    %add3A = arith.constant 3 : i32
    %add3A_1 = arith.addi %mul3A_0, %add3A : i32
    %get3A = arith.index_cast %add3A_1 : i32 to index
    %get3A_2 = memref.load %arg1[%get3A] : memref<80xi32, #tpu.memory_space<smem>>
    %c0_i32 = arith.constant 0 : i32
    %c0_i32_3 = arith.constant 0 : i32
    %c0_i32_4 = arith.constant 0 : i32
    return %get3A_2, %c0_i32, %c0_i32_3 : i32, i32, i32
  }
  func.func @transform_14(%arg0: i32, %arg1: memref<80xi32, #tpu.memory_space<smem>>) -> (i32, i32, i32) {
    %mul3A = arith.constant 8 : i32
    %mul3A_0 = arith.muli %mul3A, %arg0 : i32
    %add3A = arith.constant 3 : i32
    %add3A_1 = arith.addi %mul3A_0, %add3A : i32
    %get3A = arith.index_cast %add3A_1 : i32 to index
    %get3A_2 = memref.load %arg1[%get3A] : memref<80xi32, #tpu.memory_space<smem>>
    %c1_i32 = arith.constant 1 : i32
    %c0_i32 = arith.constant 0 : i32
    %c0_i32_3 = arith.constant 0 : i32
    return %get3A_2, %c1_i32, %c0_i32 : i32, i32, i32
  }
  func.func @transform_15(%arg0: i32, %arg1: memref<80xi32, #tpu.memory_space<smem>>) -> (i32, i32, i32) {
    %mul3A = arith.constant 8 : i32
    %mul3A_0 = arith.muli %mul3A, %arg0 : i32
    %add3A = arith.constant 3 : i32
    %add3A_1 = arith.addi %mul3A_0, %add3A : i32
    %get3A = arith.index_cast %add3A_1 : i32 to index
    %get3A_2 = memref.load %arg1[%get3A] : memref<80xi32, #tpu.memory_space<smem>>
    %c0_i32 = arith.constant 0 : i32
    %c0_i32_3 = arith.constant 0 : i32
    %c0_i32_4 = arith.constant 0 : i32
    return %get3A_2, %c0_i32, %c0_i32_3 : i32, i32, i32
  }
  func.func @transform_16(%arg0: i32, %arg1: memref<80xi32, #tpu.memory_space<smem>>) -> (i32, i32, i32) {
    %mul3A = arith.constant 8 : i32
    %mul3A_0 = arith.muli %mul3A, %arg0 : i32
    %add3A = arith.constant 3 : i32
    %add3A_1 = arith.addi %mul3A_0, %add3A : i32
    %get3A = arith.index_cast %add3A_1 : i32 to index
    %get3A_2 = memref.load %arg1[%get3A] : memref<80xi32, #tpu.memory_space<smem>>
    %c1_i32 = arith.constant 1 : i32
    %c0_i32 = arith.constant 0 : i32
    %c0_i32_3 = arith.constant 0 : i32
    return %get3A_2, %c1_i32, %c0_i32 : i32, i32, i32
  }
  func.func @transform_17(%arg0: i32, %arg1: memref<80xi32, #tpu.memory_space<smem>>) -> (i32, i32, i32) {
    %mul3A = arith.constant 8 : i32
    %mul3A_0 = arith.muli %mul3A, %arg0 : i32
    %add3A = arith.constant 4 : i32
    %add3A_1 = arith.addi %mul3A_0, %add3A : i32
    %get3A = arith.index_cast %add3A_1 : i32 to index
    %get3A_2 = memref.load %arg1[%get3A] : memref<80xi32, #tpu.memory_space<smem>>
    %c0_i32 = arith.constant 0 : i32
    %c0_i32_3 = arith.constant 0 : i32
    %c0_i32_4 = arith.constant 0 : i32
    return %get3A_2, %c0_i32, %c0_i32_3 : i32, i32, i32
  }
  func.func @transform_18(%arg0: i32, %arg1: memref<80xi32, #tpu.memory_space<smem>>) -> (i32, i32, i32) {
    %mul3A = arith.constant 8 : i32
    %mul3A_0 = arith.muli %mul3A, %arg0 : i32
    %add3A = arith.constant 4 : i32
    %add3A_1 = arith.addi %mul3A_0, %add3A : i32
    %get3A = arith.index_cast %add3A_1 : i32 to index
    %get3A_2 = memref.load %arg1[%get3A] : memref<80xi32, #tpu.memory_space<smem>>
    %c1_i32 = arith.constant 1 : i32
    %c0_i32 = arith.constant 0 : i32
    %c0_i32_3 = arith.constant 0 : i32
    return %get3A_2, %c1_i32, %c0_i32 : i32, i32, i32
  }
  func.func @transform_19(%arg0: i32, %arg1: memref<80xi32, #tpu.memory_space<smem>>) -> (i32, i32, i32) {
    %mul3A = arith.constant 8 : i32
    %mul3A_0 = arith.muli %mul3A, %arg0 : i32
    %add3A = arith.constant 4 : i32
    %add3A_1 = arith.addi %mul3A_0, %add3A : i32
    %get3A = arith.index_cast %add3A_1 : i32 to index
    %get3A_2 = memref.load %arg1[%get3A] : memref<80xi32, #tpu.memory_space<smem>>
    %c0_i32 = arith.constant 0 : i32
    %c0_i32_3 = arith.constant 0 : i32
    %c0_i32_4 = arith.constant 0 : i32
    return %get3A_2, %c0_i32, %c0_i32_3 : i32, i32, i32
  }
  func.func @transform_20(%arg0: i32, %arg1: memref<80xi32, #tpu.memory_space<smem>>) -> (i32, i32, i32) {
    %mul3A = arith.constant 8 : i32
    %mul3A_0 = arith.muli %mul3A, %arg0 : i32
    %add3A = arith.constant 4 : i32
    %add3A_1 = arith.addi %mul3A_0, %add3A : i32
    %get3A = arith.index_cast %add3A_1 : i32 to index
    %get3A_2 = memref.load %arg1[%get3A] : memref<80xi32, #tpu.memory_space<smem>>
    %c1_i32 = arith.constant 1 : i32
    %c0_i32 = arith.constant 0 : i32
    %c0_i32_3 = arith.constant 0 : i32
    return %get3A_2, %c1_i32, %c0_i32 : i32, i32, i32
  }
  func.func @transform_21(%arg0: i32, %arg1: memref<80xi32, #tpu.memory_space<smem>>) -> (i32, i32, i32) {
    %mul3A = arith.constant 8 : i32
    %mul3A_0 = arith.muli %mul3A, %arg0 : i32
    %add3A = arith.constant 5 : i32
    %add3A_1 = arith.addi %mul3A_0, %add3A : i32
    %get3A = arith.index_cast %add3A_1 : i32 to index
    %get3A_2 = memref.load %arg1[%get3A] : memref<80xi32, #tpu.memory_space<smem>>
    %c0_i32 = arith.constant 0 : i32
    %c0_i32_3 = arith.constant 0 : i32
    %c0_i32_4 = arith.constant 0 : i32
    return %get3A_2, %c0_i32, %c0_i32_3 : i32, i32, i32
  }
  func.func @transform_22(%arg0: i32, %arg1: memref<80xi32, #tpu.memory_space<smem>>) -> (i32, i32, i32) {
    %mul3A = arith.constant 8 : i32
    %mul3A_0 = arith.muli %mul3A, %arg0 : i32
    %add3A = arith.constant 5 : i32
    %add3A_1 = arith.addi %mul3A_0, %add3A : i32
    %get3A = arith.index_cast %add3A_1 : i32 to index
    %get3A_2 = memref.load %arg1[%get3A] : memref<80xi32, #tpu.memory_space<smem>>
    %c1_i32 = arith.constant 1 : i32
    %c0_i32 = arith.constant 0 : i32
    %c0_i32_3 = arith.constant 0 : i32
    return %get3A_2, %c1_i32, %c0_i32 : i32, i32, i32
  }
  func.func @transform_23(%arg0: i32, %arg1: memref<80xi32, #tpu.memory_space<smem>>) -> (i32, i32, i32) {
    %mul3A = arith.constant 8 : i32
    %mul3A_0 = arith.muli %mul3A, %arg0 : i32
    %add3A = arith.constant 5 : i32
    %add3A_1 = arith.addi %mul3A_0, %add3A : i32
    %get3A = arith.index_cast %add3A_1 : i32 to index
    %get3A_2 = memref.load %arg1[%get3A] : memref<80xi32, #tpu.memory_space<smem>>
    %c0_i32 = arith.constant 0 : i32
    %c0_i32_3 = arith.constant 0 : i32
    %c0_i32_4 = arith.constant 0 : i32
    return %get3A_2, %c0_i32, %c0_i32_3 : i32, i32, i32
  }
  func.func @transform_24(%arg0: i32, %arg1: memref<80xi32, #tpu.memory_space<smem>>) -> (i32, i32, i32) {
    %mul3A = arith.constant 8 : i32
    %mul3A_0 = arith.muli %mul3A, %arg0 : i32
    %add3A = arith.constant 5 : i32
    %add3A_1 = arith.addi %mul3A_0, %add3A : i32
    %get3A = arith.index_cast %add3A_1 : i32 to index
    %get3A_2 = memref.load %arg1[%get3A] : memref<80xi32, #tpu.memory_space<smem>>
    %c1_i32 = arith.constant 1 : i32
    %c0_i32 = arith.constant 0 : i32
    %c0_i32_3 = arith.constant 0 : i32
    return %get3A_2, %c1_i32, %c0_i32 : i32, i32, i32
  }
  func.func @transform_25(%arg0: i32, %arg1: memref<80xi32, #tpu.memory_space<smem>>) -> (i32, i32, i32) {
    %mul3A = arith.constant 8 : i32
    %mul3A_0 = arith.muli %mul3A, %arg0 : i32
    %add3A = arith.constant 6 : i32
    %add3A_1 = arith.addi %mul3A_0, %add3A : i32
    %get3A = arith.index_cast %add3A_1 : i32 to index
    %get3A_2 = memref.load %arg1[%get3A] : memref<80xi32, #tpu.memory_space<smem>>
    %c0_i32 = arith.constant 0 : i32
    %c0_i32_3 = arith.constant 0 : i32
    %c0_i32_4 = arith.constant 0 : i32
    return %get3A_2, %c0_i32, %c0_i32_3 : i32, i32, i32
  }
  func.func @transform_26(%arg0: i32, %arg1: memref<80xi32, #tpu.memory_space<smem>>) -> (i32, i32, i32) {
    %mul3A = arith.constant 8 : i32
    %mul3A_0 = arith.muli %mul3A, %arg0 : i32
    %add3A = arith.constant 6 : i32
    %add3A_1 = arith.addi %mul3A_0, %add3A : i32
    %get3A = arith.index_cast %add3A_1 : i32 to index
    %get3A_2 = memref.load %arg1[%get3A] : memref<80xi32, #tpu.memory_space<smem>>
    %c1_i32 = arith.constant 1 : i32
    %c0_i32 = arith.constant 0 : i32
    %c0_i32_3 = arith.constant 0 : i32
    return %get3A_2, %c1_i32, %c0_i32 : i32, i32, i32
  }
  func.func @transform_27(%arg0: i32, %arg1: memref<80xi32, #tpu.memory_space<smem>>) -> (i32, i32, i32) {
    %mul3A = arith.constant 8 : i32
    %mul3A_0 = arith.muli %mul3A, %arg0 : i32
    %add3A = arith.constant 6 : i32
    %add3A_1 = arith.addi %mul3A_0, %add3A : i32
    %get3A = arith.index_cast %add3A_1 : i32 to index
    %get3A_2 = memref.load %arg1[%get3A] : memref<80xi32, #tpu.memory_space<smem>>
    %c0_i32 = arith.constant 0 : i32
    %c0_i32_3 = arith.constant 0 : i32
    %c0_i32_4 = arith.constant 0 : i32
    return %get3A_2, %c0_i32, %c0_i32_3 : i32, i32, i32
  }
  func.func @transform_28(%arg0: i32, %arg1: memref<80xi32, #tpu.memory_space<smem>>) -> (i32, i32, i32) {
    %mul3A = arith.constant 8 : i32
    %mul3A_0 = arith.muli %mul3A, %arg0 : i32
    %add3A = arith.constant 6 : i32
    %add3A_1 = arith.addi %mul3A_0, %add3A : i32
    %get3A = arith.index_cast %add3A_1 : i32 to index
    %get3A_2 = memref.load %arg1[%get3A] : memref<80xi32, #tpu.memory_space<smem>>
    %c1_i32 = arith.constant 1 : i32
    %c0_i32 = arith.constant 0 : i32
    %c0_i32_3 = arith.constant 0 : i32
    return %get3A_2, %c1_i32, %c0_i32 : i32, i32, i32
  }
  func.func @transform_29(%arg0: i32, %arg1: memref<80xi32, #tpu.memory_space<smem>>) -> (i32, i32, i32) {
    %mul3A = arith.constant 8 : i32
    %mul3A_0 = arith.muli %mul3A, %arg0 : i32
    %add3A = arith.constant 7 : i32
    %add3A_1 = arith.addi %mul3A_0, %add3A : i32
    %get3A = arith.index_cast %add3A_1 : i32 to index
    %get3A_2 = memref.load %arg1[%get3A] : memref<80xi32, #tpu.memory_space<smem>>
    %c0_i32 = arith.constant 0 : i32
    %c0_i32_3 = arith.constant 0 : i32
    %c0_i32_4 = arith.constant 0 : i32
    return %get3A_2, %c0_i32, %c0_i32_3 : i32, i32, i32
  }
  func.func @transform_30(%arg0: i32, %arg1: memref<80xi32, #tpu.memory_space<smem>>) -> (i32, i32, i32) {
    %mul3A = arith.constant 8 : i32
    %mul3A_0 = arith.muli %mul3A, %arg0 : i32
    %add3A = arith.constant 7 : i32
    %add3A_1 = arith.addi %mul3A_0, %add3A : i32
    %get3A = arith.index_cast %add3A_1 : i32 to index
    %get3A_2 = memref.load %arg1[%get3A] : memref<80xi32, #tpu.memory_space<smem>>
    %c1_i32 = arith.constant 1 : i32
    %c0_i32 = arith.constant 0 : i32
    %c0_i32_3 = arith.constant 0 : i32
    return %get3A_2, %c1_i32, %c0_i32 : i32, i32, i32
  }
  func.func @transform_31(%arg0: i32, %arg1: memref<80xi32, #tpu.memory_space<smem>>) -> (i32, i32, i32) {
    %mul3A = arith.constant 8 : i32
    %mul3A_0 = arith.muli %mul3A, %arg0 : i32
    %add3A = arith.constant 7 : i32
    %add3A_1 = arith.addi %mul3A_0, %add3A : i32
    %get3A = arith.index_cast %add3A_1 : i32 to index
    %get3A_2 = memref.load %arg1[%get3A] : memref<80xi32, #tpu.memory_space<smem>>
    %c0_i32 = arith.constant 0 : i32
    %c0_i32_3 = arith.constant 0 : i32
    %c0_i32_4 = arith.constant 0 : i32
    return %get3A_2, %c0_i32, %c0_i32_3 : i32, i32, i32
  }
  func.func @transform_32(%arg0: i32, %arg1: memref<80xi32, #tpu.memory_space<smem>>) -> (i32, i32, i32) {
    %mul3A = arith.constant 8 : i32
    %mul3A_0 = arith.muli %mul3A, %arg0 : i32
    %add3A = arith.constant 7 : i32
    %add3A_1 = arith.addi %mul3A_0, %add3A : i32
    %get3A = arith.index_cast %add3A_1 : i32 to index
    %get3A_2 = memref.load %arg1[%get3A] : memref<80xi32, #tpu.memory_space<smem>>
    %c1_i32 = arith.constant 1 : i32
    %c0_i32 = arith.constant 0 : i32
    %c0_i32_3 = arith.constant 0 : i32
    return %get3A_2, %c1_i32, %c0_i32 : i32, i32, i32
  }
  func.func @transform_33(%arg0: i32, %arg1: memref<80xi32, #tpu.memory_space<smem>>) -> (i32, i32) {
    %c0_i32 = arith.constant 0 : i32
    %c0_i32_0 = arith.constant 0 : i32
    return %arg0, %c0_i32 : i32, i32
  }
}

module attributes {stable_mosaic.version = 14 : i64} {
  func.func @_plan_body(%arg0: memref<1024x768xf32, #tpu.memory_space<vmem>>, %arg1: memref<64x768xf32, #tpu.memory_space<vmem>>, %arg2: memref<1x64xf32, #tpu.memory_space<vmem>>, %arg3: memref<256x768xf32, #tpu.memory_space<vmem>>, %arg4: memref<768x128xf32, #tpu.memory_space<vmem>>, %arg5: memref<1x1xf32, #tpu.memory_space<vmem>>, %arg6: memref<1024x128xf32, #tpu.memory_space<vmem>>, %arg7: memref<1024x1xi32, #tpu.memory_space<vmem>>, %arg8: memref<80x1xi32, #tpu.memory_space<vmem>>, %arg9: memref<1024x768xf32, #tpu.memory_space<vmem>>) attributes {dimension_semantics = [], scalar_prefetch = 0 : i64, scratch_operands = 0 : i64, tpu.core_type = #tpu.core_type<tc>} {
    %get3A = arith.constant 0 : index
    %get3A_0 = arith.constant 0 : index
    %get3A_1 = vector.load %arg0[%get3A, %get3A_0] : memref<1024x768xf32, #tpu.memory_space<vmem>>, vector<1024x768xf32>
    %get3A_2 = arith.constant 0 : index
    %get3A_3 = arith.constant 0 : index
    %get3A_4 = vector.load %arg1[%get3A_2, %get3A_3] : memref<64x768xf32, #tpu.memory_space<vmem>>, vector<64x768xf32>
    %dot_general3A = arith.constant dense<0.000000e+00> : vector<1024x64xf32>
    %dot_general3A_5 = tpu.matmul %get3A_1, %get3A_4, %dot_general3A {dimension_numbers = #tpu.dot_dimension_numbers<[1], [1], [0], [0], [0, 0, 1, 0], [], []>, transpose_lhs_hint = false} : vector<1024x768xf32>, vector<64x768xf32>, vector<1024x64xf32> -> vector<1024x64xf32>
    %reduce_max3A = arith.constant dense<0xFF800000> : vector<1024xf32>
    %reduce_max3A_6 = vector.multi_reduction <maximumf>, %dot_general3A_5, %reduce_max3A [1] : vector<1024x64xf32> to vector<1024xf32>
    %broadcast_in_dim3A = vector.shape_cast %reduce_max3A_6 : vector<1024xf32> to vector<1024x1xf32>
    %sub3A = vector.broadcast %broadcast_in_dim3A : vector<1024x1xf32> to vector<1024x64xf32>
    %sub3A_7 = arith.subf %dot_general3A_5, %sub3A : vector<1024x64xf32>
    %exp3A = math.exp %sub3A_7 : vector<1024x64xf32>
    %reduce_sum3A = arith.constant dense<0.000000e+00> : vector<1024xf32>
    %reduce_sum3A_8 = vector.multi_reduction <add>, %exp3A, %reduce_sum3A [1] : vector<1024x64xf32> to vector<1024xf32>
    %broadcast_in_dim3A_9 = vector.shape_cast %reduce_sum3A_8 : vector<1024xf32> to vector<1024x1xf32>
    %log3A = math.log %broadcast_in_dim3A_9 : vector<1024x1xf32>
    %add3A = arith.addf %broadcast_in_dim3A, %log3A : vector<1024x1xf32>
    %mul3A = arith.mulf %add3A, %add3A : vector<1024x1xf32>
    %reduce_sum3A_10 = vector.shape_cast %mul3A : vector<1024x1xf32> to vector<1x1024x1xf32>
    %reduce_sum3A_11 = arith.constant dense<0.000000e+00> : vector<1xf32>
    %reduce_sum3A_12 = vector.multi_reduction <add>, %reduce_sum3A_10, %reduce_sum3A_11 [1, 2] : vector<1x1024x1xf32> to vector<1xf32>
    %reduce_sum3A_13 = vector.shape_cast %reduce_sum3A_12 : vector<1xf32> to vector<1x1x1xf32>
    %reduce_sum3A_14 = vector.extract %reduce_sum3A_13[0, 0, 0] : f32 from vector<1x1x1xf32>
    %div3A = arith.constant 1.024000e+03 : f32
    %div3A_15 = arith.divf %reduce_sum3A_14, %div3A : f32
    %mul3A_16 = arith.constant 1.000000e-03 : f32
    %mul3A_17 = arith.mulf %mul3A_16, %div3A_15 : f32
    %reshape3A = vector.broadcast %mul3A_17 : f32 to vector<1x1xf32>
    %swap3A = arith.constant 0 : index
    %swap3A_18 = arith.constant 0 : index
    %swap3A_19 = vector.load %arg5[%swap3A, %swap3A_18] : memref<1x1xf32, #tpu.memory_space<vmem>>, vector<1x1xf32>
    tpu.vector_store %arg5[%swap3A, %swap3A_18], %reshape3A {strides = array<i32>} : memref<1x1xf32, #tpu.memory_space<vmem>>, vector<1x1xf32>,
    %logistic3A = arith.negf %dot_general3A_5 : vector<1024x64xf32>
    %logistic3A_20 = math.exp %logistic3A : vector<1024x64xf32>
    %logistic3A_21 = arith.constant 1.000000e+00 : f32
    %logistic3A_22 = vector.broadcast %logistic3A_21 : f32 to vector<1024x64xf32>
    %logistic3A_23 = arith.addf %logistic3A_22, %logistic3A_20 : vector<1024x64xf32>
    %logistic3A_24 = arith.divf %logistic3A_22, %logistic3A_23 : vector<1024x64xf32>
    %get3A_25 = arith.constant 0 : index
    %get3A_26 = arith.constant 0 : index
    %get3A_27 = vector.load %arg2[%get3A_25, %get3A_26] : memref<1x64xf32, #tpu.memory_space<vmem>>, vector<1x64xf32>
    %add3A_28 = vector.broadcast %get3A_27 : vector<1x64xf32> to vector<1024x64xf32>
    %add3A_29 = arith.addf %logistic3A_24, %add3A_28 : vector<1024x64xf32>
    %reduce_max3A_30 = arith.constant dense<0xFF800000> : vector<1024xf32>
    %reduce_max3A_31 = vector.multi_reduction <maximumf>, %add3A_29, %reduce_max3A_30 [1] : vector<1024x64xf32> to vector<1024xf32>
    %broadcast_in_dim3A_32 = vector.shape_cast %reduce_max3A_31 : vector<1024xf32> to vector<1024x1xf32>
    %iota3A = tpu.iota {dimensions = array<i32: 1>} : vector<1024x64xi32>
    %ge3A = vector.broadcast %broadcast_in_dim3A_32 : vector<1024x1xf32> to vector<1024x64xf32>
    %ge3A_33 = arith.cmpf oge, %add3A_29, %ge3A : vector<1024x64xf32>
    %jit3A = arith.constant 64 : i32
    %broadcast_in_dim3A_34 = vector.broadcast %jit3A : i32 to vector<1024x64xi32>
    %select_n3A = arith.select %ge3A_33, %iota3A, %broadcast_in_dim3A_34 : vector<1024x64xi1>, vector<1024x64xi32>
    %reduce_min3A = arith.constant dense<2147483647> : vector<1024xi32>
    %reduce_min3A_35 = vector.multi_reduction <minsi>, %select_n3A, %reduce_min3A [1] : vector<1024x64xi32> to vector<1024xi32>
    %broadcast_in_dim3A_36 = vector.shape_cast %reduce_min3A_35 : vector<1024xi32> to vector<1024x1xi32>
    %eq3A = vector.broadcast %broadcast_in_dim3A_36 : vector<1024x1xi32> to vector<1024x64xi32>
    %eq3A_37 = arith.cmpi eq, %iota3A, %eq3A : vector<1024x64xi32>
    %convert_element_type3A = arith.extui %eq3A_37 : vector<1024x64xi1> to vector<1024x64xi32>
    %convert_element_type3A_38 = arith.sitofp %convert_element_type3A : vector<1024x64xi32> to vector<1024x64xf32>
    %jit3A_39 = arith.constant 0.000000e+00 : f32
    %broadcast_in_dim3A_40 = vector.broadcast %jit3A_39 : f32 to vector<1024x64xf32>
    %select_n3A_41 = arith.select %eq3A_37, %logistic3A_24, %broadcast_in_dim3A_40 : vector<1024x64xi1>, vector<1024x64xf32>
    %reduce_sum3A_42 = arith.constant dense<0.000000e+00> : vector<1024xf32>
    %reduce_sum3A_43 = vector.multi_reduction <add>, %select_n3A_41, %reduce_sum3A_42 [1] : vector<1024x64xf32> to vector<1024xf32>
    %broadcast_in_dim3A_44 = vector.shape_cast %reduce_sum3A_43 : vector<1024xf32> to vector<1024x1xf32>
    %add3A_45 = arith.constant 9.99999971E-10 : f32
    %add3A_46 = vector.broadcast %add3A_45 : f32 to vector<1024x1xf32>
    %add3A_47 = arith.addf %broadcast_in_dim3A_44, %add3A_46 : vector<1024x1xf32>
    %div3A_48 = arith.divf %broadcast_in_dim3A_44, %add3A_47 : vector<1024x1xf32>
    %broadcast_in_dim3A_49 = vector.shape_cast %div3A_48 : vector<1024x1xf32> to vector<1024x1xf32>
    %broadcast_in_dim3A_50 = vector.broadcast %broadcast_in_dim3A_49 : vector<1024x1xf32> to vector<1024x128xf32>
    %swap3A_51 = arith.constant 0 : index
    %swap3A_52 = arith.constant 0 : index
    %swap3A_53 = vector.load %arg6[%swap3A_51, %swap3A_52] : memref<1024x128xf32, #tpu.memory_space<vmem>>, vector<1024x128xf32>
    tpu.vector_store %arg6[%swap3A_51, %swap3A_52], %broadcast_in_dim3A_50 {strides = array<i32>} : memref<1024x128xf32, #tpu.memory_space<vmem>>, vector<1024x128xf32>,
    %reduce_sum3A_54 = arith.constant dense<0.000000e+00> : vector<64xf32>
    %reduce_sum3A_55 = vector.multi_reduction <add>, %convert_element_type3A_38, %reduce_sum3A_54 [0] : vector<1024x64xf32> to vector<64xf32>
    %broadcast_in_dim3A_56 = vector.shape_cast %reduce_sum3A_55 : vector<64xf32> to vector<1x64xf32>
    %iota3A_57 = tpu.iota {dimensions = array<i32: 0>} : vector<1024x1024xi32>
    %iota3A_58 = tpu.iota {dimensions = array<i32: 1>} : vector<1024x1024xi32>
    %le3A = arith.cmpi sle, %iota3A_58, %iota3A_57 : vector<1024x1024xi32>
    %convert_element_type3A_59 = arith.extui %le3A : vector<1024x1024xi1> to vector<1024x1024xi32>
    %convert_element_type3A_60 = arith.sitofp %convert_element_type3A_59 : vector<1024x1024xi32> to vector<1024x1024xf32>
    %dot_general3A_61 = arith.constant dense<0.000000e+00> : vector<1024x64xf32>
    %dot_general3A_62 = tpu.matmul %convert_element_type3A_60, %convert_element_type3A_38, %dot_general3A_61 {dimension_numbers = #tpu.dot_dimension_numbers<[1], [0], [0], [1], [0, 0, 1, 1], [], []>, transpose_lhs_hint = false} : vector<1024x1024xf32>, vector<1024x64xf32>, vector<1024x64xf32> -> vector<1024x64xf32>
    %jit3A_63 = arith.constant 0.000000e+00 : f32
    %broadcast_in_dim3A_64 = vector.broadcast %jit3A_63 : f32 to vector<1024x64xf32>
    %select_n3A_65 = arith.select %eq3A_37, %dot_general3A_62, %broadcast_in_dim3A_64 : vector<1024x64xi1>, vector<1024x64xf32>
    %reduce_sum3A_66 = arith.constant dense<0.000000e+00> : vector<1024xf32>
    %reduce_sum3A_67 = vector.multi_reduction <add>, %select_n3A_65, %reduce_sum3A_66 [1] : vector<1024x64xf32> to vector<1024xf32>
    %broadcast_in_dim3A_68 = vector.shape_cast %reduce_sum3A_67 : vector<1024xf32> to vector<1024x1xf32>
    %sub3A_69 = arith.constant 1.000000e+00 : f32
    %sub3A_70 = vector.broadcast %sub3A_69 : f32 to vector<1024x1xf32>
    %sub3A_71 = arith.subf %broadcast_in_dim3A_68, %sub3A_70 : vector<1024x1xf32>
    %add3A_72 = arith.constant 6.300000e+01 : f32
    %add3A_73 = vector.broadcast %add3A_72 : f32 to vector<1x64xf32>
    %add3A_74 = arith.addf %broadcast_in_dim3A_56, %add3A_73 : vector<1x64xf32>
    %mul3A_75 = arith.constant 1.562500e-02 : f32
    %mul3A_76 = vector.broadcast %mul3A_75 : f32 to vector<1x64xf32>
    %mul3A_77 = arith.mulf %add3A_74, %mul3A_76 : vector<1x64xf32>
    %floor3A = math.floor %mul3A_77 : vector<1x64xf32>
    %iota3A_78 = tpu.iota {dimensions = array<i32: 0>} : vector<64x64xi32>
    %iota3A_79 = tpu.iota {dimensions = array<i32: 1>} : vector<64x64xi32>
    %lt3A = arith.cmpi slt, %iota3A_78, %iota3A_79 : vector<64x64xi32>
    %convert_element_type3A_80 = arith.extui %lt3A : vector<64x64xi1> to vector<64x64xi32>
    %convert_element_type3A_81 = arith.sitofp %convert_element_type3A_80 : vector<64x64xi32> to vector<64x64xf32>
    %dot_general3A_82 = arith.constant dense<0.000000e+00> : vector<1x64xf32>
    %dot_general3A_83 = tpu.matmul %floor3A, %convert_element_type3A_81, %dot_general3A_82 {dimension_numbers = #tpu.dot_dimension_numbers<[1], [0], [0], [1], [0, 0, 1, 1], [], []>, transpose_lhs_hint = false} : vector<1x64xf32>, vector<64x64xf32>, vector<1x64xf32> -> vector<1x64xf32>
    %broadcast_in_dim3A_84 = vector.shape_cast %dot_general3A_83 : vector<1x64xf32> to vector<1x64xf32>
    %broadcast_in_dim3A_85 = vector.broadcast %broadcast_in_dim3A_84 : vector<1x64xf32> to vector<1024x64xf32>
    %jit3A_86 = arith.constant 0.000000e+00 : f32
    %broadcast_in_dim3A_87 = vector.broadcast %jit3A_86 : f32 to vector<1024x64xf32>
    %select_n3A_88 = arith.select %eq3A_37, %broadcast_in_dim3A_85, %broadcast_in_dim3A_87 : vector<1024x64xi1>, vector<1024x64xf32>
    %reduce_sum3A_89 = arith.constant dense<0.000000e+00> : vector<1024xf32>
    %reduce_sum3A_90 = vector.multi_reduction <add>, %select_n3A_88, %reduce_sum3A_89 [1] : vector<1024x64xf32> to vector<1024xf32>
    %broadcast_in_dim3A_91 = vector.shape_cast %reduce_sum3A_90 : vector<1024xf32> to vector<1024x1xf32>
    %mul3A_92 = arith.constant 6.400000e+01 : f32
    %mul3A_93 = vector.broadcast %mul3A_92 : f32 to vector<1024x1xf32>
    %mul3A_94 = arith.mulf %mul3A_93, %broadcast_in_dim3A_91 : vector<1024x1xf32>
    %add3A_95 = arith.addf %mul3A_94, %sub3A_71 : vector<1024x1xf32>
    %convert_element_type3A_96 = arith.fptosi %add3A_95 : vector<1024x1xf32> to vector<1024x1xi32>
    %swap3A_97 = arith.constant 0 : index
    %swap3A_98 = arith.constant 0 : index
    %swap3A_99 = vector.load %arg7[%swap3A_97, %swap3A_98] : memref<1024x1xi32, #tpu.memory_space<vmem>>, vector<1024x1xi32>
    tpu.vector_store %arg7[%swap3A_97, %swap3A_98], %convert_element_type3A_96 {strides = array<i32>} : memref<1024x1xi32, #tpu.memory_space<vmem>>, vector<1024x1xi32>,
    %reduce_sum3A_100 = vector.shape_cast %floor3A : vector<1x64xf32> to vector<1x1x64xf32>
    %reduce_sum3A_101 = arith.constant dense<0.000000e+00> : vector<1xf32>
    %reduce_sum3A_102 = vector.multi_reduction <add>, %reduce_sum3A_100, %reduce_sum3A_101 [1, 2] : vector<1x1x64xf32> to vector<1xf32>
    %reduce_sum3A_103 = vector.shape_cast %reduce_sum3A_102 : vector<1xf32> to vector<1x1x1xf32>
    %reduce_sum3A_104 = vector.extract %reduce_sum3A_103[0, 0, 0] : f32 from vector<1x1x1xf32>
    %convert_element_type3A_105 = arith.fptosi %reduce_sum3A_104 : f32 to i32
    %iota3A_106 = tpu.iota {dimensions = array<i32: 0>} : vector<80x64xi32>
    %sub3A_107 = vector.broadcast %convert_element_type3A_105 : i32 to vector<80x64xi32>
    %sub3A_108 = arith.subi %iota3A_106, %sub3A_107 : vector<80x64xi32>
    %lt3A_109 = arith.constant 0 : i32
    %lt3A_110 = vector.broadcast %lt3A_109 : i32 to vector<80x64xi32>
    %lt3A_111 = arith.cmpi slt, %sub3A_108, %lt3A_110 : vector<80x64xi32>
    %shift_right_arithmetic3A = arith.constant 3 : i32
    %shift_right_arithmetic3A_112 = vector.broadcast %shift_right_arithmetic3A : i32 to vector<80x64xi32>
    %shift_right_arithmetic3A_113 = arith.shrsi %sub3A_108, %shift_right_arithmetic3A_112 : vector<80x64xi32>
    %add3A_114 = arith.constant 1 : i32
    %add3A_115 = vector.broadcast %add3A_114 : i32 to vector<80x64xi32>
    %add3A_116 = arith.addi %shift_right_arithmetic3A_113, %add3A_115 : vector<80x64xi32>
    %mul3A_117 = arith.constant 8 : i32
    %mul3A_118 = vector.broadcast %mul3A_117 : i32 to vector<80x64xi32>
    %mul3A_119 = arith.muli %mul3A_118, %add3A_116 : vector<80x64xi32>
    %sub3A_120 = arith.subi %iota3A_106, %mul3A_119 : vector<80x64xi32>
    %select_n3A_121 = arith.select %lt3A_111, %iota3A_106, %sub3A_120 : vector<80x64xi1>, vector<80x64xi32>
    %convert_element_type3A_122 = arith.fptosi %dot_general3A_83 : vector<1x64xf32> to vector<1x64xi32>
    %le3A_123 = vector.broadcast %convert_element_type3A_122 : vector<1x64xi32> to vector<80x64xi32>
    %le3A_124 = arith.cmpi sle, %le3A_123, %select_n3A_121 : vector<80x64xi32>
    %convert_element_type3A_125 = arith.extui %le3A_124 : vector<80x64xi1> to vector<80x64xi32>
    %reduce_sum3A_126 = arith.constant dense<0> : vector<80xi32>
    %reduce_sum3A_127 = vector.multi_reduction <add>, %convert_element_type3A_125, %reduce_sum3A_126 [1] : vector<80x64xi32> to vector<80xi32>
    %broadcast_in_dim3A_128 = vector.shape_cast %reduce_sum3A_127 : vector<80xi32> to vector<80x1xi32>
    %sub3A_129 = arith.constant 1 : i32
    %sub3A_130 = vector.broadcast %sub3A_129 : i32 to vector<80x1xi32>
    %sub3A_131 = arith.subi %broadcast_in_dim3A_128, %sub3A_130 : vector<80x1xi32>
    %swap3A_132 = arith.constant 0 : index
    %swap3A_133 = arith.constant 0 : index
    %swap3A_134 = vector.load %arg8[%swap3A_132, %swap3A_133] : memref<80x1xi32, #tpu.memory_space<vmem>>, vector<80x1xi32>
    tpu.vector_store %arg8[%swap3A_132, %swap3A_133], %sub3A_131 {strides = array<i32>} : memref<80x1xi32, #tpu.memory_space<vmem>>, vector<80x1xi32>,
    %get3A_135 = arith.constant 0 : index
    %get3A_136 = arith.constant 0 : index
    %get3A_137 = vector.load %arg3[%get3A_135, %get3A_136] : memref<256x768xf32, #tpu.memory_space<vmem>>, vector<256x768xf32>
    %dot_general3A_138 = arith.constant dense<0.000000e+00> : vector<1024x256xf32>
    %dot_general3A_139 = tpu.matmul %get3A_1, %get3A_137, %dot_general3A_138 {dimension_numbers = #tpu.dot_dimension_numbers<[1], [1], [0], [0], [0, 0, 1, 0], [], []>, transpose_lhs_hint = false} : vector<1024x768xf32>, vector<256x768xf32>, vector<1024x256xf32> -> vector<1024x256xf32>
    %slice3A = vector.extract_strided_slice %dot_general3A_139 {offsets = [0, 0], sizes = [1024, 128], strides = [1, 1]} : vector<1024x256xf32> to vector<1024x128xf32>
    %slice3A_140 = vector.extract_strided_slice %dot_general3A_139 {offsets = [0, 128], sizes = [1024, 128], strides = [1, 1]} : vector<1024x256xf32> to vector<1024x128xf32>
    %logistic3A_141 = arith.negf %slice3A : vector<1024x128xf32>
    %logistic3A_142 = math.exp %logistic3A_141 : vector<1024x128xf32>
    %logistic3A_143 = arith.constant 1.000000e+00 : f32
    %logistic3A_144 = vector.broadcast %logistic3A_143 : f32 to vector<1024x128xf32>
    %logistic3A_145 = arith.addf %logistic3A_144, %logistic3A_142 : vector<1024x128xf32>
    %logistic3A_146 = arith.divf %logistic3A_144, %logistic3A_145 : vector<1024x128xf32>
    %mul3A_147 = arith.mulf %slice3A, %logistic3A_146 : vector<1024x128xf32>
    %mul3A_148 = arith.mulf %mul3A_147, %slice3A_140 : vector<1024x128xf32>
    %get3A_149 = arith.constant 0 : index
    %get3A_150 = arith.constant 0 : index
    %get3A_151 = vector.load %arg4[%get3A_149, %get3A_150] : memref<768x128xf32, #tpu.memory_space<vmem>>, vector<768x128xf32>
    %dot_general3A_152 = arith.constant dense<0.000000e+00> : vector<1024x768xf32>
    %dot_general3A_153 = tpu.matmul %mul3A_148, %get3A_151, %dot_general3A_152 {dimension_numbers = #tpu.dot_dimension_numbers<[1], [1], [0], [0], [0, 0, 1, 0], [], []>, transpose_lhs_hint = false} : vector<1024x128xf32>, vector<768x128xf32>, vector<1024x768xf32> -> vector<1024x768xf32>
    %swap3A_154 = arith.constant 0 : index
    %swap3A_155 = arith.constant 0 : index
    %swap3A_156 = vector.load %arg9[%swap3A_154, %swap3A_155] : memref<1024x768xf32, #tpu.memory_space<vmem>>, vector<1024x768xf32>
    tpu.vector_store %arg9[%swap3A_154, %swap3A_155], %dot_general3A_153 {strides = array<i32>} : memref<1024x768xf32, #tpu.memory_space<vmem>>, vector<1024x768xf32>,
    return
  }
}

</mosaic_0001>

<sc_bundles>
// kernel: kernel.6.cloned.1.call-start
scs
__scs_entry_jumppad:
0x0: {  	(pc) =	sbr.rel $0x88, $3  }
0x1: {  	(tag) =	ssettag $0x0;
	lr =	simm.s32 $0x1  }
0x2: {  	[smem:$0x3F9A] =	sst lr;
	_ =	strace $0xD0000000  }
0x3: {  	_ = 	snop  }
0x4: {  	_ = 	snop  }
0x5: {  	_ = 	snop  }
0x6: {  	_ = 	snop  }
0x7: {  	_ = 	snop  }
__scs_overlays_trampoline_lowered:
0x8: {  	[smem:$0x3FA9] =	sst s0  }
0x9: {  	[smem:$0x3FAA] =	sst s1  }
0xa: {  	[smem:$0x3FAB] =	sst s2  }
0xb: {  	[smem:$0x3FAC] =	sst s3  }
0xc: {  	[smem:$0x3FAD] =	sst s4  }
0xd: {  	[smem:$0x3FAE] =	sst s5  }
0xe: {  	[smem:$0x3FAF] =	sst s6  }
0xf: {  	[smem:$0x3FB0] =	sst s7  }
0x10: {  	[smem:$0x3FB1] =	sst s8  }
0x11: {  	[smem:$0x3FB2] =	sst s9;
	s0 =	simm.s32 @!p0 $0x0  }
0x12: {  	s1 =	sld [smem:$0x3F98];
	s0 =	simm.s32 @p0 $0x1  }
0x13: {  	[smem:$0x3FB3] =	sst s0;
	s0 =	simm.s32 @!p1 $0x0  }
0x14: {  	s2 =	sld [smem:$0x3F97];
	s0 =	simm.s32 @p1 $0x1  }
0x15: {  	[smem:$0x3FB4] =	sst s0;
	s0 =	simm.s32 @!p2 $0x0  }
0x16: {  	s3 =	sld [smem:$0x3FDB];
	s0 =	simm.s32 @p2 $0x1  }
0x17: {  	s4 =	simm.s32 $0x1BF5;
	[smem:$0x3FB6] =	sst s0  }
0x18: {  	s0 =	sld [smem:$0x3F99];
	_ =	swait.ge [sflag:s4], $0x0  }
0x19: {  	s7 =	sld [smem:$0x3F9A]  }
0x1a: {  	s8 =	sadd.s32 $0xFFFFE003, lr  }
0x1b: {  	s9 =	sadd.s32 $0xFFFFFEF7, lr;
	s5 =	simm.s32 $0xFFFFFFFF;
	p2 =	slt.u32 s8, $0xFFFFF086  }
0x1c: {  	p1 =	slt.u32 s9, $0xF7A;
	s5 =	simm.s32 @!p2 $0x0  }
0x1d: {  	s5 =	simm.s32 @p1 $0x1;
	p0 =	seq.s32 s7, s2  }
0x1e: {  	s7 =	smul.u32 @!p0 $0xF7A, s2;
	p2 =	seq.s32 @!p0 s5, $0x0  }
0x1f: {  	s9 =	smul.u32 $0xF7A, s1;
	s8 =	simm.s32 @!p0 $0x1BF5;
	p2 =	por !p2, p0  }
0x20: {  	[sflag:s8] =	ssyncset.s32 @!p0 $0xFFFFF086;
	s6 =	sadd.s32 @!p0 s3, s7;
	s7 =	simm.s32 @!p0 $0x108  }
0x21: {  	s3 =	sadd.s32 s3, s9;
	s6 =	sadd.s32 @!p0 $0x88, s6;
	s7 =	simm.s32 @p2 $0x1082  }
0x22: {  	[simem:s7], [sflag:s8] =	dma.local @!p0 [hbm:s6], $0xF7A  }
0x23: {  	s9 =	sor.u32 $0xD0000000, s2;
	s6 =	simm.s32 $0x108;
	_ =	swait.ge @!p0 [sflag:s8], $0x0  }
0x24: {  	s3 =	sadd.s32 $0x88, s3;
	s6 =	simm.s32 @!p1 $0x1082;
	[sflag:s4] =	ssyncset.s32 $0xFFFFF086  }
0x25: {  	[simem:s6], [sflag:s4] =	dma.local [hbm:s3], $0xF7A  }
0x26: {  	[smem:$0x3F9A] =	sst s1;
	(tag) =	ssettag s2;
	_ =	strace s9  }
0x27: {  	s1 =	sld [smem:$0x3FAA]  }
0x28: {  	s2 =	sld [smem:$0x3FAB]  }
0x29: {  	s4 =	sld [smem:$0x3FAD]  }
0x2a: {  	p0 =	seq.s32 s5, $0x0;
	s5 =	sld [smem:$0x3FAE]  }
0x2b: {  	s6 =	sld [smem:$0x3FAF]  }
0x2c: {  	s7 =	sld [smem:$0x3FB0]  }
0x2d: {  	s3 =	simm.s32 $0x108;
	s8 =	sld [smem:$0x3FB1]  }
0x2e: {  	s3 =	simm.s32 @!p0 $0x1082;
	s9 =	sld [smem:$0x3FB2]  }
0x2f: {  	lr =	sadd.s32 s0, s3;
	s0 =	sld [smem:$0x3FA9]  }
0x30: {  	s3 =	sld [smem:$0x3FAC]  }
0x31: {  	[smem:$0x3FB5] =	sst s10  }
0x32: {  	s10 =	sld [smem:$0x3FB3];
	_ =	sdelay $0x3  }
0x33: {  	p0 =	seq.s32 s10, $0x1;
	s10 =	sld [smem:$0x3FB5];
	_ =	sdelay $0x3  }
0x34: {  	[smem:$0x3FB5] =	sst s10  }
0x35: {  	s10 =	sld [smem:$0x3FB4];
	_ =	sdelay $0x3  }
0x36: {  	p1 =	seq.s32 s10, $0x1;
	s10 =	sld [smem:$0x3FB5];
	_ =	sdelay $0x3  }
0x37: {  	[smem:$0x3FB5] =	sst s10  }
0x38: {  	s10 =	sld [smem:$0x3FB6]  }
0x39: {  	_ = 	snop;
	(pc) =	sbr.ind lr, $3  }
0x3a: {  	_ = 	snop  }
0x3b: {  	_ = 	snop  }
0x3c: {  	p2 =	seq.s32 s10, $0x1;
	s10 =	sld [smem:$0x3FB5]  }
0x3d: {  	_ =	shalt  }
0x3e: {  	_ =	shalt  }
0x3f: {  	_ =	shalt  }
0x40: {  	_ =	shalt  }
0x41: {  	_ =	shalt  }
0x42: {  	_ =	shalt  }
0x43: {  	_ =	shalt  }
0x44: {  	_ =	shalt  }
0x45: {  	_ =	shalt  }
0x46: {  	_ =	shalt  }
0x47: {  	_ =	shalt  }
0x48: {  	_ =	shalt  }
0x49: {  	_ =	shalt  }
0x4a: {  	_ =	shalt  }
0x4b: {  	_ =	shalt  }
0x4c: {  	_ =	shalt  }
0x4d: {  	_ =	shalt  }
0x4e: {  	_ =	shalt  }
0x4f: {  	_ =	shalt  }
0x50: {  	_ =	shalt  }
0x51: {  	_ =	shalt  }
0x52: {  	_ =	shalt  }
0x53: {  	_ =	shalt  }
0x54: {  	_ =	shalt  }
0x55: {  	_ =	shalt  }
0x56: {  	_ =	shalt  }
0x57: {  	_ =	shalt  }
0x58: {  	_ =	shalt  }
0x59: {  	_ =	shalt  }
0x5a: {  	_ =	shalt  }
0x5b: {  	_ =	shalt  }
0x5c: {  	_ =	shalt  }
0x5d: {  	_ =	shalt  }
0x5e: {  	_ =	shalt  }
0x5f: {  	_ =	shalt  }
0x60: {  	_ =	shalt  }
0x61: {  	_ =	shalt  }
0x62: {  	_ =	shalt  }
0x63: {  	_ =	shalt  }
0x64: {  	_ =	shalt  }
0x65: {  	_ =	shalt  }
0x66: {  	_ =	shalt  }
0x67: {  	_ =	shalt  }
0x68: {  	_ =	shalt  }
0x69: {  	_ =	shalt  }
0x6a: {  	_ =	shalt  }
0x6b: {  	_ =	shalt  }
0x6c: {  	_ =	shalt  }
0x6d: {  	_ =	shalt  }
0x6e: {  	_ =	shalt  }
0x6f: {  	_ =	shalt  }
0x70: {  	_ =	shalt  }
0x71: {  	_ =	shalt  }
0x72: {  	_ =	shalt  }
0x73: {  	_ =	shalt  }
0x74: {  	_ =	shalt  }
0x75: {  	_ =	shalt  }
0x76: {  	_ =	shalt  }
0x77: {  	_ =	shalt  }
0x78: {  	_ =	shalt  }
0x79: {  	_ =	shalt  }
0x7a: {  	_ =	shalt  }
0x7b: {  	_ =	shalt  }
0x7c: {  	_ =	shalt  }
0x7d: {  	_ =	shalt  }
0x7e: {  	_ =	shalt  }
0x7f: {  	_ =	shalt  }
0x80: {  	_ =	shalt  }
0x81: {  	_ =	shalt  }
0x82: {  	_ =	shalt  }
0x83: {  	_ =	shalt  }
0x84: {  	_ =	shalt  }
0x85: {  	_ =	shalt  }
0x86: {  	_ =	shalt  }
0x87: {  	_ =	shalt  }
.Lfunc_end0:
.L_simem_size_0:
called_computation_lowered:
.L_overlay_start_0:
0x88: {  	s2 =	sld [smem:$0x3FD9]  }
0x89: {  	s3 =	sld [smem:$0x3FFE];
	_ =	sdelay $0x1  }
0x8a: {  	s1 =	srdreg.scid  }
0x8b: {  	s0 =	sand.u32 $0x1, s1  }
0x8c: {  	s17 =	sshll.u32 s0, $0xA;
	s2 =	sadd.s32 s3, s2  }
0x8d: {  	s2 =	sadd.s32 s2, s17  }
0x8e: {  	[smem:$0x3FC1] =	sst s2  }
0x8f: {  	_ = 	snop  }
0x90: {  	s2 =	sld [smem:$0x3FC9];
	(tm) =	ssettm $0x1  }
0x91: {  	s18 =	sld [smem:$0x3FFB];
	_ =	sdelay $0x3  }
0x92: {  	_ =	strace s18  }
0x93: {  	s3 =	sld [smem:$0x3FFC];
	_ =	sdelay $0x3  }
0x94: {  	_ =	strace s3  }
0x95: {  	s3 =	sld [smem:$0x3FFD];
	_ =	sdelay $0x3  }
0x96: {  	_ =	strace s3  }
0x97: {  	_ =	strace $0x8FFFFFFF  }
0x98: {  	s19 =	sld [smem:$0x3FDB];
	_ =	sdelay $0x1  }
0x99: {  	s4 =	simm.s32 $_scs_section_size  }
0x9a: {  	s5 =	simm.s32 $_size__tile_overlayer_lowered;
	s6 =	simm.s32 $_tile_overlayer_lowered  }
0x9b: {  	s22 =	simm.s32 $0x1BFF;
	s21 =	sshll.u32 s6, $0x1;
	s3 =	sadd.s32 s4, s19  }
0x9c: {  	s7 =	simm.s32 $0x0;
	s20 =	sshll.u32 s5, $0x1;
	s5 =	sadd.s32 s21, s3  }
0x9d: {  	[timem:s7], [sflag:s22] =	dma.local [hbm:s5], s20  }
0x9e: {  	_ =	swait.ge [sflag:s22], s20  }
0x9f: {  	s4 =	ssub.s32 $0x0, s20;
	[sflag:s22] =	ssyncset.done $0x0  }
0xa0: {  	[sflag:s22] =	ssyncadd.s32 s4;
	_ =	sdelay $0x1  }
0xa1: {  	s23 =	simm.s32 $0x1B8B  }
0xa2: {  	_ =	swait.ge [sflag:s23], $0x1  }
0xa3: {  	[sflag:s23] =	ssyncset.done $0x0  }
0xa4: {  	s25 =	simm.s32 $0x1B8E;
	s24 =	sld [smem:$0x3FFE];
	[sflag:s23] =	ssyncadd.s32 $0xFFFFFFFF  }
0xa5: {  	s26 =	simm.s32 $execute0_lowered;
	[smem:$0x3FD2] =	sst s25  }
0xa6: {  	s5 =	sshll.u32 s26, $0x1;
	_ =	strace $0x80000046;
	[dreg:$0x1] =	wrdreg $0xFFFFFFFF  }
0xa7: {  	s28 =	simm.s32 $_size_execute0_lowered;
	s3 =	sadd.s32 s3, s5;
	[dreg:$0x0] =	wrdreg $0x0  }
0xa8: {  	s5 =	sshll.u32 s28, $0x1;
	[dreg:$0x2] =	wrdreg s3  }
0xa9: {  	[dreg:$0x3] =	wrdreg s5  }
0xaa: {  	[dreg:$0x4] =	wrdreg $0xC0  }
0xab: {  	_ =	task [dreg:s7], $0x5FFFF  }
0xac: {  	[dreg:$0x1] =	wrdreg $0xFFFFFFFF  }
0xad: {  	[dreg:$0x0] =	wrdreg $0x60  }
0xae: {  	[dreg:$0x2] =	wrdreg s2  }
0xaf: {  	[dreg:$0x3] =	wrdreg s24  }
0xb0: {  	[dreg:$0x4] =	wrdreg $0x9  }
0xb1: {  	_ =	task.clear_ibuf [dreg:s7], $0x5FFFF;
	_ =	strace $0x90000046  }
0xb2: {  	s29 =	simm.s32 $0x9;
	_ =	strace $0x80000048  }
0xb3: {  	_ =	swait.ge [sflag:s29], $0x1  }
0xb4: {  	[sflag:s29] =	ssyncadd.s32 $0xFFFFFFFF  }
0xb5: {  	_ =	strace $0x90000048  }
0xb6: {  	_ =	sfence  }
0xb7: {  	s30 =	sld [smem:$0x0];
	_ =	sdelay $0x2  }
0xb8: {  	s31 =	sshll.u32 s1, $0xD;
	s1 =	sshrl.u32 s1, $0x2  }
0xb9: {  	s3 =	sand.u32 $0x4000, s31;
	s1 =	sadd.s32 s1, s30  }
0xba: {  	s0 =	sor.u32 s3, s0;
	s1 =	sshll.u32 s1, $0x11  }
0xbb: {  	s0 =	sor.u32 s1, s0  }
0xbc: {  	s0 =	sadd.s32 $0x8F2B, s0  }
0xbd: {  	[sflag:s0] =	ssyncadd.remote.s32 $0x1  }
0xbe: {  	_ =	sfence.sel $0xFFFF  }
0xbf: {  	[dreg:$0x0] =	wrdreg $0xFFFFFFFF;
	(pc) =	sbr.abs _section_cstart, $3  }
0xc0: {  	[dreg:$0x1] =	wrdreg $0xFFFFFFFF  }
0xc1: {  	_ =	task.clear_ibuf [dreg:s7], $0x2FFFF;
	_ =	strace $0x9FFFFFFF  }
0xc2: {  	(tm) =	ssettm $0x7FFFFFFF  }
0xc3: {  	_ =	shalt  }
tec
execute0_lowered:
.L_overlay_start_1:
0x0: {  	(tag) =	ssettag $0x1  }
0x1: {  	s5 =	rddreg [dreg:$0x0]  }
0x2: {  	s7 =	rddreg [dreg:$0x1]  }
0x3: {  	s0 =	rddreg [dreg:$0x2];
	s3 =	srdreg.scid  }
0x4: {  	s2 =	simm.s32 $0x0;
	s1 =	stileid.u32;
	s11 =	simm.s32 $0x2  }
0x5: {  	s12 =	simm.s32 $0x880;
	s13 =	simm.s32 $0x1080;
	s14 =	simm.s32 $0x1880  }
0x6: {  	s15 =	simm.s32 $0x2080;
	s16 =	simm.s32 $0x2880;
	s17 =	simm.s32 $0x3080  }
0x7: {  	s18 =	simm.s32 $0x3880;
	s19 =	simm.s32 $0x4080;
	s20 =	simm.s32 $0x4880  }
0x8: {  	s21 =	simm.s32 $0x5080;
	s22 =	simm.s32 $0x5880;
	s3 =	sand.u32 $0x1, s3  }
0x9: {  	[smem:$0x7FF] =	sst s2;
	s4 =	sshll.u32 s1, $0x3;
	s6 =	sshll.u32 s3, $0x2  }
0xa: {  	_ =	strace $0x80000047;
	s31 =	ssub.s32 $0x2, s3;
	s3 =	sadd.s32 $0x1D200, s7  }
0xb: {  	s4 =	sor.u32 s6, s4;
	s9 =	sshrl.u32 s31, $0x1;
	s6 =	sadd.s32 $0x1D300, s7  }
0xc: {  	v2 =	vlaneseq.u32;
	s8 =	sadd.s32 s4, s7;
	s10 =	smul.u32 $0x300, s4;
	s9 =	ssub.s32 s31, s9  }
0xd: {  	vm0 =	vmmov $0xffff;
	v1 =	vshrl.u32 v2, $0x3;
	s7 =	sadd.s32 $0x1D400, s7;
	s4 =	sadd.s32 $0x1D000, s8;
	s8 =	smax.u32 s9, $0x1  }
0xe: {  	v0 =	vand.u32 $0x7, v2;
	v2 =	vor.u32 $0x8, v2;
	v1 =	vmul.u32 $0x8, v1;
	s9 =	simm.s32 $0x80;
	s5 =	sadd.s32 s5, s10;
	s10 =	simm.s32 $0x1  }
.LBB2_1:
0xf: {  	[tilespmem:s2], [sflag:$0x1] =	stream.linear.gather [hbm4b:s4+s2], $0x20, $0x38;
	[tilespmem:$0x6080] =	vst v63  }
0x10: {  	_ = 	snop  }
0x11: {  	[tilespmem:s9], [sflag:$0x2] =	stream.linear.gather [hbm4b:s5+s2], $0x6000, $0x38;
	[tilespmem:$0x6080] =	vst v63  }
0x12: {  	_ =	swait.ge [sflag:s10], $0x20  }
0x13: {  	[sflag:s10] =	ssyncset.done $0x0  }
0x14: {  	[sflag:s10] =	ssyncadd.s32 $0xFFFFFFE0  }
0x15: {  	_ =	swait.ge [sflag:s11], $0x6000  }
0x16: {  	[sflag:s11] =	ssyncset.done $0x0  }
0x17: {  	[sflag:s11] =	ssyncadd.s32 $0xFFFFA000  }
0x18: {  	v3 =	vld [tilespmem:$0x0];
	_ =	sdelay $0x4  }
0x19: {  	v4 =	vshrl.u32 v3, $0x3  }
0x1a: {  	v4 =	vmul.u32 $0x30, v4  }
0x1b: {  	v3 =	vand.u32 $0x7, v3  }
0x1c: {  	v3 =	vor.u32 v3, v4  }
0x1d: {  	v4 =	vperm.xlane v3, v0;
	_ =	sdelay $0x1  }
0x1e: {  	v4 =	vadd.s32 v1, v4;
	_ =	sdelay $0x3  }
0x1f: {  	v3 =	vperm.xlane v3, v2  }
0x20: {  	[hbm4b:s3+s2] =	stream.indirect_vreg.scatter [tilespmem:s9], [sflag:$0x1], $0x80, v4, vm0, $0xb8;
	[tilespmem:$0x6080] =	vst v63  }
0x21: {  	v3 =	vadd.s32 v1, v3  }
0x22: {  	[hbm4b:s6+s2] =	stream.indirect_vreg.scatter [tilespmem:s12], [sflag:$0x1], $0x80, v4, vm0, $0xb8;
	[tilespmem:$0x6080] =	vst v63  }
0x23: {  	_ = 	snop  }
0x24: {  	[hbm4b:s7+s2] =	stream.indirect_vreg.scatter [tilespmem:s13], [sflag:$0x1], $0x80, v4, vm0, $0xb8;
	[tilespmem:$0x6080] =	vst v63  }
0x25: {  	_ = 	snop  }
0x26: {  	[hbm4b:s3+s2] =	stream.indirect_vreg.scatter [tilespmem:s14], [sflag:$0x1], $0x80, v3, vm0, $0xb8;
	[tilespmem:$0x6080] =	vst v63  }
0x27: {  	_ = 	snop  }
0x28: {  	[hbm4b:s6+s2] =	stream.indirect_vreg.scatter [tilespmem:s15], [sflag:$0x1], $0x80, v3, vm0, $0xb8;
	[tilespmem:$0x6080] =	vst v63  }
0x29: {  	_ = 	snop  }
0x2a: {  	[hbm4b:s7+s2] =	stream.indirect_vreg.scatter [tilespmem:s16], [sflag:$0x1], $0x80, v3, vm0, $0xb8;
	[tilespmem:$0x6080] =	vst v63  }
0x2b: {  	v3 =	vld [tilespmem:$0x10];
	_ =	sdelay $0x4  }
0x2c: {  	v63 =	vshrl.u32 v3, $0x3  }
0x2d: {  	v4 =	vmul.u32 $0x30, v63  }
0x2e: {  	v3 =	vand.u32 $0x7, v3  }
0x2f: {  	v3 =	vor.u32 v3, v4  }
0x30: {  	v4 =	vperm.xlane v3, v0;
	_ =	sdelay $0x1  }
0x31: {  	v4 =	vadd.s32 v1, v4;
	_ =	sdelay $0x3  }
0x32: {  	v3 =	vperm.xlane v3, v2  }
0x33: {  	[hbm4b:s3+s2] =	stream.indirect_vreg.scatter [tilespmem:s17], [sflag:$0x1], $0x80, v4, vm0, $0xb8;
	[tilespmem:$0x6080] =	vst v63  }
0x34: {  	v3 =	vadd.s32 v1, v3  }
0x35: {  	[hbm4b:s6+s2] =	stream.indirect_vreg.scatter [tilespmem:s18], [sflag:$0x1], $0x80, v4, vm0, $0xb8;
	[tilespmem:$0x6080] =	vst v63  }
0x36: {  	_ = 	snop  }
0x37: {  	[hbm4b:s7+s2] =	stream.indirect_vreg.scatter [tilespmem:s19], [sflag:$0x1], $0x80, v4, vm0, $0xb8;
	[tilespmem:$0x6080] =	vst v63  }
0x38: {  	_ = 	snop  }
0x39: {  	[hbm4b:s3+s2] =	stream.indirect_vreg.scatter [tilespmem:s20], [sflag:$0x1], $0x80, v3, vm0, $0xb8;
	[tilespmem:$0x6080] =	vst v63  }
0x3a: {  	p0 =	sne.s32 s8, $0x1  }
0x3b: {  	[hbm4b:s6+s2] =	stream.indirect_vreg.scatter [tilespmem:s21], [sflag:$0x1], $0x80, v3, vm0, $0xb8;
	[tilespmem:$0x6080] =	vst v63  }
.Ltmp0:
0x3c: {  	_ = 	snop;
	(pc) =	sbr.rel @p0 .LBB2_1-.Ltmp0, $4  }
0x3d: {  	[hbm4b:s7+s2] =	stream.indirect_vreg.scatter [tilespmem:s22], [sflag:$0x1], $0x80, v3, vm0, $0xb8;
	[tilespmem:$0x6080] =	vst v63  }
0x3e: {  	_ =	swait.ge [sflag:s10], $0x6000  }
0x3f: {  	[sflag:s10] =	ssyncset.done $0x0  }
0x40: {  	s8 =	sadd.s32 $0xFFFFFFFF, s8;
	[sflag:s10] =	ssyncadd.s32 $0xFFFFA000  }
0x41: {  	_ =	sfence.sel $0x180000  }
0x42: {  	[bflag:$0x0] =	sbarrier.arrive $0xFFFF  }
0x43: {  	p0 =	sne.s32 s1, $0x0;
	_ =	strace $0x90000047  }
0x44: {  	s0 =	sadd.s32 @!p0 $0x100000, s0;
	[bflag:$0x2] =	sbarrier.arrive $0xFFFF  }
0x45: {  	[sflag:s0] =	ssyncadd.tile.s32 @!p0 $0x1;
	_ =	shalt  }
.Lfunc_end2:
_tile_overlayer_lowered:
.L_overlay_start_2:
0x46: {  	(tag) =	ssettag $0x2  }
0x47: {  	s0 =	rddreg [dreg:$0x0];
	s2 =	stileid.u32  }
0x48: {  	s1 =	rddreg [dreg:$0x1];
	p0 =	sne.s32 s2, $0x0  }
0x49: {  	s3 =	rddreg [dreg:$0x2];
	[bflag:$0x3] =	sbarrier.arrive $0xFFFF;
	s2 =	simm.s32 @!p0 $0x1C03  }
0x4a: {  	[timem:s3], [sflag:s2] =	dma.local @!p0 [hbm:s0], s1  }
0x4b: {  	s0 =	simm.s32 @!p0 $0x3  }
0x4c: {  	_ =	swait.ge @!p0 [sflag:s0], s1  }
0x4d: {  	s1 =	ssub.s32 @!p0 $0x0, s1;
	[sflag:s0] =	ssyncset.done @!p0 $0x0  }
0x4e: {  	[sflag:s0] =	ssyncadd.s32 @!p0 s1  }
0x4f: {  	[bflag:$0x3] =	sbarrier.arrive $0xFFFF  }
0x50: {  	_ =	shalt  }

// kernel: kernel.9.cloned.1.call-start
scs
__scs_entry_jumppad:
0x0: {  	(pc) =	sbr.rel $0x88, $3  }
0x1: {  	(tag) =	ssettag $0x0;
	lr =	simm.s32 $0x1  }
0x2: {  	[smem:$0x3F9A] =	sst lr;
	_ =	strace $0xD0000000  }
0x3: {  	_ = 	snop  }
0x4: {  	_ = 	snop  }
0x5: {  	_ = 	snop  }
0x6: {  	_ = 	snop  }
0x7: {  	_ = 	snop  }
__scs_overlays_trampoline_lowered:
0x8: {  	[smem:$0x3FA9] =	sst s0  }
0x9: {  	[smem:$0x3FAA] =	sst s1  }
0xa: {  	[smem:$0x3FAB] =	sst s2  }
0xb: {  	[smem:$0x3FAC] =	sst s3  }
0xc: {  	[smem:$0x3FAD] =	sst s4  }
0xd: {  	[smem:$0x3FAE] =	sst s5  }
0xe: {  	[smem:$0x3FAF] =	sst s6  }
0xf: {  	[smem:$0x3FB0] =	sst s7  }
0x10: {  	[smem:$0x3FB1] =	sst s8  }
0x11: {  	[smem:$0x3FB2] =	sst s9;
	s0 =	simm.s32 @!p0 $0x0  }
0x12: {  	s1 =	sld [smem:$0x3F98];
	s0 =	simm.s32 @p0 $0x1  }
0x13: {  	[smem:$0x3FB3] =	sst s0;
	s0 =	simm.s32 @!p1 $0x0  }
0x14: {  	s2 =	sld [smem:$0x3F97];
	s0 =	simm.s32 @p1 $0x1  }
0x15: {  	[smem:$0x3FB4] =	sst s0;
	s0 =	simm.s32 @!p2 $0x0  }
0x16: {  	s3 =	sld [smem:$0x3FDB];
	s0 =	simm.s32 @p2 $0x1  }
0x17: {  	s4 =	simm.s32 $0x1BF5;
	[smem:$0x3FB6] =	sst s0  }
0x18: {  	s0 =	sld [smem:$0x3F99];
	_ =	swait.ge [sflag:s4], $0x0  }
0x19: {  	s7 =	sld [smem:$0x3F9A]  }
0x1a: {  	s8 =	sadd.s32 $0xFFFFE003, lr  }
0x1b: {  	s9 =	sadd.s32 $0xFFFFFEF7, lr;
	s5 =	simm.s32 $0xFFFFFFFF;
	p2 =	slt.u32 s8, $0xFFFFF086  }
0x1c: {  	p1 =	slt.u32 s9, $0xF7A;
	s5 =	simm.s32 @!p2 $0x0  }
0x1d: {  	s5 =	simm.s32 @p1 $0x1;
	p0 =	seq.s32 s7, s2  }
0x1e: {  	s7 =	smul.u32 @!p0 $0xF7A, s2;
	p2 =	seq.s32 @!p0 s5, $0x0  }
0x1f: {  	s9 =	smul.u32 $0xF7A, s1;
	s8 =	simm.s32 @!p0 $0x1BF5;
	p2 =	por !p2, p0  }
0x20: {  	[sflag:s8] =	ssyncset.s32 @!p0 $0xFFFFF086;
	s6 =	sadd.s32 @!p0 s3, s7;
	s7 =	simm.s32 @!p0 $0x108  }
0x21: {  	s3 =	sadd.s32 s3, s9;
	s6 =	sadd.s32 @!p0 $0x88, s6;
	s7 =	simm.s32 @p2 $0x1082  }
0x22: {  	[simem:s7], [sflag:s8] =	dma.local @!p0 [hbm:s6], $0xF7A  }
0x23: {  	s9 =	sor.u32 $0xD0000000, s2;
	s6 =	simm.s32 $0x108;
	_ =	swait.ge @!p0 [sflag:s8], $0x0  }
0x24: {  	s3 =	sadd.s32 $0x88, s3;
	s6 =	simm.s32 @!p1 $0x1082;
	[sflag:s4] =	ssyncset.s32 $0xFFFFF086  }
0x25: {  	[simem:s6], [sflag:s4] =	dma.local [hbm:s3], $0xF7A  }
0x26: {  	[smem:$0x3F9A] =	sst s1;
	(tag) =	ssettag s2;
	_ =	strace s9  }
0x27: {  	s1 =	sld [smem:$0x3FAA]  }
0x28: {  	s2 =	sld [smem:$0x3FAB]  }
0x29: {  	s4 =	sld [smem:$0x3FAD]  }
0x2a: {  	p0 =	seq.s32 s5, $0x0;
	s5 =	sld [smem:$0x3FAE]  }
0x2b: {  	s6 =	sld [smem:$0x3FAF]  }
0x2c: {  	s7 =	sld [smem:$0x3FB0]  }
0x2d: {  	s3 =	simm.s32 $0x108;
	s8 =	sld [smem:$0x3FB1]  }
0x2e: {  	s3 =	simm.s32 @!p0 $0x1082;
	s9 =	sld [smem:$0x3FB2]  }
0x2f: {  	lr =	sadd.s32 s0, s3;
	s0 =	sld [smem:$0x3FA9]  }
0x30: {  	s3 =	sld [smem:$0x3FAC]  }
0x31: {  	[smem:$0x3FB5] =	sst s10  }
0x32: {  	s10 =	sld [smem:$0x3FB3];
	_ =	sdelay $0x3  }
0x33: {  	p0 =	seq.s32 s10, $0x1;
	s10 =	sld [smem:$0x3FB5];
	_ =	sdelay $0x3  }
0x34: {  	[smem:$0x3FB5] =	sst s10  }
0x35: {  	s10 =	sld [smem:$0x3FB4];
	_ =	sdelay $0x3  }
0x36: {  	p1 =	seq.s32 s10, $0x1;
	s10 =	sld [smem:$0x3FB5];
	_ =	sdelay $0x3  }
0x37: {  	[smem:$0x3FB5] =	sst s10  }
0x38: {  	s10 =	sld [smem:$0x3FB6]  }
0x39: {  	_ = 	snop;
	(pc) =	sbr.ind lr, $3  }
0x3a: {  	_ = 	snop  }
0x3b: {  	_ = 	snop  }
0x3c: {  	p2 =	seq.s32 s10, $0x1;
	s10 =	sld [smem:$0x3FB5]  }
0x3d: {  	_ =	shalt  }
0x3e: {  	_ =	shalt  }
0x3f: {  	_ =	shalt  }
0x40: {  	_ =	shalt  }
0x41: {  	_ =	shalt  }
0x42: {  	_ =	shalt  }
0x43: {  	_ =	shalt  }
0x44: {  	_ =	shalt  }
0x45: {  	_ =	shalt  }
0x46: {  	_ =	shalt  }
0x47: {  	_ =	shalt  }
0x48: {  	_ =	shalt  }
0x49: {  	_ =	shalt  }
0x4a: {  	_ =	shalt  }
0x4b: {  	_ =	shalt  }
0x4c: {  	_ =	shalt  }
0x4d: {  	_ =	shalt  }
0x4e: {  	_ =	shalt  }
0x4f: {  	_ =	shalt  }
0x50: {  	_ =	shalt  }
0x51: {  	_ =	shalt  }
0x52: {  	_ =	shalt  }
0x53: {  	_ =	shalt  }
0x54: {  	_ =	shalt  }
0x55: {  	_ =	shalt  }
0x56: {  	_ =	shalt  }
0x57: {  	_ =	shalt  }
0x58: {  	_ =	shalt  }
0x59: {  	_ =	shalt  }
0x5a: {  	_ =	shalt  }
0x5b: {  	_ =	shalt  }
0x5c: {  	_ =	shalt  }
0x5d: {  	_ =	shalt  }
0x5e: {  	_ =	shalt  }
0x5f: {  	_ =	shalt  }
0x60: {  	_ =	shalt  }
0x61: {  	_ =	shalt  }
0x62: {  	_ =	shalt  }
0x63: {  	_ =	shalt  }
0x64: {  	_ =	shalt  }
0x65: {  	_ =	shalt  }
0x66: {  	_ =	shalt  }
0x67: {  	_ =	shalt  }
0x68: {  	_ =	shalt  }
0x69: {  	_ =	shalt  }
0x6a: {  	_ =	shalt  }
0x6b: {  	_ =	shalt  }
0x6c: {  	_ =	shalt  }
0x6d: {  	_ =	shalt  }
0x6e: {  	_ =	shalt  }
0x6f: {  	_ =	shalt  }
0x70: {  	_ =	shalt  }
0x71: {  	_ =	shalt  }
0x72: {  	_ =	shalt  }
0x73: {  	_ =	shalt  }
0x74: {  	_ =	shalt  }
0x75: {  	_ =	shalt  }
0x76: {  	_ =	shalt  }
0x77: {  	_ =	shalt  }
0x78: {  	_ =	shalt  }
0x79: {  	_ =	shalt  }
0x7a: {  	_ =	shalt  }
0x7b: {  	_ =	shalt  }
0x7c: {  	_ =	shalt  }
0x7d: {  	_ =	shalt  }
0x7e: {  	_ =	shalt  }
0x7f: {  	_ =	shalt  }
0x80: {  	_ =	shalt  }
0x81: {  	_ =	shalt  }
0x82: {  	_ =	shalt  }
0x83: {  	_ =	shalt  }
0x84: {  	_ =	shalt  }
0x85: {  	_ =	shalt  }
0x86: {  	_ =	shalt  }
0x87: {  	_ =	shalt  }
.Lfunc_end0:
.L_simem_size_0:
called_computation.1_lowered:
.L_overlay_start_0:
0x88: {  	s2 =	sld [smem:$0x3FD9]  }
0x89: {  	s3 =	sld [smem:$0x3FFE];
	_ =	sdelay $0x1  }
0x8a: {  	s1 =	srdreg.scid  }
0x8b: {  	s0 =	sand.u32 $0x1, s1  }
0x8c: {  	s14 =	sshll.u32 s0, $0xA;
	s2 =	sadd.s32 s3, s2  }
0x8d: {  	s2 =	sadd.s32 s2, s14  }
0x8e: {  	[smem:$0x3FC1] =	sst s2  }
0x8f: {  	_ = 	snop  }
0x90: {  	s2 =	sld [smem:$0x3FD0];
	_ =	sdelay $0x2  }
0x91: {  	s15 =	simm.s32 $0xA;
	s4 =	simm.s32 $0x10  }
0x92: {  	[smem:s4], [sflag:s15] =	dma.local [hbm:s2], $0x1  }
0x93: {  	_ =	swait.eq [sflag:s15], $0x1  }
0x94: {  	[sflag:s15] =	ssyncset.done $0x0  }
0x95: {  	[sflag:s15] =	ssyncadd.s32 $0xFFFFFFFF  }
0x96: {  	s16 =	sld [smem:$0x10];
	(tm) =	ssettm $0x1  }
0x97: {  	s17 =	sld [smem:$0x3FFB];
	_ =	sdelay $0x3  }
0x98: {  	_ =	strace s17  }
0x99: {  	s3 =	sld [smem:$0x3FFC];
	_ =	sdelay $0x3  }
0x9a: {  	_ =	strace s3  }
0x9b: {  	s3 =	sld [smem:$0x3FFD];
	_ =	sdelay $0x3  }
0x9c: {  	_ =	strace s3  }
0x9d: {  	_ =	strace $0x8FFFFFFF  }
0x9e: {  	s18 =	sld [smem:$0x3FDB];
	_ =	sdelay $0x1  }
0x9f: {  	s19 =	simm.s32 $_scs_section_size  }
0xa0: {  	s5 =	simm.s32 $_size__tile_overlayer_lowered;
	s6 =	simm.s32 $_tile_overlayer_lowered  }
0xa1: {  	s22 =	simm.s32 $0x1BFF;
	s21 =	sshll.u32 s6, $0x1;
	s3 =	sadd.s32 s19, s18  }
0xa2: {  	s7 =	simm.s32 $0x0;
	s20 =	sshll.u32 s5, $0x1;
	s5 =	sadd.s32 s21, s3  }
0xa3: {  	[timem:s7], [sflag:s22] =	dma.local [hbm:s5], s20  }
0xa4: {  	_ =	swait.ge [sflag:s22], s20  }
0xa5: {  	s4 =	ssub.s32 $0x0, s20;
	[sflag:s22] =	ssyncset.done $0x0  }
0xa6: {  	[sflag:s22] =	ssyncadd.s32 s4;
	_ =	sdelay $0x1  }
0xa7: {  	s23 =	simm.s32 $0x1B8B  }
0xa8: {  	_ =	swait.ge [sflag:s23], $0x1  }
0xa9: {  	[sflag:s23] =	ssyncset.done $0x0  }
0xaa: {  	s25 =	simm.s32 $0x1B8E;
	s24 =	sld [smem:$0x3FFE];
	[sflag:s23] =	ssyncadd.s32 $0xFFFFFFFF  }
0xab: {  	s26 =	simm.s32 $execute0_lowered;
	[smem:$0x3FD2] =	sst s25  }
0xac: {  	s5 =	sshll.u32 s26, $0x1;
	_ =	strace $0x80000049;
	[dreg:$0x1] =	wrdreg $0xFFFFFFFF  }
0xad: {  	s28 =	simm.s32 $_size_execute0_lowered;
	s3 =	sadd.s32 s3, s5;
	[dreg:$0x0] =	wrdreg $0x0  }
0xae: {  	s5 =	sshll.u32 s28, $0x1;
	[dreg:$0x2] =	wrdreg s3  }
0xaf: {  	[dreg:$0x3] =	wrdreg s5  }
0xb0: {  	[dreg:$0x4] =	wrdreg $0xC0  }
0xb1: {  	_ =	task [dreg:s7], $0x5FFFF  }
0xb2: {  	[dreg:$0x1] =	wrdreg $0xFFFFFFFF  }
0xb3: {  	[dreg:$0x0] =	wrdreg $0x60  }
0xb4: {  	[dreg:$0x2] =	wrdreg s24  }
0xb5: {  	[dreg:$0x3] =	wrdreg s16  }
0xb6: {  	[dreg:$0x4] =	wrdreg $0x9  }
0xb7: {  	_ =	task.clear_ibuf [dreg:s7], $0x5FFFF;
	_ =	strace $0x90000049  }
0xb8: {  	s29 =	simm.s32 $0x9;
	_ =	strace $0x8000004B  }
0xb9: {  	_ =	swait.ge [sflag:s29], $0x1  }
0xba: {  	[sflag:s29] =	ssyncadd.s32 $0xFFFFFFFF  }
0xbb: {  	_ =	strace $0x9000004B  }
0xbc: {  	_ =	sfence  }
0xbd: {  	s30 =	sld [smem:$0x0];
	_ =	sdelay $0x2  }
0xbe: {  	s31 =	sshll.u32 s1, $0xD;
	s1 =	sshrl.u32 s1, $0x2  }
0xbf: {  	s3 =	sand.u32 $0x4000, s31;
	s1 =	sadd.s32 s1, s30  }
0xc0: {  	s0 =	sor.u32 s3, s0;
	s1 =	sshll.u32 s1, $0x11  }
0xc1: {  	s0 =	sor.u32 s1, s0  }
0xc2: {  	s0 =	sadd.s32 $0x8F2B, s0  }
0xc3: {  	[sflag:s0] =	ssyncadd.remote.s32 $0x1  }
0xc4: {  	_ =	sfence.sel $0xFFFF  }
0xc5: {  	[dreg:$0x0] =	wrdreg $0xFFFFFFFF;
	(pc) =	sbr.abs _section_cstart, $3  }
0xc6: {  	[dreg:$0x1] =	wrdreg $0xFFFFFFFF  }
0xc7: {  	_ =	task.clear_ibuf [dreg:s7], $0x2FFFF;
	_ =	strace $0x9FFFFFFF  }
0xc8: {  	(tm) =	ssettm $0x7FFFFFFF  }
0xc9: {  	_ =	shalt  }
tec
execute0_lowered:
.L_overlay_start_1:
0x0: {  	(tag) =	ssettag $0x1  }
0x1: {  	s1 =	srdreg.scid;
	s8 =	rddreg [dreg:$0x0]  }
0x2: {  	s0 =	stileid.u32;
	s9 =	rddreg [dreg:$0x1];
	s2 =	simm.s32 $0x0  }
0x3: {  	s11 =	simm.s32 $0x2;
	s12 =	simm.s32 $0x6080;
	s13 =	simm.s32 $0x80  }
0x4: {  	s14 =	simm.s32 $0x880;
	s15 =	simm.s32 $0x1080;
	s16 =	simm.s32 $0x1880  }
0x5: {  	s17 =	simm.s32 $0x2080;
	s18 =	simm.s32 $0x2880;
	s19 =	simm.s32 $0x3080  }
0x6: {  	s20 =	simm.s32 $0x3880;
	s21 =	simm.s32 $0x4080;
	s22 =	simm.s32 $0x4880  }
0x7: {  	s23 =	simm.s32 $0x5080;
	s24 =	simm.s32 $0x5880;
	s1 =	sand.u32 $0x1, s1  }
0x8: {  	s25 =	simm.s32 $0x1;
	s3 =	sshll.u32 s0, $0x6;
	s4 =	sshll.u32 s1, $0x5  }
0x9: {  	s26 =	simm.s32 $0x0;
	[smem:$0x7FF] =	sst s2;
	s4 =	sor.u32 s4, s3  }
0xa: {  	_ =	strace $0x8000004A;
	s1 =	ssub.s32 $0x2, s1;
	s5 =	sshrl.u32 s4, $0x3  }
0xb: {  	v2 =	vlaneseq.u32;
	s3 =	sadd.s32 $0x1D200, s8;
	s31 =	sshrl.u32 s1, $0x1;
	s10 =	smul.u32 $0x300, s5  }
0xc: {  	v0 =	vand.u32 $0x7, v2;
	v1 =	vshrl.u32 v2, $0x3;
	s4 =	sshll.u32 s4, $0x4;
	s1 =	ssub.s32 s1, s31;
	s5 =	sadd.s32 s5, s8  }
0xd: {  	v63 =	vor.u32 $0x8, v2;
	[tilespmem:$0x1FFD0] =	vst v0;
	v62 =	vmul.u32 $0x8, v1;
	s7 =	sadd.s32 s4, s8;
	s4 =	sadd.s32 $0x1D000, s5;
	s6 =	sadd.s32 s10, s8  }
0xe: {  	[tilespmem:$0x1FFF0] =	vst v63;
	s9 =	sadd.s32 s9, s10;
	s10 =	smax.u32 s1, $0x1;
	s5 =	sadd.s32 $0x1000, s6  }
0xf: {  	vm0 =	vmmov $0xffff;
	[tilespmem:$0x1FFE0] =	vst v62;
	s6 =	sadd.s32 $0x19000, s7;
	s7 =	sadd.s32 $0x1D300, s8;
	s8 =	sadd.s32 $0x1D400, s8  }
.LBB2_1:
0x10: {  	[tilespmem:s2], [sflag:$0x2] =	stream.linear.gather [hbm4b:s4+s2], $0x20, $0x38;
	[tilespmem:$0xD080] =	vst v63  }
0x11: {  	_ =	swait.ge [sflag:s11], $0x20  }
0x12: {  	[sflag:s11] =	ssyncset.done $0x0  }
0x13: {  	[sflag:s11] =	ssyncadd.s32 $0xFFFFFFE0  }
0x14: {  	[tilespmem:s12], [sflag:$0x2] =	stream.linear.gather [hbm4b:s5+s2], $0x6000, $0x38;
	[tilespmem:$0xD080] =	vst v63  }
0x15: {  	_ =	swait.ge [sflag:s11], $0x6000  }
0x16: {  	[sflag:s11] =	ssyncset.done $0x0  }
0x17: {  	s28 =	simm.s32 $0xC080;
	[sflag:s11] =	ssyncadd.s32 $0xFFFFA000  }
0x18: {  	[tilespmem:s28], [sflag:$0x2] =	stream.linear.gather [hbm4b:s6+s2], $0x1000, $0x38;
	[tilespmem:$0xD080] =	vst v63  }
0x19: {  	_ =	swait.ge [sflag:s11], $0x1000  }
0x1a: {  	[sflag:s11] =	ssyncset.done $0x0  }
0x1b: {  	[sflag:s11] =	ssyncadd.s32 $0xFFFFF000  }
0x1c: {  	v3 =	vld [tilespmem:$0x0];
	_ =	sdelay $0x3  }
0x1d: {  	v0 =	vld [tilespmem:$0x1FFD0]  }
0x1e: {  	v4 =	vshrl.u32 v3, $0x3  }
0x1f: {  	v1 =	vld [tilespmem:$0x1FFE0];
	v4 =	vmul.u32 $0x30, v4  }
0x20: {  	v3 =	vand.u32 $0x7, v3  }
0x21: {  	v3 =	vor.u32 v3, v4  }
0x22: {  	v4 =	vperm.xlane v3, v0  }
0x23: {  	v2 =	vld [tilespmem:$0x1FFF0]  }
0x24: {  	v4 =	vadd.s32 v1, v4;
	_ =	sdelay $0x3  }
0x25: {  	v3 =	vperm.xlane v3, v2  }
0x26: {  	[tilespmem:s13], [sflag:$0x1] =	stream.indirect_vreg.gather [hbm4b:s3+s2], $0x80, v4, vm0, $0xb8;
	[tilespmem:$0xD080] =	vst v63  }
0x27: {  	v3 =	vadd.s32 v1, v3  }
0x28: {  	[tilespmem:s14], [sflag:$0x1] =	stream.indirect_vreg.gather [hbm4b:s7+s2], $0x80, v4, vm0, $0xb8;
	[tilespmem:$0xD080] =	vst v63  }
0x29: {  	_ = 	snop  }
0x2a: {  	[tilespmem:s15], [sflag:$0x1] =	stream.indirect_vreg.gather [hbm4b:s8+s2], $0x80, v4, vm0, $0xb8;
	[tilespmem:$0xD080] =	vst v63  }
0x2b: {  	_ = 	snop  }
0x2c: {  	[tilespmem:s16], [sflag:$0x1] =	stream.indirect_vreg.gather [hbm4b:s3+s2], $0x80, v3, vm0, $0xb8;
	[tilespmem:$0xD080] =	vst v63  }
0x2d: {  	_ = 	snop  }
0x2e: {  	[tilespmem:s17], [sflag:$0x1] =	stream.indirect_vreg.gather [hbm4b:s7+s2], $0x80, v3, vm0, $0xb8;
	[tilespmem:$0xD080] =	vst v63  }
0x2f: {  	_ = 	snop  }
0x30: {  	[tilespmem:s18], [sflag:$0x1] =	stream.indirect_vreg.gather [hbm4b:s8+s2], $0x80, v3, vm0, $0xb8;
	[tilespmem:$0xD080] =	vst v63  }
0x31: {  	v3 =	vld [tilespmem:$0x10];
	_ =	sdelay $0x4  }
0x32: {  	v58 =	vshrl.u32 v3, $0x3  }
0x33: {  	v4 =	vmul.u32 $0x30, v58  }
0x34: {  	v3 =	vand.u32 $0x7, v3  }
0x35: {  	v3 =	vor.u32 v3, v4  }
0x36: {  	v4 =	vperm.xlane v3, v0;
	_ =	sdelay $0x1  }
0x37: {  	v4 =	vadd.s32 v1, v4;
	_ =	sdelay $0x3  }
0x38: {  	v3 =	vperm.xlane v3, v2  }
0x39: {  	[tilespmem:s19], [sflag:$0x1] =	stream.indirect_vreg.gather [hbm4b:s3+s2], $0x80, v4, vm0, $0xb8;
	[tilespmem:$0xD080] =	vst v63  }
0x3a: {  	v3 =	vadd.s32 v1, v3  }
0x3b: {  	[tilespmem:s20], [sflag:$0x1] =	stream.indirect_vreg.gather [hbm4b:s7+s2], $0x80, v4, vm0, $0xb8;
	[tilespmem:$0xD080] =	vst v63  }
0x3c: {  	_ = 	snop  }
0x3d: {  	[tilespmem:s21], [sflag:$0x1] =	stream.indirect_vreg.gather [hbm4b:s8+s2], $0x80, v4, vm0, $0xb8;
	[tilespmem:$0xD080] =	vst v63  }
0x3e: {  	_ = 	snop  }
0x3f: {  	[tilespmem:s22], [sflag:$0x1] =	stream.indirect_vreg.gather [hbm4b:s3+s2], $0x80, v3, vm0, $0xb8;
	[tilespmem:$0xD080] =	vst v63  }
0x40: {  	_ = 	snop  }
0x41: {  	[tilespmem:s23], [sflag:$0x1] =	stream.indirect_vreg.gather [hbm4b:s7+s2], $0x80, v3, vm0, $0xb8;
	[tilespmem:$0xD080] =	vst v63  }
0x42: {  	s1 =	simm.s32 $0x0  }
0x43: {  	[tilespmem:s24], [sflag:$0x1] =	stream.indirect_vreg.gather [hbm4b:s8+s2], $0x80, v3, vm0, $0xb8;
	[tilespmem:$0xD080] =	vst v63  }
0x44: {  	s1 =	smul.u32 $0x1800, s1;
	_ =	swait.ge [sflag:s25], $0x6000  }
0x45: {  	s29 =	sand.u32 $0x380, s2;
	[sflag:s25] =	ssyncset.done $0x0  }
0x46: {  	s31 =	sor.u32 s29, s1;
	[sflag:s25] =	ssyncadd.s32 $0xFFFFA000  }
0x47: {  	v22 =	vld [tilespmem:s31+$0x6080]  }
0x48: {  	v23 =	vld [tilespmem:s31+$0x6090]  }
0x49: {  	v24 =	vld [tilespmem:s31+$0x60A0]  }
0x4a: {  	v25 =	vld [tilespmem:s31+$0x60B0]  }
0x4b: {  	v26 =	vld [tilespmem:s31+$0x60C0]  }
0x4c: {  	v27 =	vld [tilespmem:s31+$0x60D0]  }
0x4d: {  	v28 =	vld [tilespmem:s31+$0x60E0]  }
0x4e: {  	v29 =	vld [tilespmem:s31+$0x60F0]  }
0x4f: {  	v30 =	vld [tilespmem:s31+$0x6480]  }
0x50: {  	v31 =	vld [tilespmem:s31+$0x6490]  }
0x51: {  	v32 =	vld [tilespmem:s31+$0x64A0]  }
0x52: {  	v33 =	vld [tilespmem:s31+$0x64B0]  }
0x53: {  	v34 =	vld [tilespmem:s31+$0x64C0]  }
0x54: {  	v35 =	vld [tilespmem:s31+$0x64D0]  }
0x55: {  	v36 =	vld [tilespmem:s31+$0x64E0]  }
0x56: {  	v37 =	vld [tilespmem:s31+$0x64F0]  }
0x57: {  	v38 =	vld [tilespmem:s31+$0x6880]  }
0x58: {  	v39 =	vld [tilespmem:s31+$0x6890]  }
0x59: {  	v40 =	vld [tilespmem:s31+$0x68A0]  }
0x5a: {  	v41 =	vld [tilespmem:s31+$0x68B0]  }
0x5b: {  	v42 =	vld [tilespmem:s31+$0x68C0]  }
0x5c: {  	v43 =	vld [tilespmem:s31+$0x68D0]  }
0x5d: {  	v44 =	vld [tilespmem:s31+$0x68E0]  }
0x5e: {  	v45 =	vld [tilespmem:s31+$0x68F0]  }
0x5f: {  	v46 =	vld [tilespmem:s31+$0x6C80]  }
0x60: {  	v21 =	vld [tilespmem:s31+$0x6C90]  }
0x61: {  	v20 =	vld [tilespmem:s31+$0x6CA0]  }
0x62: {  	v19 =	vld [tilespmem:s31+$0x6CB0]  }
0x63: {  	v18 =	vld [tilespmem:s31+$0x6CC0]  }
0x64: {  	v17 =	vld [tilespmem:s31+$0x6CD0]  }
0x65: {  	v16 =	vld [tilespmem:s31+$0x6CE0]  }
0x66: {  	v15 =	vld [tilespmem:s31+$0x6CF0]  }
0x67: {  	v14 =	vld [tilespmem:s31+$0x7080]  }
0x68: {  	v13 =	vld [tilespmem:s31+$0x7090]  }
0x69: {  	v12 =	vld [tilespmem:s31+$0x70A0]  }
0x6a: {  	v11 =	vld [tilespmem:s31+$0x70B0]  }
0x6b: {  	v10 =	vld [tilespmem:s31+$0x70C0]  }
0x6c: {  	v9 =	vld [tilespmem:s31+$0x70D0]  }
0x6d: {  	v8 =	vld [tilespmem:s31+$0x70E0]  }
0x6e: {  	v7 =	vld [tilespmem:s31+$0x70F0]  }
0x6f: {  	v6 =	vld [tilespmem:s31+$0x7480]  }
0x70: {  	v5 =	vld [tilespmem:s31+$0x7490]  }
0x71: {  	v59 =	vld [tilespmem:s31+$0x74A0]  }
0x72: {  	v47 =	vld [tilespmem:s31+$0x80]  }
0x73: {  	v60 =	vld [tilespmem:s28+$0x0]  }
0x74: {  	v48 =	vld [tilespmem:s31+$0x90]  }
0x75: {  	v49 =	vld [tilespmem:s31+$0xA0]  }
0x76: {  	v50 =	vld [tilespmem:s31+$0xB0]  }
0x77: {  	v51 =	vld [tilespmem:s31+$0xC0]  }
0x78: {  	v52 =	vld [tilespmem:s31+$0xD0]  }
0x79: {  	v53 =	vld [tilespmem:s31+$0xE0]  }
0x7a: {  	v54 =	vld [tilespmem:s31+$0xF0];
	v47 =	vmul.f32 v47, v60  }
0x7b: {  	v61 =	vld [tilespmem:s31+$0x480];
	v48 =	vmul.f32 v48, v60  }
0x7c: {  	v62 =	vld [tilespmem:s31+$0x490];
	v49 =	vmul.f32 v49, v60;
	v22 =	vadd.f32 v22, v47  }
0x7d: {  	v2 =	vld [tilespmem:s31+$0x74C0];
	v50 =	vmul.f32 v50, v60;
	v23 =	vadd.f32 v23, v48  }
0x7e: {  	v55 =	vld [tilespmem:s31+$0x14F0];
	v51 =	vmul.f32 v51, v60;
	v24 =	vadd.f32 v24, v49;
	[tilespmem:s31+$0x80] =	vst v22  }
0x7f: {  	v63 =	vmul.f32 v52, v60;
	v25 =	vadd.f32 v25, v50;
	v22 =	vld [tilespmem:s31+$0x4A0];
	[tilespmem:s31+$0x90] =	vst v23  }
0x80: {  	v0 =	vmul.f32 v53, v60;
	v26 =	vadd.f32 v26, v51;
	v23 =	vld [tilespmem:s31+$0x4B0];
	[tilespmem:s31+$0xA0] =	vst v24  }
0x81: {  	v1 =	vmul.f32 v54, v60;
	v27 =	vadd.f32 v27, v63;
	v24 =	vld [tilespmem:s31+$0x4C0];
	[tilespmem:s31+$0xB0] =	vst v25  }
0x82: {  	v47 =	vmul.f32 v61, v60;
	v28 =	vadd.f32 v28, v0;
	v25 =	vld [tilespmem:s31+$0x4D0];
	[tilespmem:s31+$0xC0] =	vst v26  }
0x83: {  	v48 =	vmul.f32 v62, v60;
	v29 =	vadd.f32 v29, v1;
	v26 =	vld [tilespmem:s31+$0x4E0];
	[tilespmem:s31+$0xD0] =	vst v27  }
0x84: {  	v27 =	vld [tilespmem:s31+$0x4F0];
	v30 =	vadd.f32 v30, v47;
	[tilespmem:s31+$0xE0] =	vst v28;
	v22 =	vmul.f32 v22, v60  }
0x85: {  	v28 =	vld [tilespmem:s31+$0x880];
	v31 =	vadd.f32 v31, v48;
	[tilespmem:s31+$0xF0] =	vst v29;
	v23 =	vmul.f32 v23, v60  }
0x86: {  	v29 =	vld [tilespmem:s31+$0x890];
	[tilespmem:s31+$0x480] =	vst v30;
	v24 =	vmul.f32 v24, v60;
	v22 =	vadd.f32 v32, v22  }
0x87: {  	v30 =	vld [tilespmem:s31+$0x8A0];
	[tilespmem:s31+$0x490] =	vst v31;
	v25 =	vmul.f32 v25, v60;
	v23 =	vadd.f32 v33, v23  }
0x88: {  	v31 =	vld [tilespmem:s31+$0x8B0];
	v26 =	vmul.f32 v26, v60;
	v24 =	vadd.f32 v34, v24;
	[tilespmem:s31+$0x4A0] =	vst v22  }
0x89: {  	v27 =	vmul.f32 v27, v60;
	v25 =	vadd.f32 v35, v25;
	v22 =	vld [tilespmem:s31+$0x8C0];
	[tilespmem:s31+$0x4B0] =	vst v23  }
0x8a: {  	v28 =	vmul.f32 v28, v60;
	v26 =	vadd.f32 v36, v26;
	v23 =	vld [tilespmem:s31+$0x8D0];
	[tilespmem:s31+$0x4C0] =	vst v24  }
0x8b: {  	v29 =	vmul.f32 v29, v60;
	v27 =	vadd.f32 v37, v27;
	v24 =	vld [tilespmem:s31+$0x8E0];
	[tilespmem:s31+$0x4D0] =	vst v25  }
0x8c: {  	v28 =	vadd.f32 v38, v28;
	v30 =	vmul.f32 v30, v60;
	v25 =	vld [tilespmem:s31+$0x8F0];
	[tilespmem:s31+$0x4E0] =	vst v26  }
0x8d: {  	v31 =	vmul.f32 v31, v60;
	v29 =	vadd.f32 v39, v29;
	v26 =	vld [tilespmem:s31+$0xC80];
	[tilespmem:s31+$0x4F0] =	vst v27  }
0x8e: {  	v56 =	vld [tilespmem:s31+$0x74E0];
	v30 =	vadd.f32 v40, v30;
	[tilespmem:s31+$0x880] =	vst v28;
	v22 =	vmul.f32 v22, v60  }
0x8f: {  	v28 =	vld [tilespmem:s31+$0xC90];
	v31 =	vadd.f32 v41, v31;
	[tilespmem:s31+$0x890] =	vst v29;
	v23 =	vmul.f32 v23, v60  }
0x90: {  	v57 =	vld [tilespmem:s31+$0x74F0];
	[tilespmem:s31+$0x8A0] =	vst v30;
	v24 =	vmul.f32 v24, v60;
	v22 =	vadd.f32 v42, v22  }
0x91: {  	v29 =	vld [tilespmem:s31+$0xCA0];
	[tilespmem:s31+$0x8B0] =	vst v31;
	v25 =	vmul.f32 v25, v60;
	v23 =	vadd.f32 v43, v23  }
0x92: {  	v27 =	vld [tilespmem:s31+$0x74B0];
	v26 =	vmul.f32 v26, v60;
	v24 =	vadd.f32 v44, v24;
	[tilespmem:s31+$0x8C0] =	vst v22  }
0x93: {  	s0 =	simm.s32 $0x0;
	v25 =	vadd.f32 v45, v25;
	v22 =	vld [tilespmem:s31+$0xCB0];
	[tilespmem:s31+$0x8D0] =	vst v23  }
0x94: {  	s30 =	simm.s32 $0x80;
	s1 =	smul.u32 $0x1800, s0;
	v28 =	vmul.f32 v28, v60;
	v26 =	vadd.f32 v46, v26;
	[tilespmem:s31+$0x8E0] =	vst v24;
	v24 =	vld [tilespmem:s31+$0xCC0]  }
0x95: {  	s29 =	sand.u32 $0x380, s30;
	[tilespmem:s31+$0x8F0] =	vst v25;
	v25 =	vld [tilespmem:s31+$0xCD0]  }
0x96: {  	s29 =	sor.u32 s29, s1;
	v31 =	vmul.f32 v29, v60;
	v21 =	vadd.f32 v21, v28;
	[tilespmem:s31+$0xC80] =	vst v26;
	v26 =	vld [tilespmem:s31+$0xCE0]  }
0x97: {  	v29 =	vld [tilespmem:s29+$0x6080]  }
0x98: {  	v20 =	vadd.f32 v20, v31;
	[tilespmem:s31+$0xC90] =	vst v21;
	v21 =	vld [tilespmem:s31+$0xCF0];
	v22 =	vmul.f32 v22, v60  }
0x99: {  	v32 =	vld [tilespmem:s29+$0x6090]  }
0x9a: {  	[tilespmem:s31+$0xCA0] =	vst v20;
	v20 =	vld [tilespmem:s31+$0x1080];
	v24 =	vmul.f32 v24, v60;
	v19 =	vadd.f32 v19, v22  }
0x9b: {  	v39 =	vld [tilespmem:s29+$0x60A0]  }
0x9c: {  	v22 =	vmul.f32 v25, v60;
	v18 =	vadd.f32 v18, v24;
	[tilespmem:s31+$0xCB0] =	vst v19;
	v19 =	vld [tilespmem:s31+$0x1090]  }
0x9d: {  	v51 =	vld [tilespmem:s29+$0x60B0]  }
0x9e: {  	v24 =	vmul.f32 v26, v60;
	v17 =	vadd.f32 v17, v22;
	[tilespmem:s31+$0xCC0] =	vst v18;
	v18 =	vld [tilespmem:s31+$0x10A0]  }
0x9f: {  	v52 =	vld [tilespmem:s29+$0x60C0]  }
0xa0: {  	v21 =	vmul.f32 v21, v60;
	v16 =	vadd.f32 v16, v24;
	[tilespmem:s31+$0xCD0] =	vst v17;
	v17 =	vld [tilespmem:s31+$0x10B0]  }
0xa1: {  	v46 =	vld [tilespmem:s29+$0x60D0]  }
0xa2: {  	v20 =	vmul.f32 v20, v60;
	v15 =	vadd.f32 v15, v21;
	[tilespmem:s31+$0xCE0] =	vst v16;
	v16 =	vld [tilespmem:s31+$0x10C0]  }
0xa3: {  	v43 =	vld [tilespmem:s29+$0x60E0]  }
0xa4: {  	v14 =	vadd.f32 v14, v20;
	[tilespmem:s31+$0xCF0] =	vst v15;
	v15 =	vld [tilespmem:s31+$0x10D0];
	v19 =	vmul.f32 v19, v60  }
0xa5: {  	v47 =	vld [tilespmem:s29+$0x60F0]  }
0xa6: {  	[tilespmem:s31+$0x1080] =	vst v14;
	v14 =	vld [tilespmem:s31+$0x10E0];
	v18 =	vmul.f32 v18, v60;
	v13 =	vadd.f32 v13, v19  }
0xa7: {  	v44 =	vld [tilespmem:s29+$0x6480]  }
0xa8: {  	v17 =	vmul.f32 v17, v60;
	v12 =	vadd.f32 v12, v18;
	[tilespmem:s31+$0x1090] =	vst v13;
	v13 =	vld [tilespmem:s31+$0x10F0]  }
0xa9: {  	v48 =	vld [tilespmem:s29+$0x6490]  }
0xaa: {  	v16 =	vmul.f32 v16, v60;
	v11 =	vadd.f32 v11, v17;
	[tilespmem:s31+$0x10A0] =	vst v12;
	v12 =	vld [tilespmem:s31+$0x1480]  }
0xab: {  	v45 =	vld [tilespmem:s29+$0x64A0]  }
0xac: {  	v15 =	vmul.f32 v15, v60;
	v10 =	vadd.f32 v10, v16;
	[tilespmem:s31+$0x10B0] =	vst v11;
	v11 =	vld [tilespmem:s31+$0x1490]  }
0xad: {  	v36 =	vld [tilespmem:s29+$0x64B0]  }
0xae: {  	v14 =	vmul.f32 v14, v60;
	v9 =	vadd.f32 v9, v15;
	[tilespmem:s31+$0x10C0] =	vst v10;
	v10 =	vld [tilespmem:s31+$0x14A0]  }
0xaf: {  	v31 =	vld [tilespmem:s29+$0x64C0]  }
0xb0: {  	v8 =	vadd.f32 v8, v14;
	[tilespmem:s31+$0x10D0] =	vst v9;
	v9 =	vld [tilespmem:s31+$0x14B0]  }
0xb1: {  	v37 =	vld [tilespmem:s29+$0x64D0]  }
0xb2: {  	v13 =	vmul.f32 v13, v60;
	[tilespmem:s31+$0x10E0] =	vst v8;
	v8 =	vld [tilespmem:s31+$0x14C0]  }
0xb3: {  	v23 =	vld [tilespmem:s31+$0x14D0];
	v12 =	vmul.f32 v12, v60  }
0xb4: {  	v54 =	vld [tilespmem:s31+$0x14E0];
	v7 =	vadd.f32 v7, v13;
	v11 =	vmul.f32 v11, v60  }
0xb5: {  	v30 =	vld [tilespmem:s31+$0x74D0];
	v6 =	vadd.f32 v6, v12;
	v10 =	vmul.f32 v10, v60  }
0xb6: {  	v40 =	vld [tilespmem:s29+$0x64E0];
	[tilespmem:s31+$0x10F0] =	vst v7;
	v5 =	vadd.f32 v5, v11;
	v9 =	vmul.f32 v9, v60  }
0xb7: {  	v49 =	vld [tilespmem:s29+$0x64F0];
	[tilespmem:s31+$0x1480] =	vst v6;
	v4 =	vadd.f32 v59, v10;
	v8 =	vmul.f32 v8, v60  }
0xb8: {  	v10 =	vmul.f32 v23, v60;
	v50 =	vld [tilespmem:s29+$0x6880];
	[tilespmem:s31+$0x1490] =	vst v5;
	v9 =	vadd.f32 v27, v9  }
0xb9: {  	v7 =	vmul.f32 v54, v60;
	v38 =	vld [tilespmem:s29+$0x6890];
	[tilespmem:s31+$0x14A0] =	vst v4;
	v8 =	vadd.f32 v2, v8  }
0xba: {  	v33 =	vld [tilespmem:s29+$0x68A0];
	[tilespmem:s31+$0x14B0] =	vst v9;
	v9 =	vadd.f32 v30, v10  }
0xbb: {  	v5 =	vadd.f32 v56, v7;
	v41 =	vld [tilespmem:s29+$0x68B0];
	[tilespmem:s31+$0x14C0] =	vst v8  }
0xbc: {  	v3 =	vmul.f32 v55, v60;
	v35 =	vld [tilespmem:s29+$0x68C0];
	[tilespmem:s31+$0x14D0] =	vst v9  }
0xbd: {  	v42 =	vld [tilespmem:s29+$0x68D0];
	[tilespmem:s31+$0x14E0] =	vst v5  }
0xbe: {  	v3 =	vadd.f32 v57, v3;
	v34 =	vld [tilespmem:s29+$0x68E0]  }
0xbf: {  	v13 =	vld [tilespmem:s29+$0x14B0]  }
0xc0: {  	[tilespmem:s31+$0x14F0] =	vst v3;
	v55 =	vld [tilespmem:s29+$0xCB0]  }
0xc1: {  	v30 =	vld [tilespmem:s29+$0x68F0]  }
0xc2: {  	v27 =	vld [tilespmem:s29+$0x6C80]  }
0xc3: {  	v26 =	vld [tilespmem:s29+$0x6C90]  }
0xc4: {  	v24 =	vld [tilespmem:s29+$0x6CA0]  }
0xc5: {  	v25 =	vld [tilespmem:s29+$0x6CB0]  }
0xc6: {  	v23 =	vld [tilespmem:s29+$0x6CC0]  }
0xc7: {  	v21 =	vld [tilespmem:s29+$0x6CD0]  }
0xc8: {  	v20 =	vld [tilespmem:s29+$0x6CE0]  }
0xc9: {  	v19 =	vld [tilespmem:s29+$0x6CF0]  }
0xca: {  	v18 =	vld [tilespmem:s29+$0x7080]  }
0xcb: {  	v17 =	vld [tilespmem:s29+$0x7090]  }
0xcc: {  	v16 =	vld [tilespmem:s29+$0x70A0]  }
0xcd: {  	v15 =	vld [tilespmem:s29+$0x70B0]  }
0xce: {  	v14 =	vld [tilespmem:s29+$0x70C0]  }
0xcf: {  	v12 =	vld [tilespmem:s29+$0x70D0]  }
0xd0: {  	v11 =	vld [tilespmem:s29+$0x70E0]  }
0xd1: {  	v10 =	vld [tilespmem:s29+$0x70F0]  }
0xd2: {  	v9 =	vld [tilespmem:s29+$0x7480]  }
0xd3: {  	v58 =	vld [tilespmem:s29+$0x7490]  }
0xd4: {  	v59 =	vld [tilespmem:s29+$0x74A0]  }
0xd5: {  	v60 =	vld [tilespmem:s29+$0x74B0]  }
0xd6: {  	v61 =	vld [tilespmem:s29+$0x74C0]  }
0xd7: {  	v62 =	vld [tilespmem:s29+$0x74D0]  }
0xd8: {  	v63 =	vld [tilespmem:s29+$0x14D0]  }
0xd9: {  	v22 =	vld [tilespmem:s29+$0x10F0]  }
0xda: {  	v28 =	vld [tilespmem:s29+$0x10D0]  }
0xdb: {  	v53 =	vld [tilespmem:s29+$0x1090]  }
0xdc: {  	v54 =	vld [tilespmem:s29+$0xCF0]  }
0xdd: {  	v56 =	vld [tilespmem:s29+$0xC90]  }
0xde: {  	v57 =	vld [tilespmem:s29+$0x8D0];
	[tilespmem:$0x1FF70] =	vst v58  }
0xdf: {  	[tilespmem:$0x1FF80] =	vst v59;
	v59 =	vld [tilespmem:s29+$0x8B0]  }
0xe0: {  	[tilespmem:$0x1FF90] =	vst v60;
	v60 =	vld [tilespmem:s29+$0x4F0]  }
0xe1: {  	[tilespmem:$0x1FFA0] =	vst v61;
	v61 =	vld [tilespmem:s29+$0x4D0]  }
0xe2: {  	[tilespmem:$0x1FFB0] =	vst v62;
	v62 =	vld [tilespmem:s29+$0x490]  }
0xe3: {  	s31 =	simm.s32 $0x2;
	[tilespmem:$0x1FFC0] =	vst v63;
	v63 =	vld [tilespmem:s29+$0xF0]  }
.LBB2_2:
0xe4: {  	v1 =	vld [tilespmem:s29+$0x80];
	s28 =	sadd.s32 $0x80, s28  }
0xe5: {  	v58 =	vld [tilespmem:s28+$0x0]  }
0xe6: {  	v2 =	vld [tilespmem:s29+$0x90]  }
0xe7: {  	v3 =	vld [tilespmem:s29+$0xA0]  }
0xe8: {  	v0 =	vld [tilespmem:s29+$0xB0]  }
0xe9: {  	v4 =	vld [tilespmem:s29+$0xC0]  }
0xea: {  	v5 =	vld [tilespmem:s29+$0xD0];
	v1 =	vmul.f32 v1, v58  }
0xeb: {  	v7 =	vld [tilespmem:s29+$0x480];
	v2 =	vmul.f32 v2, v58  }
0xec: {  	v3 =	vmul.f32 v3, v58;
	v1 =	vadd.f32 v29, v1  }
0xed: {  	v6 =	vld [tilespmem:s29+$0xE0];
	v0 =	vmul.f32 v0, v58;
	v2 =	vadd.f32 v32, v2  }
0xee: {  	v60 =	vmul.f32 v60, v58;
	v3 =	vadd.f32 v39, v3;
	[tilespmem:s29+$0x80] =	vst v1  }
0xef: {  	v4 =	vmul.f32 v4, v58;
	v0 =	vadd.f32 v51, v0;
	[tilespmem:s29+$0x90] =	vst v2  }
0xf0: {  	v8 =	vld [tilespmem:s29+$0x4A0];
	v5 =	vmul.f32 v5, v58;
	v51 =	vmul.f32 v7, v58;
	v7 =	vadd.f32 v49, v60;
	[tilespmem:s29+$0xA0] =	vst v3  }
0xf1: {  	v29 =	vld [tilespmem:s29+$0x4B0];
	v1 =	vadd.f32 v52, v4;
	[tilespmem:s29+$0xB0] =	vst v0  }
0xf2: {  	v32 =	vld [tilespmem:s29+$0x4C0];
	v4 =	vmul.f32 v6, v58;
	v2 =	vadd.f32 v46, v5;
	[tilespmem:s29+$0x4F0] =	vst v7  }
0xf3: {  	v63 =	vmul.f32 v63, v58;
	v39 =	vld [tilespmem:s29+$0x4E0];
	v0 =	vadd.f32 v44, v51;
	[tilespmem:s29+$0xC0] =	vst v1  }
0xf4: {  	v52 =	vmul.f32 v62, v58;
	v46 =	vld [tilespmem:s29+$0x880];
	v3 =	vadd.f32 v43, v4;
	[tilespmem:s29+$0xD0] =	vst v2  }
0xf5: {  	v62 =	vmul.f32 v8, v58;
	v8 =	vld [tilespmem:s29+$0x890];
	v4 =	vadd.f32 v47, v63;
	[tilespmem:s29+$0x480] =	vst v0  }
0xf6: {  	v5 =	vadd.f32 v48, v52;
	v47 =	vmul.f32 v61, v58;
	[tilespmem:s29+$0xE0] =	vst v3  }
0xf7: {  	v1 =	vadd.f32 v45, v62;
	v48 =	vld [tilespmem:s29+$0x8C0];
	v63 =	vmul.f32 v29, v58;
	[tilespmem:s29+$0xF0] =	vst v4  }
0xf8: {  	v49 =	vld [tilespmem:s29+$0xCD0];
	v45 =	vmul.f32 v32, v58;
	v6 =	vadd.f32 v37, v47;
	[tilespmem:s29+$0x490] =	vst v5  }
0xf9: {  	v29 =	vld [tilespmem:s29+$0x8A0];
	v52 =	vmul.f32 v39, v58;
	[tilespmem:s29+$0x4A0] =	vst v1;
	v51 =	vadd.f32 v36, v63  }
0xfa: {  	v44 =	vld [tilespmem:s29+$0xC80];
	v62 =	vadd.f32 v31, v45;
	v31 =	vmul.f32 v46, v58;
	v8 =	vmul.f32 v8, v58;
	[tilespmem:s29+$0x4D0] =	vst v6  }
0xfb: {  	v61 =	vld [tilespmem:s29+$0x8E0];
	v4 =	vadd.f32 v40, v52;
	[tilespmem:s29+$0x4B0] =	vst v51  }
0xfc: {  	v63 =	vld [tilespmem:s29+$0x8F0];
	v45 =	vadd.f32 v50, v31;
	v60 =	vadd.f32 v38, v8;
	v8 =	vmul.f32 v48, v58;
	[tilespmem:s29+$0x4C0] =	vst v62  }
0xfd: {  	v47 =	vld [tilespmem:s29+$0xCC0];
	v46 =	vmul.f32 v57, v58;
	[tilespmem:s29+$0x4E0] =	vst v4  }
0xfe: {  	v31 =	vmul.f32 v59, v58;
	v59 =	vld [tilespmem:s29+$0xCA0];
	v29 =	vmul.f32 v29, v58;
	v50 =	vadd.f32 v35, v8;
	[tilespmem:s29+$0x880] =	vst v45  }
0xff: {  	v57 =	vld [tilespmem:s29+$0x1480];
	v8 =	vadd.f32 v42, v46;
	[tilespmem:s29+$0x890] =	vst v60  }
0x100: {  	v51 =	vld [tilespmem:s29+$0xCE0];
	v48 =	vadd.f32 v33, v29;
	v29 =	vadd.f32 v41, v31;
	v31 =	vmul.f32 v61, v58;
	[tilespmem:s29+$0x8C0] =	vst v50  }
0x101: {  	v62 =	vld [tilespmem:s29+$0x1080];
	v32 =	vmul.f32 v63, v58;
	[tilespmem:s29+$0x8D0] =	vst v8  }
0x102: {  	v42 =	vld [tilespmem:s29+$0x10A0];
	v52 =	vadd.f32 v34, v31;
	v31 =	vmul.f32 v44, v58;
	[tilespmem:s29+$0x8A0] =	vst v48  }
0x103: {  	s1 =	sshrl.u32 s31, $0x3;
	v46 =	vld [tilespmem:s29+$0x10E0];
	v41 =	vmul.f32 v55, v58;
	v63 =	vadd.f32 v30, v32;
	v30 =	vmul.f32 v59, v58;
	[tilespmem:s29+$0x8B0] =	vst v29  }
0x104: {  	s30 =	sadd.s32 $0x80, s30;
	s1 =	smul.u32 $0x1800, s1;
	v61 =	vmul.f32 v56, v58;
	v56 =	vld [tilespmem:$0x1FF80];
	v43 =	vadd.f32 v27, v31;
	v27 =	vmul.f32 v47, v58;
	[tilespmem:s29+$0x8E0] =	vst v52  }
0x105: {  	s0 =	sand.u32 $0x380, s30;
	v31 =	vld [tilespmem:s29+$0x10B0];
	v44 =	vadd.f32 v24, v30;
	v24 =	vadd.f32 v25, v41;
	v25 =	vmul.f32 v49, v58;
	[tilespmem:s29+$0x8F0] =	vst v63  }
0x106: {  	s1 =	sor.u32 s0, s1;
	v30 =	vld [tilespmem:s29+$0x10C0];
	v45 =	vadd.f32 v23, v27;
	v23 =	vmul.f32 v51, v58;
	[tilespmem:s29+$0xC80] =	vst v43  }
0x107: {  	v47 =	vadd.f32 v21, v25;
	v25 =	vmul.f32 v53, v58;
	v29 =	vld [tilespmem:s1+$0x6080]  }
0x108: {  	v26 =	vadd.f32 v26, v61;
	v27 =	vmul.f32 v54, v58;
	v59 =	vadd.f32 v20, v23;
	v23 =	vld [tilespmem:s29+$0x1490]  }
0x109: {  	v17 =	vadd.f32 v17, v25;
	v25 =	vld [tilespmem:s29+$0x14A0]  }
0x10a: {  	v21 =	vmul.f32 v62, v58;
	[tilespmem:s29+$0xC90] =	vst v26;
	v19 =	vadd.f32 v19, v27;
	v27 =	vld [tilespmem:s29+$0x14C0]  }
0x10b: {  	v20 =	vmul.f32 v42, v58;
	v32 =	vld [tilespmem:s1+$0x6090];
	[tilespmem:s29+$0xCA0] =	vst v44  }
0x10c: {  	v18 =	vadd.f32 v18, v21;
	v21 =	vmul.f32 v31, v58;
	v39 =	vld [tilespmem:s1+$0x60A0];
	[tilespmem:s29+$0xCB0] =	vst v24  }
0x10d: {  	v60 =	vadd.f32 v16, v20;
	v51 =	vld [tilespmem:s1+$0x60B0]  }
0x10e: {  	v16 =	vmul.f32 v30, v58;
	[tilespmem:s29+$0xCC0] =	vst v45;
	v8 =	vadd.f32 v15, v21;
	v21 =	vmul.f32 v22, v58;
	v22 =	vld [tilespmem:s29+$0x14E0]  }
0x10f: {  	v20 =	vmul.f32 v28, v58;
	v52 =	vld [tilespmem:s1+$0x60C0]  }
0x110: {  	v61 =	vadd.f32 v14, v16;
	v16 =	vld [tilespmem:s29+$0x14F0]  }
0x111: {  	v15 =	vmul.f32 v46, v58;
	[tilespmem:s29+$0xCD0] =	vst v47;
	v12 =	vadd.f32 v12, v20;
	v20 =	vld [tilespmem:$0x1FF70]  }
0x112: {  	v14 =	vmul.f32 v57, v58;
	v46 =	vld [tilespmem:s1+$0x60D0]  }
0x113: {  	v62 =	vadd.f32 v11, v15;
	v15 =	vld [tilespmem:s29+$0x74E0]  }
0x114: {  	[tilespmem:s29+$0xCE0] =	vst v59;
	v10 =	vadd.f32 v10, v21;
	v21 =	vld [tilespmem:$0x1FFC0];
	v63 =	vadd.f32 v9, v14;
	v9 =	vmul.f32 v25, v58  }
0x115: {  	v43 =	vld [tilespmem:s1+$0x60E0]  }
0x116: {  	v7 =	vadd.f32 v56, v9;
	v9 =	vld [tilespmem:$0x1FF90]  }
0x117: {  	[tilespmem:s29+$0xCF0] =	vst v19;
	v14 =	vld [tilespmem:s29+$0x74F0]  }
0x118: {  	v47 =	vld [tilespmem:s1+$0x60F0];
	[tilespmem:s29+$0x1080] =	vst v18  }
0x119: {  	v13 =	vmul.f32 v13, v58;
	v44 =	vld [tilespmem:s1+$0x6480];
	[tilespmem:s29+$0x1090] =	vst v17  }
0x11a: {  	v48 =	vld [tilespmem:s1+$0x6490]  }
0x11b: {  	[tilespmem:s29+$0x10A0] =	vst v60;
	v9 =	vadd.f32 v9, v13;
	v13 =	vmul.f32 v22, v58;
	v22 =	vld [tilespmem:$0x1FFA0]  }
0x11c: {  	v11 =	vmul.f32 v23, v58;
	v45 =	vld [tilespmem:s1+$0x64A0];
	[tilespmem:s29+$0x10B0] =	vst v8  }
0x11d: {  	v36 =	vld [tilespmem:s1+$0x64B0];
	[tilespmem:s29+$0x10C0] =	vst v61  }
0x11e: {  	v11 =	vadd.f32 v20, v11;
	v20 =	vmul.f32 v27, v58;
	v31 =	vld [tilespmem:s1+$0x64C0];
	[tilespmem:s29+$0x10D0] =	vst v12  }
0x11f: {  	v37 =	vld [tilespmem:s1+$0x64D0]  }
0x120: {  	[tilespmem:s29+$0x10E0] =	vst v62;
	v20 =	vadd.f32 v22, v20;
	v22 =	vld [tilespmem:$0x1FFB0]  }
0x121: {  	v40 =	vld [tilespmem:s1+$0x64E0];
	[tilespmem:s29+$0x10F0] =	vst v10  }
0x122: {  	v49 =	vld [tilespmem:s1+$0x64F0];
	[tilespmem:s29+$0x1480] =	vst v63  }
0x123: {  	v21 =	vmul.f32 v21, v58;
	v50 =	vld [tilespmem:s1+$0x6880];
	[tilespmem:s29+$0x1490] =	vst v11  }
0x124: {  	v38 =	vld [tilespmem:s1+$0x6890];
	[tilespmem:s29+$0x14A0] =	vst v7  }
0x125: {  	v16 =	vmul.f32 v16, v58;
	v33 =	vld [tilespmem:s1+$0x68A0];
	[tilespmem:s29+$0x14B0] =	vst v9;
	v21 =	vadd.f32 v22, v21  }
0x126: {  	v57 =	vadd.f32 v15, v13;
	v41 =	vld [tilespmem:s1+$0x68B0];
	[tilespmem:s29+$0x14C0] =	vst v20  }
0x127: {  	v58 =	vadd.f32 v14, v16;
	v35 =	vld [tilespmem:s1+$0x68C0];
	[tilespmem:s29+$0x14D0] =	vst v21  }
0x128: {  	v42 =	vld [tilespmem:s1+$0x68D0];
	[tilespmem:s29+$0x14E0] =	vst v57  }
0x129: {  	v34 =	vld [tilespmem:s1+$0x68E0];
	[tilespmem:s29+$0x14F0] =	vst v58;
	s29 =	smov.u32 s1  }
0x12a: {  	v30 =	vld [tilespmem:s29+$0x68F0]  }
0x12b: {  	v27 =	vld [tilespmem:s29+$0x6C80]  }
0x12c: {  	v26 =	vld [tilespmem:s29+$0x6C90]  }
0x12d: {  	v24 =	vld [tilespmem:s29+$0x6CA0]  }
0x12e: {  	v25 =	vld [tilespmem:s29+$0x6CB0]  }
0x12f: {  	v23 =	vld [tilespmem:s29+$0x6CC0]  }
0x130: {  	v21 =	vld [tilespmem:s29+$0x6CD0]  }
0x131: {  	v20 =	vld [tilespmem:s29+$0x6CE0]  }
0x132: {  	v19 =	vld [tilespmem:s29+$0x6CF0]  }
0x133: {  	v18 =	vld [tilespmem:s29+$0x7080]  }
0x134: {  	v17 =	vld [tilespmem:s29+$0x7090]  }
0x135: {  	v16 =	vld [tilespmem:s29+$0x70A0]  }
0x136: {  	v15 =	vld [tilespmem:s29+$0x70B0]  }
0x137: {  	v14 =	vld [tilespmem:s29+$0x70C0]  }
0x138: {  	v12 =	vld [tilespmem:s29+$0x70D0]  }
0x139: {  	v11 =	vld [tilespmem:s29+$0x70E0]  }
0x13a: {  	v10 =	vld [tilespmem:s29+$0x70F0]  }
0x13b: {  	v9 =	vld [tilespmem:s29+$0x7480]  }
0x13c: {  	v0 =	vld [tilespmem:s29+$0x7490]  }
0x13d: {  	v59 =	vld [tilespmem:s29+$0x74A0]  }
0x13e: {  	v60 =	vld [tilespmem:s29+$0x74B0]  }
0x13f: {  	v61 =	vld [tilespmem:s29+$0x74C0]  }
0x140: {  	v62 =	vld [tilespmem:s29+$0x74D0]  }
0x141: {  	v63 =	vld [tilespmem:s29+$0x14D0]  }
0x142: {  	v13 =	vld [tilespmem:s29+$0x14B0]  }
0x143: {  	v22 =	vld [tilespmem:s29+$0x10F0]  }
0x144: {  	v28 =	vld [tilespmem:s29+$0x10D0]  }
0x145: {  	v53 =	vld [tilespmem:s29+$0x1090]  }
0x146: {  	v54 =	vld [tilespmem:s29+$0xCF0]  }
0x147: {  	v55 =	vld [tilespmem:s29+$0xCB0]  }
0x148: {  	v56 =	vld [tilespmem:s29+$0xC90]  }
0x149: {  	p0 =	sne.s32 s31, $0x1F;
	v57 =	vld [tilespmem:s29+$0x8D0];
	[tilespmem:$0x1FF70] =	vst v0  }
.Ltmp0:
0x14a: {  	[tilespmem:$0x1FF80] =	vst v59;
	v59 =	vld [tilespmem:s29+$0x8B0];
	(pc) =	sbr.rel @p0 .LBB2_2-.Ltmp0, $4  }
0x14b: {  	[tilespmem:$0x1FF90] =	vst v60;
	v60 =	vld [tilespmem:s29+$0x4F0]  }
0x14c: {  	[tilespmem:$0x1FFA0] =	vst v61;
	v61 =	vld [tilespmem:s29+$0x4D0]  }
0x14d: {  	[tilespmem:$0x1FFB0] =	vst v62;
	v62 =	vld [tilespmem:s29+$0x490]  }
0x14e: {  	s31 =	sadd.s32 $0x1, s31;
	[tilespmem:$0x1FFC0] =	vst v63;
	v63 =	vld [tilespmem:s29+$0xF0]  }
0x14f: {  	v0 =	vld [tilespmem:s29+$0x80];
	s0 =	sadd.s32 $0x80, s28  }
0x150: {  	v58 =	vld [tilespmem:s0+$0x0]  }
0x151: {  	v1 =	vld [tilespmem:s29+$0x90]  }
0x152: {  	v2 =	vld [tilespmem:s29+$0xA0]  }
0x153: {  	v3 =	vld [tilespmem:s29+$0xB0]  }
0x154: {  	v4 =	vld [tilespmem:s29+$0xC0]  }
0x155: {  	v5 =	vld [tilespmem:s29+$0xE0];
	v0 =	vmul.f32 v0, v58  }
0x156: {  	v1 =	vmul.f32 v1, v58  }
0x157: {  	v7 =	vld [tilespmem:s29+$0x4A0];
	v2 =	vmul.f32 v2, v58;
	v0 =	vadd.f32 v29, v0  }
0x158: {  	v6 =	vld [tilespmem:s29+$0x480];
	v3 =	vmul.f32 v3, v58;
	v1 =	vadd.f32 v32, v1  }
0x159: {  	v4 =	vmul.f32 v4, v58;
	v2 =	vadd.f32 v39, v2;
	[tilespmem:s29+$0x80] =	vst v0  }
0x15a: {  	v5 =	vmul.f32 v5, v58;
	v3 =	vadd.f32 v51, v3;
	[tilespmem:s29+$0x90] =	vst v1  }
0x15b: {  	v8 =	vmul.f32 v63, v58;
	v4 =	vadd.f32 v52, v4;
	[tilespmem:s29+$0xA0] =	vst v2  }
0x15c: {  	v7 =	vmul.f32 v7, v58;
	v32 =	vld [tilespmem:s29+$0xD0];
	v5 =	vadd.f32 v43, v5;
	[tilespmem:s29+$0xB0] =	vst v3  }
0x15d: {  	v6 =	vmul.f32 v6, v58;
	v8 =	vadd.f32 v47, v8;
	v47 =	vld [tilespmem:s29+$0x4B0];
	[tilespmem:s29+$0xC0] =	vst v4  }
0x15e: {  	v63 =	vmul.f32 v61, v58;
	v51 =	vld [tilespmem:s29+$0x4C0];
	v52 =	vmul.f32 v62, v58;
	v7 =	vadd.f32 v45, v7;
	[tilespmem:s29+$0xE0] =	vst v5  }
0x15f: {  	v6 =	vadd.f32 v44, v6;
	[tilespmem:s29+$0xF0] =	vst v8  }
0x160: {  	v62 =	vld [tilespmem:s29+$0x4E0];
	v39 =	vadd.f32 v48, v52;
	[tilespmem:s29+$0x4A0] =	vst v7;
	v7 =	vadd.f32 v37, v63;
	v63 =	vmul.f32 v56, v58  }
0x161: {  	v1 =	vld [tilespmem:s29+$0x880];
	[tilespmem:s29+$0x480] =	vst v6;
	v0 =	vmul.f32 v32, v58  }
0x162: {  	v2 =	vld [tilespmem:s29+$0x890];
	[tilespmem:s29+$0x490] =	vst v39;
	v26 =	vadd.f32 v26, v63;
	v29 =	vmul.f32 v47, v58  }
0x163: {  	v3 =	vld [tilespmem:s29+$0x8A0];
	[tilespmem:s29+$0x4D0] =	vst v7;
	v32 =	vmul.f32 v51, v58;
	v0 =	vadd.f32 v46, v0  }
0x164: {  	v45 =	vmul.f32 v60, v58;
	[tilespmem:s29+$0xC90] =	vst v26;
	v29 =	vadd.f32 v36, v29  }
0x165: {  	v4 =	vld [tilespmem:s29+$0x8C0];
	v44 =	vmul.f32 v62, v58;
	v31 =	vadd.f32 v31, v32;
	[tilespmem:s29+$0xD0] =	vst v0  }
0x166: {  	v1 =	vmul.f32 v1, v58;
	v32 =	vadd.f32 v49, v45;
	[tilespmem:s29+$0x4B0] =	vst v29  }
0x167: {  	v5 =	vld [tilespmem:s29+$0x8F0];
	v2 =	vmul.f32 v2, v58;
	v29 =	vadd.f32 v40, v44;
	[tilespmem:s29+$0x4C0] =	vst v31  }
0x168: {  	v8 =	vld [tilespmem:s29+$0xC80];
	v3 =	vmul.f32 v3, v58;
	v1 =	vadd.f32 v50, v1;
	[tilespmem:s29+$0x4F0] =	vst v32  }
0x169: {  	v52 =	vmul.f32 v59, v58;
	v2 =	vadd.f32 v38, v2;
	[tilespmem:s29+$0x4E0] =	vst v29  }
0x16a: {  	v6 =	vld [tilespmem:s29+$0xCA0];
	v4 =	vmul.f32 v4, v58;
	v3 =	vadd.f32 v33, v3;
	[tilespmem:s29+$0x880] =	vst v1  }
0x16b: {  	v59 =	vmul.f32 v57, v58;
	v47 =	vld [tilespmem:s29+$0x1080];
	v33 =	vadd.f32 v41, v52;
	[tilespmem:s29+$0x890] =	vst v2  }
0x16c: {  	v39 =	vld [tilespmem:s29+$0xCC0];
	v5 =	vmul.f32 v5, v58;
	v4 =	vadd.f32 v35, v4;
	[tilespmem:s29+$0x8A0] =	vst v3  }
0x16d: {  	v61 =	vld [tilespmem:s29+$0x14C0];
	v8 =	vmul.f32 v8, v58;
	v35 =	vadd.f32 v42, v59;
	[tilespmem:s29+$0x8B0] =	vst v33  }
0x16e: {  	v60 =	vld [tilespmem:s29+$0x14A0];
	v45 =	vmul.f32 v53, v58;
	v5 =	vadd.f32 v30, v5;
	[tilespmem:s29+$0x8C0] =	vst v4  }
0x16f: {  	v43 =	vmul.f32 v54, v58;
	v54 =	vld [tilespmem:$0x1FF70];
	v8 =	vadd.f32 v27, v8;
	v30 =	vmul.f32 v6, v58;
	[tilespmem:s29+$0x8D0] =	vst v35  }
0x170: {  	v51 =	vld [tilespmem:s29+$0x10E0];
	v38 =	vmul.f32 v55, v58;
	v44 =	vmul.f32 v47, v58;
	v47 =	vadd.f32 v17, v45;
	[tilespmem:s29+$0x8F0] =	vst v5  }
0x171: {  	v36 =	vld [tilespmem:s29+$0xCD0];
	v39 =	vmul.f32 v39, v58;
	[tilespmem:s29+$0xC80] =	vst v8;
	v5 =	vadd.f32 v24, v30  }
0x172: {  	v46 =	vld [tilespmem:s29+$0xCE0];
	v52 =	vmul.f32 v22, v58;
	v8 =	vadd.f32 v25, v38;
	[tilespmem:s29+$0x1090] =	vst v47  }
0x173: {  	v48 =	vld [tilespmem:s29+$0x10A0];
	v23 =	vadd.f32 v23, v39;
	[tilespmem:s29+$0xCA0] =	vst v5  }
0x174: {  	v49 =	vld [tilespmem:s29+$0x10B0];
	v7 =	vadd.f32 v10, v52;
	[tilespmem:s29+$0xCB0] =	vst v8  }
0x175: {  	v59 =	vld [tilespmem:$0x1FF90];
	v1 =	vmul.f32 v51, v58;
	v18 =	vadd.f32 v18, v44;
	[tilespmem:s29+$0xCC0] =	vst v23  }
0x176: {  	v0 =	vld [tilespmem:s29+$0x8E0];
	v41 =	vmul.f32 v36, v58;
	v8 =	vadd.f32 v19, v43;
	[tilespmem:s29+$0x10F0] =	vst v7  }
0x177: {  	v56 =	vld [tilespmem:$0x1FF80];
	v42 =	vmul.f32 v46, v58;
	v1 =	vadd.f32 v11, v1;
	[tilespmem:s29+$0x1080] =	vst v18  }
0x178: {  	v57 =	vmul.f32 v61, v58;
	v50 =	vld [tilespmem:s29+$0x10C0];
	v55 =	vmul.f32 v13, v58;
	v21 =	vadd.f32 v21, v41;
	[tilespmem:s29+$0xCF0] =	vst v8  }
0x179: {  	v61 =	vld [tilespmem:$0x1FFA0];
	v46 =	vmul.f32 v48, v58;
	v48 =	vmul.f32 v49, v58;
	v5 =	vadd.f32 v20, v42;
	[tilespmem:s29+$0x10E0] =	vst v1  }
0x17a: {  	v53 =	vmul.f32 v60, v58;
	v3 =	vld [tilespmem:s29+$0x1490];
	v4 =	vadd.f32 v59, v55;
	[tilespmem:s29+$0xCD0] =	vst v21  }
0x17b: {  	v2 =	vld [tilespmem:s29+$0x1480];
	v0 =	vmul.f32 v0, v58;
	v8 =	vadd.f32 v15, v48;
	[tilespmem:s29+$0xCE0] =	vst v5  }
0x17c: {  	v62 =	vld [tilespmem:s29+$0x14E0];
	v1 =	vadd.f32 v56, v53;
	[tilespmem:s29+$0x14B0] =	vst v4  }
0x17d: {  	v60 =	vld [tilespmem:$0x1FFC0];
	v49 =	vmul.f32 v50, v58;
	v0 =	vadd.f32 v34, v0;
	[tilespmem:s29+$0x10B0] =	vst v8  }
0x17e: {  	v35 =	vld [tilespmem:s29+$0x74E0];
	v50 =	vmul.f32 v28, v58;
	v5 =	vadd.f32 v16, v46;
	[tilespmem:s29+$0x14A0] =	vst v1  }
0x17f: {  	v14 =	vadd.f32 v14, v49;
	v3 =	vmul.f32 v3, v58;
	[tilespmem:s29+$0x8E0] =	vst v0;
	v0 =	vld [tilespmem:s29+$0x14F0]  }
0x180: {  	v63 =	vld [tilespmem:$0x1FFB0];
	v51 =	vadd.f32 v12, v50;
	v2 =	vmul.f32 v2, v58;
	[tilespmem:s29+$0x10A0] =	vst v5  }
0x181: {  	v40 =	vld [tilespmem:s29+$0x74F0];
	v62 =	vmul.f32 v62, v58;
	[tilespmem:s29+$0x10C0] =	vst v14;
	v3 =	vadd.f32 v54, v3  }
0x182: {  	[tilespmem:s29+$0x10D0] =	vst v51;
	v2 =	vadd.f32 v9, v2  }
0x183: {  	v1 =	vadd.f32 v35, v62;
	[tilespmem:s29+$0x1490] =	vst v3;
	v3 =	vmul.f32 v60, v58  }
0x184: {  	[tilespmem:s29+$0x1480] =	vst v2;
	v2 =	vadd.f32 v61, v57;
	v0 =	vmul.f32 v0, v58  }
0x185: {  	[tilespmem:s29+$0x14E0] =	vst v1;
	v3 =	vadd.f32 v63, v3  }
0x186: {  	s26 =	sadd.s32 $0x1, s26;
	[tilespmem:s29+$0x14C0] =	vst v2;
	v0 =	vadd.f32 v40, v0  }
0x187: {  	p0 =	sne.s32 s26, s10;
	[tilespmem:s29+$0x14D0] =	vst v3  }
.Ltmp1:
0x188: {  	[tilespmem:s29+$0x14F0] =	vst v0;
	(pc) =	sbr.rel @p0 .LBB2_1-.Ltmp1, $4  }
0x189: {  	[hbm4b:s9+s2] =	stream.linear.scatter [tilespmem:s13], [sflag:$0x2], $0x6000, $0x38;
	[tilespmem:$0xD080] =	vst v63  }
0x18a: {  	_ =	swait.ge [sflag:s11], $0x6000  }
0x18b: {  	[sflag:s11] =	ssyncset.done $0x0  }
0x18c: {  	[sflag:s11] =	ssyncadd.s32 $0xFFFFA000  }
0x18d: {  	_ =	sfence.sel $0x180000  }
0x18e: {  	[bflag:$0x0] =	sbarrier.arrive $0xFFFF  }
0x18f: {  	_ =	strace $0x9000004A  }
0x190: {  	s0 =	stileid.u32;
	[bflag:$0x2] =	sbarrier.arrive $0xFFFF  }
0x191: {  	p0 =	sne.s32 s0, $0x0;
	s0 =	rddreg [dreg:$0x2]  }
0x192: {  	s0 =	sadd.s32 @!p0 $0x100000, s0  }
0x193: {  	[sflag:s0] =	ssyncadd.tile.s32 @!p0 $0x1;
	_ =	shalt  }
.Lfunc_end2:
_tile_overlayer_lowered:
.L_overlay_start_2:
0x194: {  	(tag) =	ssettag $0x2  }
0x195: {  	s0 =	rddreg [dreg:$0x0];
	s2 =	stileid.u32  }
0x196: {  	s1 =	rddreg [dreg:$0x1];
	p0 =	sne.s32 s2, $0x0  }
0x197: {  	s3 =	rddreg [dreg:$0x2];
	[bflag:$0x3] =	sbarrier.arrive $0xFFFF;
	s2 =	simm.s32 @!p0 $0x1C02  }
0x198: {  	[timem:s3], [sflag:s2] =	dma.local @!p0 [hbm:s0], s1  }
0x199: {  	s0 =	simm.s32 @!p0 $0x2  }
0x19a: {  	_ =	swait.ge @!p0 [sflag:s0], s1  }
0x19b: {  	s1 =	ssub.s32 @!p0 $0x0, s1;
	[sflag:s0] =	ssyncset.done @!p0 $0x0  }
0x19c: {  	[sflag:s0] =	ssyncadd.s32 @!p0 s1  }
0x19d: {  	[bflag:$0x3] =	sbarrier.arrive $0xFFFF  }
0x19e: {  	_ =	shalt  }

</sc_bundles>
